<compile_context>
chip_gen: v7x
topology: tpu7x:2x2x1
jax: 0.10.2.dev20260603
libtpu: 0.0.44.dev20260713+nightly
codegen_flags: <defaults>
</compile_context>

<pallas_src>
import functools

import jax
import jax.numpy as jnp
from jax import lax
from jax.experimental import pallas as pl
from jax.experimental.pallas import tpu as pltpu
from jax.experimental.pallas import tpu_sc as plsc

N = 10000
E = 320000
H = 128
NC, NS = 2, 16
NW = NC * NS

EPT = E // NW
EPS = E // NS
CHUNK = 32
NCH = 625
RING = 5
NGRP = NCH // RING
E2 = NS * NCH * CHUNK
NPAD = 64
RPT = 632

_MESH = plsc.VectorSubcoreMesh(
    core_axis_name="c", subcore_axis_name="s", num_cores=NC, num_subcores=NS)


@functools.partial(
    pl.kernel,
    out_type=jax.ShapeDtypeStruct((NW, N), jnp.float32),
    mesh=_MESH,
    compiler_params=pltpu.CompilerParams(needs_layout_passes=False),
    scratch_types=[
        pltpu.VMEM((EPT,), jnp.int32),
        pltpu.VMEM((N,), jnp.float32),
    ],
)
def _deg_kernel(dst_hbm, out_hbm, idx_v, acc_v):
    c = lax.axis_index("c")
    s = lax.axis_index("s")
    wid = s * NC + c

    zeros = jnp.zeros((16,), jnp.float32)

    def zbody(i, carry):
        acc_v[pl.ds(i * 16, 16)] = zeros
        return carry

    lax.fori_loop(0, N // 16, zbody, 0)

    pltpu.sync_copy(dst_hbm.at[pl.ds(wid * EPT, EPT)], idx_v)

    ones = jnp.ones((16,), jnp.float32)

    def body(i, carry):
        idx = idx_v[pl.ds(i * 16, 16)]
        plsc.addupdate_scatter(acc_v, [idx], ones)
        return carry

    lax.fori_loop(0, EPT // 16, body, 0)

    pltpu.sync_copy(acc_v, out_hbm.at[wid])


def _h2_body(x_ref, w_ref, degpt_ref, h2_ref, dinv_ref):
    deg = jnp.sum(degpt_ref[...], axis=1, keepdims=True) + 1.0
    dinv = lax.rsqrt(deg)
    h = jnp.dot(x_ref[...], w_ref[...], preferred_element_type=jnp.float32)
    h2_ref[...] = (h * dinv)[None]
    dinv_ref[...] = dinv


def _h2_call(x, w, degpt):
    return pl.pallas_call(
        _h2_body,
        grid=(10, 2),
        in_specs=[
            pl.BlockSpec((1000, 128), lambda i, c: (i, 0)),
            pl.BlockSpec((128, H), lambda i, c: (0, c)),
            pl.BlockSpec((1000, NW), lambda i, c: (i, 0)),
        ],
        out_specs=[
            pl.BlockSpec((1, 1000, H), lambda i, c: (c, i, 0)),
            pl.BlockSpec((1000, 1), lambda i, c: (i, 0)),
        ],
        out_shape=[
            jax.ShapeDtypeStruct((NC, N, H), jnp.float32),
            jax.ShapeDtypeStruct((N, 1), jnp.float32),
        ],
    )(x, w, degpt)


@functools.partial(
    pl.kernel,
    out_type=jax.ShapeDtypeStruct((NC, N, H), jnp.float32),
    mesh=_MESH,
    scratch_types=(
        [pltpu.VMEM_SHARED((N + NPAD, H), jnp.float32)]
        + [pltpu.VMEM((CHUNK, H), jnp.float32) for _ in range(RING)]
        + [pltpu.VMEM((CHUNK,), jnp.int32) for _ in range(3 * RING)]
        + [pltpu.SemaphoreType.DMA for _ in range(3 * RING)]
    ),
)
def _scat_kernel(h2_hbm, combr_hbm, out_hbm, acc_s, *rest):
    rows = rest[:RING]
    cidx = rest[RING:2 * RING]
    sidx = rest[2 * RING:3 * RING]
    didx = rest[3 * RING:4 * RING]
    gsem = rest[4 * RING:5 * RING]
    ssem = rest[5 * RING:6 * RING]
    csem = rest[6 * RING:]
    c = lax.axis_index("c")
    s = lax.axis_index("s")
    off = jnp.minimum(s * RPT, N - RPT)

    pltpu.sync_copy(h2_hbm.at[c, pl.ds(off, RPT), :], acc_s.at[pl.ds(off, RPT), :])
    plsc.subcore_barrier()

    def unpack(b):
        for t in range(CHUNK // 16):
            sl = pl.ds(t * 16, 16)
            v = cidx[b][sl]
            sidx[b][sl] = jnp.bitwise_and(v, 16383)
            didx[b][sl] = lax.shift_right_logical(v, 14)

    def run(tbl):
        for b in range(RING):
            pltpu.async_copy(combr_hbm.at[s, b], cidx[b], csem[b])
        for b in range(RING):
            pltpu.make_async_copy(combr_hbm.at[s, 0], cidx[b], csem[b]).wait()
            unpack(b)
            pltpu.async_copy(tbl.at[sidx[b]], rows[b], gsem[b])
            pltpu.async_copy(combr_hbm.at[s, RING + b], cidx[b], csem[b])

        def body(k, carry):
            for b in range(RING):
                pltpu.make_async_copy(tbl.at[pl.ds(0, CHUNK)], rows[b], gsem[b]).wait()
                pltpu.async_copy(rows[b], acc_s.at[didx[b]], ssem[b], add=True)

            @pl.when(k < NGRP - 1)
            def _():
                for b in range(RING):
                    j2 = (k + 1) * RING + b
                    pltpu.make_async_copy(rows[b], acc_s.at[didx[b]], ssem[b]).wait()
                    pltpu.make_async_copy(combr_hbm.at[s, 0], cidx[b], csem[b]).wait()
                    unpack(b)
                    pltpu.async_copy(tbl.at[sidx[b]], rows[b], gsem[b])

                    @pl.when(k < NGRP - 2)
                    def _():
                        pltpu.async_copy(
                            combr_hbm.at[s, j2 + RING], cidx[b], csem[b])

            return carry

        lax.fori_loop(0, NGRP, body, 0)
        for b in range(RING):
            pltpu.make_async_copy(rows[b], acc_s.at[didx[b]], ssem[b]).wait()

    @pl.when(c == 0)
    def _():
        run(h2_hbm.at[0])

    @pl.when(c == 1)
    def _():
        run(h2_hbm.at[1])

    plsc.subcore_barrier()
    pltpu.sync_copy(acc_s.at[pl.ds(off, RPT), :], out_hbm.at[c, pl.ds(off, RPT), :])


def _fin_body(agg_ref, dinv_ref, bias_ref, w1_ref, b1_ref, w2_ref, b2_ref,
              w3_ref, b3_ref, w4_ref, b4_ref,
              g1_ref, be1_ref, g2_ref, be2_ref, s_acc):
    i = pl.program_id(0)

    @pl.when(i == 0)
    def _():
        s_acc[...] = jnp.zeros_like(s_acc)

    t = agg_ref[...] * dinv_ref[...][None] + bias_ref[...]
    t = jnp.maximum(t, 0.0)
    s_acc[...] += jnp.sum(t, axis=1)

    @pl.when(i == pl.num_programs(0) - 1)
    def _():
        s0 = s_acc[0:1, :]
        s1 = s_acc[1:2, :]

        def head(w_ref, b_ref):
            w = w_ref[...]
            dn = (((1,), (1,)), ((), ()))
            r = (lax.dot_general(s0, w[:, :H], dn, preferred_element_type=jnp.float32)
                 + lax.dot_general(s1, w[:, H:], dn, preferred_element_type=jnp.float32))
            return jnp.tanh(r + b_ref[...])

        g1_ref[...] = head(w1_ref, b1_ref)
        be1_ref[...] = head(w2_ref, b2_ref)
        g2_ref[...] = head(w3_ref, b3_ref)
        be2_ref[...] = head(w4_ref, b4_ref)


def _fin_call(agg, dinv, bias2, w1, b1, w2, b2, w3, b3, w4, b4):
    full = lambda shape: pl.BlockSpec(shape, lambda i: tuple(0 for _ in shape))
    return pl.pallas_call(
        _fin_body,
        grid=(10,),
        in_specs=[
            pl.BlockSpec((NC, 1000, H), lambda i: (0, i, 0)),
            pl.BlockSpec((1000, 1), lambda i: (i, 0)),
            full((NC, 1, H)),
            full((256, 256)), full((1, 256)),
            full((256, 256)), full((1, 256)),
            full((128, 256)), full((1, 128)),
            full((128, 256)), full((1, 128)),
        ],
        out_specs=[full((1, 256)), full((1, 256)), full((1, 128)), full((1, 128))],
        out_shape=[
            jax.ShapeDtypeStruct((1, 256), jnp.float32),
            jax.ShapeDtypeStruct((1, 256), jnp.float32),
            jax.ShapeDtypeStruct((1, 128), jnp.float32),
            jax.ShapeDtypeStruct((1, 128), jnp.float32),
        ],
        scratch_shapes=[pltpu.VMEM((NC, H), jnp.float32)],
    )(agg, dinv, bias2, w1, b1, w2, b2, w3, b3, w4, b4)


def kernel(x, edge_index, conv1_weight, conv1_bias, fc1_weight, fc1_bias,
           fc2_weight, fc2_bias, fc3_weight, fc3_bias, fc4_weight, fc4_bias):
    src = edge_index[0]
    dst = edge_index[1]

    degp = _deg_kernel(dst)
    degpt = degp.T
    h2, dinv = _h2_call(x, conv1_weight, degpt)
    comb = src + (dst << 14)
    pad = (N + (jnp.arange(E2 - E, dtype=jnp.int32) % NPAD)) << 14
    comb = jnp.concatenate([comb, pad])
    agg = _scat_kernel(h2, comb.reshape(NS, NCH, CHUNK))

    bias2 = conv1_bias.reshape(NC, 1, H)
    g1, b1, g2, b2 = _fin_call(
        agg, dinv, bias2,
        fc1_weight, fc1_bias.reshape(1, -1),
        fc2_weight, fc2_bias.reshape(1, -1),
        fc3_weight, fc3_bias.reshape(1, -1),
        fc4_weight, fc4_bias.reshape(1, -1),
    )
    return (g1.reshape(-1), b1.reshape(-1), g2.reshape(-1), b2.reshape(-1))

# --- scband reference (transcript-rebuilt; emitter-appended) ---
"""Pipeline reference for scband-lamp-signature-33861522161705 (READ-ONLY COPY).

The authoritative reference and input builder live on the scoring server;
editing this copy changes nothing except your own understanding.
"""

import jax, jax.numpy as jnp
import numpy as np

N_NODES = 10000
N_EDGES = 320000
IN_CH = 128
OUT_CH = 128


def setup_inputs(seed: int = 0) -> dict:
    key = jax.random.key(seed)
    ks = jax.random.split(key, 12)
    x = jax.random.normal(ks[0], (N_NODES, IN_CH), dtype=jnp.float32)
    edge_index = jax.random.randint(ks[1], (2, N_EDGES), 0, N_NODES, dtype=jnp.int32)
    # MetaGCNConv weight (in, 2*out) used as x @ W (pyg GCNConv convention)
    conv1_weight = jax.random.normal(ks[2], (IN_CH, 2 * OUT_CH), dtype=jnp.float32) * (1.0 / np.sqrt(IN_CH))
    conv1_bias = jax.random.normal(ks[3], (2 * OUT_CH,), dtype=jnp.float32) * 0.01
    # nn.Linear weights (out, in) used as F.linear: x @ W.T + b
    fc1_weight = jax.random.normal(ks[4], (2 * OUT_CH, 2 * OUT_CH), dtype=jnp.float32) * (1.0 / np.sqrt(2 * OUT_CH))
    fc1_bias = jax.random.normal(ks[5], (2 * OUT_CH,), dtype=jnp.float32) * 0.01
    fc2_weight = jax.random.normal(ks[6], (2 * OUT_CH, 2 * OUT_CH), dtype=jnp.float32) * (1.0 / np.sqrt(2 * OUT_CH))
    fc2_bias = jax.random.normal(ks[7], (2 * OUT_CH,), dtype=jnp.float32) * 0.01
    fc3_weight = jax.random.normal(ks[8], (OUT_CH, 2 * OUT_CH), dtype=jnp.float32) * (1.0 / np.sqrt(2 * OUT_CH))
    fc3_bias = jax.random.normal(ks[9], (OUT_CH,), dtype=jnp.float32) * 0.01
    fc4_weight = jax.random.normal(ks[10], (OUT_CH, 2 * OUT_CH), dtype=jnp.float32) * (1.0 / np.sqrt(2 * OUT_CH))
    fc4_bias = jax.random.normal(ks[11], (OUT_CH,), dtype=jnp.float32) * 0.01
    return {
        'x': x, 'edge_index': edge_index,
        'conv1_weight': conv1_weight, 'conv1_bias': conv1_bias,
        'fc1_weight': fc1_weight, 'fc1_bias': fc1_bias,
        'fc2_weight': fc2_weight, 'fc2_bias': fc2_bias,
        'fc3_weight': fc3_weight, 'fc3_bias': fc3_bias,
        'fc4_weight': fc4_weight, 'fc4_bias': fc4_bias,
    }


def _gcn_conv(x, edge_index, weight, bias):
    # GCNConv with added self-loops and symmetric normalization
    n = x.shape[0]
    loop = jnp.arange(n, dtype=edge_index.dtype)
    src = jnp.concatenate([edge_index[0], loop])
    dst = jnp.concatenate([edge_index[1], loop])
    deg = jax.ops.segment_sum(jnp.ones_like(dst, dtype=x.dtype), dst, num_segments=n)
    dinv = jnp.where(deg > 0, 1.0 / jnp.sqrt(jnp.where(deg > 0, deg, 1.0)), 0.0)
    norm = dinv[src] * dinv[dst]
    h = x @ weight
    msg = h[src] * norm[:, None]
    out = jax.ops.segment_sum(msg, dst, num_segments=n)
    return out + bias


def reference(x, edge_index, conv1_weight, conv1_bias, fc1_weight, fc1_bias,
              fc2_weight, fc2_bias, fc3_weight, fc3_bias, fc4_weight, fc4_bias):
    h = jax.nn.relu(_gcn_conv(x, edge_index, conv1_weight, conv1_bias))
    s = h.sum(0)
    x_gamma_1 = jnp.tanh(s @ fc1_weight.T + fc1_bias)
    x_beta_1 = jnp.tanh(s @ fc2_weight.T + fc2_bias)
    x_gamma_2 = jnp.tanh(s @ fc3_weight.T + fc3_bias)
    x_beta_2 = jnp.tanh(s @ fc4_weight.T + fc4_bias)
    return (x_gamma_1, x_beta_1, x_gamma_2, x_beta_2)

if __name__ == "__main__":
    import jax
    _d = setup_inputs()
    print(jax.jit(kernel)(*tuple(_d.values())))

</pallas_src>

<mosaic_0001>
#map = affine_map<(d0, d1) -> (0, 0, 0)>
module attributes {stable_mosaic.version = 14 : i64} {
  func.func @_scat_kernel(%arg0: i32, %arg1: i32, %arg2: memref<2x10000x128xf32, #tpu.memory_space<hbm>>, %arg3: memref<16x625x32xi32, #tpu.memory_space<hbm>>, %arg4: memref<2x10000x128xf32, #tpu.memory_space<hbm>>, %arg5: memref<10064x128xf32, #tpu.memory_space<vmem_shared>>, %arg6: memref<32x128xf32, #tpu.memory_space<vmem>>, %arg7: memref<32x128xf32, #tpu.memory_space<vmem>>, %arg8: memref<32x128xf32, #tpu.memory_space<vmem>>, %arg9: memref<32x128xf32, #tpu.memory_space<vmem>>, %arg10: memref<32x128xf32, #tpu.memory_space<vmem>>, %arg11: memref<32xi32, #tpu.memory_space<vmem>>, %arg12: memref<32xi32, #tpu.memory_space<vmem>>, %arg13: memref<32xi32, #tpu.memory_space<vmem>>, %arg14: memref<32xi32, #tpu.memory_space<vmem>>, %arg15: memref<32xi32, #tpu.memory_space<vmem>>, %arg16: memref<32xi32, #tpu.memory_space<vmem>>, %arg17: memref<32xi32, #tpu.memory_space<vmem>>, %arg18: memref<32xi32, #tpu.memory_space<vmem>>, %arg19: memref<32xi32, #tpu.memory_space<vmem>>, %arg20: memref<32xi32, #tpu.memory_space<vmem>>, %arg21: memref<32xi32, #tpu.memory_space<vmem>>, %arg22: memref<32xi32, #tpu.memory_space<vmem>>, %arg23: memref<32xi32, #tpu.memory_space<vmem>>, %arg24: memref<32xi32, #tpu.memory_space<vmem>>, %arg25: memref<32xi32, #tpu.memory_space<vmem>>, %arg26: memref<!tpu.dma_semaphore, #tpu.memory_space<semaphore_mem>>, %arg27: memref<!tpu.dma_semaphore, #tpu.memory_space<semaphore_mem>>, %arg28: memref<!tpu.dma_semaphore, #tpu.memory_space<semaphore_mem>>, %arg29: memref<!tpu.dma_semaphore, #tpu.memory_space<semaphore_mem>>, %arg30: memref<!tpu.dma_semaphore, #tpu.memory_space<semaphore_mem>>, %arg31: memref<!tpu.dma_semaphore, #tpu.memory_space<semaphore_mem>>, %arg32: memref<!tpu.dma_semaphore, #tpu.memory_space<semaphore_mem>>, %arg33: memref<!tpu.dma_semaphore, #tpu.memory_space<semaphore_mem>>, %arg34: memref<!tpu.dma_semaphore, #tpu.memory_space<semaphore_mem>>, %arg35: memref<!tpu.dma_semaphore, #tpu.memory_space<semaphore_mem>>, %arg36: memref<!tpu.dma_semaphore, #tpu.memory_space<semaphore_mem>>, %arg37: memref<!tpu.dma_semaphore, #tpu.memory_space<semaphore_mem>>, %arg38: memref<!tpu.dma_semaphore, #tpu.memory_space<semaphore_mem>>, %arg39: memref<!tpu.dma_semaphore, #tpu.memory_space<semaphore_mem>>, %arg40: memref<!tpu.dma_semaphore, #tpu.memory_space<semaphore_mem>>) attributes {dimension_semantics = [#tpu.dimension_semantics<core_parallel>, #tpu.dimension_semantics<subcore_parallel>], iteration_bounds = array<i64: 2, 16>, scalar_prefetch = 0 : i64, scratch_operands = 36 : i64, tpu.core_type = #tpu.core_type<sc_vector_subcore>, window_params = [{transform_indices = #map}, {transform_indices = #map}, {transform_indices = #map}]} {
    %mul3A = arith.constant 632 : i32
    %mul3A_0 = arith.muli %arg1, %mul3A : i32
    %min3A = arith.constant 9368 : i32
    %min3A_1 = arith.minsi %mul3A_0, %min3A : i32
    "tpu.region"() ({
      %run_scoped3A = tpu.sem_alloc : memref<!tpu.dma_semaphore, #tpu.memory_space<semaphore_mem>>
      %dma_start3A = arith.constant 0 : i32
      %dma_start3A_10 = tpu.memref_slice %arg5[%min3A_1, %dma_start3A] : memref<10064x128xf32, #tpu.memory_space<vmem_shared>> -> memref<632x128xf32, #tpu.memory_space<vmem_shared>>
      %dma_start3A_11 = arith.constant 0 : i32
      %dma_start3A_12 = tpu.memref_slice %arg2[%arg0, %min3A_1, %dma_start3A_11] : memref<2x10000x128xf32, #tpu.memory_space<hbm>> -> memref<1x632x128xf32, #tpu.memory_space<hbm>>
      %dma_start3A_13 = tpu.memref_squeeze %dma_start3A_12 : memref<1x632x128xf32, #tpu.memory_space<hbm>> -> memref<632x128xf32, #tpu.memory_space<hbm>>
      tpu.enqueue_dma source(%dma_start3A_13 : memref<632x128xf32, #tpu.memory_space<hbm>>) target(%dma_start3A_10 : memref<632x128xf32, #tpu.memory_space<vmem_shared>>) target_semaphore(%run_scoped3A : memref<!tpu.dma_semaphore, #tpu.memory_space<semaphore_mem>>)
      %dma_wait3A = arith.constant 0 : i32
      %dma_wait3A_14 = tpu.memref_slice %arg5[%min3A_1, %dma_wait3A] : memref<10064x128xf32, #tpu.memory_space<vmem_shared>> -> memref<632x128xf32, #tpu.memory_space<vmem_shared>>
      %dma_wait3A_15 = arith.constant 0 : i32
      %dma_wait3A_16 = tpu.memref_slice %arg2[%arg0, %min3A_1, %dma_wait3A_15] : memref<2x10000x128xf32, #tpu.memory_space<hbm>> -> memref<1x632x128xf32, #tpu.memory_space<hbm>>
      %dma_wait3A_17 = tpu.memref_squeeze %dma_wait3A_16 : memref<1x632x128xf32, #tpu.memory_space<hbm>> -> memref<632x128xf32, #tpu.memory_space<hbm>>
      tpu.wait_dma2 semaphore(%run_scoped3A : memref<!tpu.dma_semaphore, #tpu.memory_space<semaphore_mem>>) src(%dma_wait3A_17 : memref<632x128xf32, #tpu.memory_space<hbm>>) dst(%dma_wait3A_14 : memref<632x128xf32, #tpu.memory_space<vmem_shared>>)
      tpu.yield
    }) : () -> ()
    %barrier3A = arith.constant 0 : index
    tpu.barrier barrier_id(%barrier3A)
    %eq3A = arith.constant 0 : i32
    %eq3A_2 = arith.cmpi eq, %arg0, %eq3A : i32
    %convert_element_type3A = arith.extui %eq3A_2 : i1 to i32
    %cond3A = arith.constant 0 : i32
    %cond3A_3 = arith.cmpi ne, %convert_element_type3A, %cond3A : i32
    scf.if %cond3A_3 {
      %dma_start3A = arith.constant 0 : i32
      %dma_start3A_10 = arith.constant 0 : i32
      %dma_start3A_11 = tpu.memref_slice %arg3[%arg1, %dma_start3A, %dma_start3A_10] : memref<16x625x32xi32, #tpu.memory_space<hbm>> -> memref<1x1x32xi32, #tpu.memory_space<hbm>>
      %dma_start3A_12 = tpu.memref_squeeze %dma_start3A_11 : memref<1x1x32xi32, #tpu.memory_space<hbm>> -> memref<32xi32, #tpu.memory_space<hbm>>
      %dma_start3A_13 = arith.constant 0 : i32
      %dma_start3A_14 = tpu.memref_slice %arg3[%arg1, %dma_start3A, %dma_start3A_13] : memref<16x625x32xi32, #tpu.memory_space<hbm>> -> memref<1x1x32xi32, #tpu.memory_space<hbm>>
      %dma_start3A_15 = tpu.memref_squeeze %dma_start3A_14 : memref<1x1x32xi32, #tpu.memory_space<hbm>> -> memref<32xi32, #tpu.memory_space<hbm>>
      tpu.enqueue_dma source(%dma_start3A_15 : memref<32xi32, #tpu.memory_space<hbm>>) target(%arg11 : memref<32xi32, #tpu.memory_space<vmem>>) target_semaphore(%arg36 : memref<!tpu.dma_semaphore, #tpu.memory_space<semaphore_mem>>)
      %dma_start3A_16 = arith.constant 1 : i32
      %dma_start3A_17 = arith.constant 0 : i32
      %dma_start3A_18 = tpu.memref_slice %arg3[%arg1, %dma_start3A_16, %dma_start3A_17] : memref<16x625x32xi32, #tpu.memory_space<hbm>> -> memref<1x1x32xi32, #tpu.memory_space<hbm>>
      %dma_start3A_19 = tpu.memref_squeeze %dma_start3A_18 : memref<1x1x32xi32, #tpu.memory_space<hbm>> -> memref<32xi32, #tpu.memory_space<hbm>>
      %dma_start3A_20 = arith.constant 0 : i32
      %dma_start3A_21 = tpu.memref_slice %arg3[%arg1, %dma_start3A_16, %dma_start3A_20] : memref<16x625x32xi32, #tpu.memory_space<hbm>> -> memref<1x1x32xi32, #tpu.memory_space<hbm>>
      %dma_start3A_22 = tpu.memref_squeeze %dma_start3A_21 : memref<1x1x32xi32, #tpu.memory_space<hbm>> -> memref<32xi32, #tpu.memory_space<hbm>>
      tpu.enqueue_dma source(%dma_start3A_22 : memref<32xi32, #tpu.memory_space<hbm>>) target(%arg12 : memref<32xi32, #tpu.memory_space<vmem>>) target_semaphore(%arg37 : memref<!tpu.dma_semaphore, #tpu.memory_space<semaphore_mem>>)
      %dma_start3A_23 = arith.constant 2 : i32
      %dma_start3A_24 = arith.constant 0 : i32
      %dma_start3A_25 = tpu.memref_slice %arg3[%arg1, %dma_start3A_23, %dma_start3A_24] : memref<16x625x32xi32, #tpu.memory_space<hbm>> -> memref<1x1x32xi32, #tpu.memory_space<hbm>>
      %dma_start3A_26 = tpu.memref_squeeze %dma_start3A_25 : memref<1x1x32xi32, #tpu.memory_space<hbm>> -> memref<32xi32, #tpu.memory_space<hbm>>
      %dma_start3A_27 = arith.constant 0 : i32
      %dma_start3A_28 = tpu.memref_slice %arg3[%arg1, %dma_start3A_23, %dma_start3A_27] : memref<16x625x32xi32, #tpu.memory_space<hbm>> -> memref<1x1x32xi32, #tpu.memory_space<hbm>>
      %dma_start3A_29 = tpu.memref_squeeze %dma_start3A_28 : memref<1x1x32xi32, #tpu.memory_space<hbm>> -> memref<32xi32, #tpu.memory_space<hbm>>
      tpu.enqueue_dma source(%dma_start3A_29 : memref<32xi32, #tpu.memory_space<hbm>>) target(%arg13 : memref<32xi32, #tpu.memory_space<vmem>>) target_semaphore(%arg38 : memref<!tpu.dma_semaphore, #tpu.memory_space<semaphore_mem>>)
      %dma_start3A_30 = arith.constant 3 : i32
      %dma_start3A_31 = arith.constant 0 : i32
      %dma_start3A_32 = tpu.memref_slice %arg3[%arg1, %dma_start3A_30, %dma_start3A_31] : memref<16x625x32xi32, #tpu.memory_space<hbm>> -> memref<1x1x32xi32, #tpu.memory_space<hbm>>
      %dma_start3A_33 = tpu.memref_squeeze %dma_start3A_32 : memref<1x1x32xi32, #tpu.memory_space<hbm>> -> memref<32xi32, #tpu.memory_space<hbm>>
      %dma_start3A_34 = arith.constant 0 : i32
      %dma_start3A_35 = tpu.memref_slice %arg3[%arg1, %dma_start3A_30, %dma_start3A_34] : memref<16x625x32xi32, #tpu.memory_space<hbm>> -> memref<1x1x32xi32, #tpu.memory_space<hbm>>
      %dma_start3A_36 = tpu.memref_squeeze %dma_start3A_35 : memref<1x1x32xi32, #tpu.memory_space<hbm>> -> memref<32xi32, #tpu.memory_space<hbm>>
      tpu.enqueue_dma source(%dma_start3A_36 : memref<32xi32, #tpu.memory_space<hbm>>) target(%arg14 : memref<32xi32, #tpu.memory_space<vmem>>) target_semaphore(%arg39 : memref<!tpu.dma_semaphore, #tpu.memory_space<semaphore_mem>>)
      %dma_start3A_37 = arith.constant 4 : i32
      %dma_start3A_38 = arith.constant 0 : i32
      %dma_start3A_39 = tpu.memref_slice %arg3[%arg1, %dma_start3A_37, %dma_start3A_38] : memref<16x625x32xi32, #tpu.memory_space<hbm>> -> memref<1x1x32xi32, #tpu.memory_space<hbm>>
      %dma_start3A_40 = tpu.memref_squeeze %dma_start3A_39 : memref<1x1x32xi32, #tpu.memory_space<hbm>> -> memref<32xi32, #tpu.memory_space<hbm>>
      %dma_start3A_41 = arith.constant 0 : i32
      %dma_start3A_42 = tpu.memref_slice %arg3[%arg1, %dma_start3A_37, %dma_start3A_41] : memref<16x625x32xi32, #tpu.memory_space<hbm>> -> memref<1x1x32xi32, #tpu.memory_space<hbm>>
      %dma_start3A_43 = tpu.memref_squeeze %dma_start3A_42 : memref<1x1x32xi32, #tpu.memory_space<hbm>> -> memref<32xi32, #tpu.memory_space<hbm>>
      tpu.enqueue_dma source(%dma_start3A_43 : memref<32xi32, #tpu.memory_space<hbm>>) target(%arg15 : memref<32xi32, #tpu.memory_space<vmem>>) target_semaphore(%arg40 : memref<!tpu.dma_semaphore, #tpu.memory_space<semaphore_mem>>)
      %dma_wait3A = arith.constant 0 : i32
      %dma_wait3A_44 = arith.constant 0 : i32
      %dma_wait3A_45 = tpu.memref_slice %arg3[%arg1, %dma_wait3A, %dma_wait3A_44] : memref<16x625x32xi32, #tpu.memory_space<hbm>> -> memref<1x1x32xi32, #tpu.memory_space<hbm>>
      %dma_wait3A_46 = tpu.memref_squeeze %dma_wait3A_45 : memref<1x1x32xi32, #tpu.memory_space<hbm>> -> memref<32xi32, #tpu.memory_space<hbm>>
      %dma_wait3A_47 = arith.constant 0 : i32
      %dma_wait3A_48 = tpu.memref_slice %arg3[%arg1, %dma_wait3A, %dma_wait3A_47] : memref<16x625x32xi32, #tpu.memory_space<hbm>> -> memref<1x1x32xi32, #tpu.memory_space<hbm>>
      %dma_wait3A_49 = tpu.memref_squeeze %dma_wait3A_48 : memref<1x1x32xi32, #tpu.memory_space<hbm>> -> memref<32xi32, #tpu.memory_space<hbm>>
      tpu.wait_dma2 semaphore(%arg36 : memref<!tpu.dma_semaphore, #tpu.memory_space<semaphore_mem>>) src(%dma_wait3A_49 : memref<32xi32, #tpu.memory_space<hbm>>) dst(%arg11 : memref<32xi32, #tpu.memory_space<vmem>>)
      %get3A = arith.constant 0 : index
      %get3A_50 = tpu.vector_load %arg11[%get3A] {strides = array<i32>} : memref<32xi32, #tpu.memory_space<vmem>>, vector<16xi32>,
      %get3A_51 = vector.shape_cast %get3A_50 : vector<16xi32> to vector<16xi32>
      %and3A = arith.constant 16383 : i32
      %and3A_52 = vector.broadcast %and3A : i32 to vector<16xi32>
      %and3A_53 = arith.andi %get3A_51, %and3A_52 : vector<16xi32>
      %swap3A = arith.constant 0 : index
      %swap3A_54 = tpu.vector_load %arg16[%swap3A] {strides = array<i32>} : memref<32xi32, #tpu.memory_space<vmem>>, vector<16xi32>,
      %swap3A_55 = vector.shape_cast %swap3A_54 : vector<16xi32> to vector<16xi32>
      %swap3A_56 = vector.shape_cast %and3A_53 : vector<16xi32> to vector<16xi32>
      tpu.vector_store %arg16[%swap3A], %swap3A_56 {strides = array<i32>} : memref<32xi32, #tpu.memory_space<vmem>>, vector<16xi32>,
      %shift_right_logical3A = arith.constant 14 : i32
      %shift_right_logical3A_57 = vector.broadcast %shift_right_logical3A : i32 to vector<16xi32>
      %shift_right_logical3A_58 = arith.shrui %get3A_51, %shift_right_logical3A_57 : vector<16xi32>
      %swap3A_59 = arith.constant 0 : index
      %swap3A_60 = tpu.vector_load %arg21[%swap3A_59] {strides = array<i32>} : memref<32xi32, #tpu.memory_space<vmem>>, vector<16xi32>,
      %swap3A_61 = vector.shape_cast %swap3A_60 : vector<16xi32> to vector<16xi32>
      %swap3A_62 = vector.shape_cast %shift_right_logical3A_58 : vector<16xi32> to vector<16xi32>
      tpu.vector_store %arg21[%swap3A_59], %swap3A_62 {strides = array<i32>} : memref<32xi32, #tpu.memory_space<vmem>>, vector<16xi32>,
      %get3A_63 = arith.constant 16 : index
      %get3A_64 = tpu.vector_load %arg11[%get3A_63] {strides = array<i32>} : memref<32xi32, #tpu.memory_space<vmem>>, vector<16xi32>,
      %get3A_65 = vector.shape_cast %get3A_64 : vector<16xi32> to vector<16xi32>
      %and3A_66 = arith.constant 16383 : i32
      %and3A_67 = vector.broadcast %and3A_66 : i32 to vector<16xi32>
      %and3A_68 = arith.andi %get3A_65, %and3A_67 : vector<16xi32>
      %swap3A_69 = arith.constant 16 : index
      %swap3A_70 = tpu.vector_load %arg16[%swap3A_69] {strides = array<i32>} : memref<32xi32, #tpu.memory_space<vmem>>, vector<16xi32>,
      %swap3A_71 = vector.shape_cast %swap3A_70 : vector<16xi32> to vector<16xi32>
      %swap3A_72 = vector.shape_cast %and3A_68 : vector<16xi32> to vector<16xi32>
      tpu.vector_store %arg16[%swap3A_69], %swap3A_72 {strides = array<i32>} : memref<32xi32, #tpu.memory_space<vmem>>, vector<16xi32>,
      %shift_right_logical3A_73 = arith.constant 14 : i32
      %shift_right_logical3A_74 = vector.broadcast %shift_right_logical3A_73 : i32 to vector<16xi32>
      %shift_right_logical3A_75 = arith.shrui %get3A_65, %shift_right_logical3A_74 : vector<16xi32>
      %swap3A_76 = arith.constant 16 : index
      %swap3A_77 = tpu.vector_load %arg21[%swap3A_76] {strides = array<i32>} : memref<32xi32, #tpu.memory_space<vmem>>, vector<16xi32>,
      %swap3A_78 = vector.shape_cast %swap3A_77 : vector<16xi32> to vector<16xi32>
      %swap3A_79 = vector.shape_cast %shift_right_logical3A_75 : vector<16xi32> to vector<16xi32>
      tpu.vector_store %arg21[%swap3A_76], %swap3A_79 {strides = array<i32>} : memref<32xi32, #tpu.memory_space<vmem>>, vector<16xi32>,
      %dma_start3A_80 = arith.constant 0 : i32
      %dma_start3A_81 = arith.constant 0 : i32
      %dma_start3A_82 = arith.constant 0 : i32
      %dma_start3A_83 = tpu.memref_slice %arg2[%dma_start3A_80, %dma_start3A_81, %dma_start3A_82] : memref<2x10000x128xf32, #tpu.memory_space<hbm>> -> memref<1x10000x128xf32, #tpu.memory_space<hbm>>
      %dma_start3A_84 = tpu.memref_squeeze %dma_start3A_83 : memref<1x10000x128xf32, #tpu.memory_space<hbm>> -> memref<10000x128xf32, #tpu.memory_space<hbm>>
      %dma_start3A_85 = arith.constant 0 : i32
      %dma_start3A_86 = arith.constant 0 : i32
      %dma_start3A_87 = tpu.memref_slice %dma_start3A_84[%dma_start3A_85, %dma_start3A_86] : memref<10000x128xf32, #tpu.memory_space<hbm>> -> memref<10000x128xf32, #tpu.memory_space<hbm>>
      tpu.enqueue_indirect_dma source(%dma_start3A_87 : memref<10000x128xf32, #tpu.memory_space<hbm>>) target(%arg6 : memref<32x128xf32, #tpu.memory_space<vmem>>) offsets(%arg16 : memref<32xi32, #tpu.memory_space<vmem>>) semaphore(%arg26 : memref<!tpu.dma_semaphore, #tpu.memory_space<semaphore_mem>>)
      %dma_start3A_88 = arith.constant 5 : i32
      %dma_start3A_89 = arith.constant 0 : i32
      %dma_start3A_90 = tpu.memref_slice %arg3[%arg1, %dma_start3A_88, %dma_start3A_89] : memref<16x625x32xi32, #tpu.memory_space<hbm>> -> memref<1x1x32xi32, #tpu.memory_space<hbm>>
      %dma_start3A_91 = tpu.memref_squeeze %dma_start3A_90 : memref<1x1x32xi32, #tpu.memory_space<hbm>> -> memref<32xi32, #tpu.memory_space<hbm>>
      %dma_start3A_92 = arith.constant 0 : i32
      %dma_start3A_93 = tpu.memref_slice %arg3[%arg1, %dma_start3A_88, %dma_start3A_92] : memref<16x625x32xi32, #tpu.memory_space<hbm>> -> memref<1x1x32xi32, #tpu.memory_space<hbm>>
      %dma_start3A_94 = tpu.memref_squeeze %dma_start3A_93 : memref<1x1x32xi32, #tpu.memory_space<hbm>> -> memref<32xi32, #tpu.memory_space<hbm>>
      tpu.enqueue_dma source(%dma_start3A_94 : memref<32xi32, #tpu.memory_space<hbm>>) target(%arg11 : memref<32xi32, #tpu.memory_space<vmem>>) target_semaphore(%arg36 : memref<!tpu.dma_semaphore, #tpu.memory_space<semaphore_mem>>)
      %dma_wait3A_95 = arith.constant 0 : i32
      %dma_wait3A_96 = arith.constant 0 : i32
      %dma_wait3A_97 = tpu.memref_slice %arg3[%arg1, %dma_wait3A_95, %dma_wait3A_96] : memref<16x625x32xi32, #tpu.memory_space<hbm>> -> memref<1x1x32xi32, #tpu.memory_space<hbm>>
      %dma_wait3A_98 = tpu.memref_squeeze %dma_wait3A_97 : memref<1x1x32xi32, #tpu.memory_space<hbm>> -> memref<32xi32, #tpu.memory_space<hbm>>
      %dma_wait3A_99 = arith.constant 0 : i32
      %dma_wait3A_100 = tpu.memref_slice %arg3[%arg1, %dma_wait3A_95, %dma_wait3A_99] : memref<16x625x32xi32, #tpu.memory_space<hbm>> -> memref<1x1x32xi32, #tpu.memory_space<hbm>>
      %dma_wait3A_101 = tpu.memref_squeeze %dma_wait3A_100 : memref<1x1x32xi32, #tpu.memory_space<hbm>> -> memref<32xi32, #tpu.memory_space<hbm>>
      tpu.wait_dma2 semaphore(%arg37 : memref<!tpu.dma_semaphore, #tpu.memory_space<semaphore_mem>>) src(%dma_wait3A_101 : memref<32xi32, #tpu.memory_space<hbm>>) dst(%arg12 : memref<32xi32, #tpu.memory_space<vmem>>)
      %get3A_102 = arith.constant 0 : index
      %get3A_103 = tpu.vector_load %arg12[%get3A_102] {strides = array<i32>} : memref<32xi32, #tpu.memory_space<vmem>>, vector<16xi32>,
      %get3A_104 = vector.shape_cast %get3A_103 : vector<16xi32> to vector<16xi32>
      %and3A_105 = arith.constant 16383 : i32
      %and3A_106 = vector.broadcast %and3A_105 : i32 to vector<16xi32>
      %and3A_107 = arith.andi %get3A_104, %and3A_106 : vector<16xi32>
      %swap3A_108 = arith.constant 0 : index
      %swap3A_109 = tpu.vector_load %arg17[%swap3A_108] {strides = array<i32>} : memref<32xi32, #tpu.memory_space<vmem>>, vector<16xi32>,
      %swap3A_110 = vector.shape_cast %swap3A_109 : vector<16xi32> to vector<16xi32>
      %swap3A_111 = vector.shape_cast %and3A_107 : vector<16xi32> to vector<16xi32>
      tpu.vector_store %arg17[%swap3A_108], %swap3A_111 {strides = array<i32>} : memref<32xi32, #tpu.memory_space<vmem>>, vector<16xi32>,
      %shift_right_logical3A_112 = arith.constant 14 : i32
      %shift_right_logical3A_113 = vector.broadcast %shift_right_logical3A_112 : i32 to vector<16xi32>
      %shift_right_logical3A_114 = arith.shrui %get3A_104, %shift_right_logical3A_113 : vector<16xi32>
      %swap3A_115 = arith.constant 0 : index
      %swap3A_116 = tpu.vector_load %arg22[%swap3A_115] {strides = array<i32>} : memref<32xi32, #tpu.memory_space<vmem>>, vector<16xi32>,
      %swap3A_117 = vector.shape_cast %swap3A_116 : vector<16xi32> to vector<16xi32>
      %swap3A_118 = vector.shape_cast %shift_right_logical3A_114 : vector<16xi32> to vector<16xi32>
      tpu.vector_store %arg22[%swap3A_115], %swap3A_118 {strides = array<i32>} : memref<32xi32, #tpu.memory_space<vmem>>, vector<16xi32>,
      %get3A_119 = arith.constant 16 : index
      %get3A_120 = tpu.vector_load %arg12[%get3A_119] {strides = array<i32>} : memref<32xi32, #tpu.memory_space<vmem>>, vector<16xi32>,
      %get3A_121 = vector.shape_cast %get3A_120 : vector<16xi32> to vector<16xi32>
      %and3A_122 = arith.constant 16383 : i32
      %and3A_123 = vector.broadcast %and3A_122 : i32 to vector<16xi32>
      %and3A_124 = arith.andi %get3A_121, %and3A_123 : vector<16xi32>
      %swap3A_125 = arith.constant 16 : index
      %swap3A_126 = tpu.vector_load %arg17[%swap3A_125] {strides = array<i32>} : memref<32xi32, #tpu.memory_space<vmem>>, vector<16xi32>,
      %swap3A_127 = vector.shape_cast %swap3A_126 : vector<16xi32> to vector<16xi32>
      %swap3A_128 = vector.shape_cast %and3A_124 : vector<16xi32> to vector<16xi32>
      tpu.vector_store %arg17[%swap3A_125], %swap3A_128 {strides = array<i32>} : memref<32xi32, #tpu.memory_space<vmem>>, vector<16xi32>,
      %shift_right_logical3A_129 = arith.constant 14 : i32
      %shift_right_logical3A_130 = vector.broadcast %shift_right_logical3A_129 : i32 to vector<16xi32>
      %shift_right_logical3A_131 = arith.shrui %get3A_121, %shift_right_logical3A_130 : vector<16xi32>
      %swap3A_132 = arith.constant 16 : index
      %swap3A_133 = tpu.vector_load %arg22[%swap3A_132] {strides = array<i32>} : memref<32xi32, #tpu.memory_space<vmem>>, vector<16xi32>,
      %swap3A_134 = vector.shape_cast %swap3A_133 : vector<16xi32> to vector<16xi32>
      %swap3A_135 = vector.shape_cast %shift_right_logical3A_131 : vector<16xi32> to vector<16xi32>
      tpu.vector_store %arg22[%swap3A_132], %swap3A_135 {strides = array<i32>} : memref<32xi32, #tpu.memory_space<vmem>>, vector<16xi32>,
      %dma_start3A_136 = arith.constant 0 : i32
      %dma_start3A_137 = arith.constant 0 : i32
      %dma_start3A_138 = arith.constant 0 : i32
      %dma_start3A_139 = tpu.memref_slice %arg2[%dma_start3A_136, %dma_start3A_137, %dma_start3A_138] : memref<2x10000x128xf32, #tpu.memory_space<hbm>> -> memref<1x10000x128xf32, #tpu.memory_space<hbm>>
      %dma_start3A_140 = tpu.memref_squeeze %dma_start3A_139 : memref<1x10000x128xf32, #tpu.memory_space<hbm>> -> memref<10000x128xf32, #tpu.memory_space<hbm>>
      %dma_start3A_141 = arith.constant 0 : i32
      %dma_start3A_142 = arith.constant 0 : i32
      %dma_start3A_143 = tpu.memref_slice %dma_start3A_140[%dma_start3A_141, %dma_start3A_142] : memref<10000x128xf32, #tpu.memory_space<hbm>> -> memref<10000x128xf32, #tpu.memory_space<hbm>>
      tpu.enqueue_indirect_dma source(%dma_start3A_143 : memref<10000x128xf32, #tpu.memory_space<hbm>>) target(%arg7 : memref<32x128xf32, #tpu.memory_space<vmem>>) offsets(%arg17 : memref<32xi32, #tpu.memory_space<vmem>>) semaphore(%arg27 : memref<!tpu.dma_semaphore, #tpu.memory_space<semaphore_mem>>)
      %dma_start3A_144 = arith.constant 6 : i32
      %dma_start3A_145 = arith.constant 0 : i32
      %dma_start3A_146 = tpu.memref_slice %arg3[%arg1, %dma_start3A_144, %dma_start3A_145] : memref<16x625x32xi32, #tpu.memory_space<hbm>> -> memref<1x1x32xi32, #tpu.memory_space<hbm>>
      %dma_start3A_147 = tpu.memref_squeeze %dma_start3A_146 : memref<1x1x32xi32, #tpu.memory_space<hbm>> -> memref<32xi32, #tpu.memory_space<hbm>>
      %dma_start3A_148 = arith.constant 0 : i32
      %dma_start3A_149 = tpu.memref_slice %arg3[%arg1, %dma_start3A_144, %dma_start3A_148] : memref<16x625x32xi32, #tpu.memory_space<hbm>> -> memref<1x1x32xi32, #tpu.memory_space<hbm>>
      %dma_start3A_150 = tpu.memref_squeeze %dma_start3A_149 : memref<1x1x32xi32, #tpu.memory_space<hbm>> -> memref<32xi32, #tpu.memory_space<hbm>>
      tpu.enqueue_dma source(%dma_start3A_150 : memref<32xi32, #tpu.memory_space<hbm>>) target(%arg12 : memref<32xi32, #tpu.memory_space<vmem>>) target_semaphore(%arg37 : memref<!tpu.dma_semaphore, #tpu.memory_space<semaphore_mem>>)
      %dma_wait3A_151 = arith.constant 0 : i32
      %dma_wait3A_152 = arith.constant 0 : i32
      %dma_wait3A_153 = tpu.memref_slice %arg3[%arg1, %dma_wait3A_151, %dma_wait3A_152] : memref<16x625x32xi32, #tpu.memory_space<hbm>> -> memref<1x1x32xi32, #tpu.memory_space<hbm>>
      %dma_wait3A_154 = tpu.memref_squeeze %dma_wait3A_153 : memref<1x1x32xi32, #tpu.memory_space<hbm>> -> memref<32xi32, #tpu.memory_space<hbm>>
      %dma_wait3A_155 = arith.constant 0 : i32
      %dma_wait3A_156 = tpu.memref_slice %arg3[%arg1, %dma_wait3A_151, %dma_wait3A_155] : memref<16x625x32xi32, #tpu.memory_space<hbm>> -> memref<1x1x32xi32, #tpu.memory_space<hbm>>
      %dma_wait3A_157 = tpu.memref_squeeze %dma_wait3A_156 : memref<1x1x32xi32, #tpu.memory_space<hbm>> -> memref<32xi32, #tpu.memory_space<hbm>>
      tpu.wait_dma2 semaphore(%arg38 : memref<!tpu.dma_semaphore, #tpu.memory_space<semaphore_mem>>) src(%dma_wait3A_157 : memref<32xi32, #tpu.memory_space<hbm>>) dst(%arg13 : memref<32xi32, #tpu.memory_space<vmem>>)
      %get3A_158 = arith.constant 0 : index
      %get3A_159 = tpu.vector_load %arg13[%get3A_158] {strides = array<i32>} : memref<32xi32, #tpu.memory_space<vmem>>, vector<16xi32>,
      %get3A_160 = vector.shape_cast %get3A_159 : vector<16xi32> to vector<16xi32>
      %and3A_161 = arith.constant 16383 : i32
      %and3A_162 = vector.broadcast %and3A_161 : i32 to vector<16xi32>
      %and3A_163 = arith.andi %get3A_160, %and3A_162 : vector<16xi32>
      %swap3A_164 = arith.constant 0 : index
      %swap3A_165 = tpu.vector_load %arg18[%swap3A_164] {strides = array<i32>} : memref<32xi32, #tpu.memory_space<vmem>>, vector<16xi32>,
      %swap3A_166 = vector.shape_cast %swap3A_165 : vector<16xi32> to vector<16xi32>
      %swap3A_167 = vector.shape_cast %and3A_163 : vector<16xi32> to vector<16xi32>
      tpu.vector_store %arg18[%swap3A_164], %swap3A_167 {strides = array<i32>} : memref<32xi32, #tpu.memory_space<vmem>>, vector<16xi32>,
      %shift_right_logical3A_168 = arith.constant 14 : i32
      %shift_right_logical3A_169 = vector.broadcast %shift_right_logical3A_168 : i32 to vector<16xi32>
      %shift_right_logical3A_170 = arith.shrui %get3A_160, %shift_right_logical3A_169 : vector<16xi32>
      %swap3A_171 = arith.constant 0 : index
      %swap3A_172 = tpu.vector_load %arg23[%swap3A_171] {strides = array<i32>} : memref<32xi32, #tpu.memory_space<vmem>>, vector<16xi32>,
      %swap3A_173 = vector.shape_cast %swap3A_172 : vector<16xi32> to vector<16xi32>
      %swap3A_174 = vector.shape_cast %shift_right_logical3A_170 : vector<16xi32> to vector<16xi32>
      tpu.vector_store %arg23[%swap3A_171], %swap3A_174 {strides = array<i32>} : memref<32xi32, #tpu.memory_space<vmem>>, vector<16xi32>,
      %get3A_175 = arith.constant 16 : index
      %get3A_176 = tpu.vector_load %arg13[%get3A_175] {strides = array<i32>} : memref<32xi32, #tpu.memory_space<vmem>>, vector<16xi32>,
      %get3A_177 = vector.shape_cast %get3A_176 : vector<16xi32> to vector<16xi32>
      %and3A_178 = arith.constant 16383 : i32
      %and3A_179 = vector.broadcast %and3A_178 : i32 to vector<16xi32>
      %and3A_180 = arith.andi %get3A_177, %and3A_179 : vector<16xi32>
      %swap3A_181 = arith.constant 16 : index
      %swap3A_182 = tpu.vector_load %arg18[%swap3A_181] {strides = array<i32>} : memref<32xi32, #tpu.memory_space<vmem>>, vector<16xi32>,
      %swap3A_183 = vector.shape_cast %swap3A_182 : vector<16xi32> to vector<16xi32>
      %swap3A_184 = vector.shape_cast %and3A_180 : vector<16xi32> to vector<16xi32>
      tpu.vector_store %arg18[%swap3A_181], %swap3A_184 {strides = array<i32>} : memref<32xi32, #tpu.memory_space<vmem>>, vector<16xi32>,
      %shift_right_logical3A_185 = arith.constant 14 : i32
      %shift_right_logical3A_186 = vector.broadcast %shift_right_logical3A_185 : i32 to vector<16xi32>
      %shift_right_logical3A_187 = arith.shrui %get3A_177, %shift_right_logical3A_186 : vector<16xi32>
      %swap3A_188 = arith.constant 16 : index
      %swap3A_189 = tpu.vector_load %arg23[%swap3A_188] {strides = array<i32>} : memref<32xi32, #tpu.memory_space<vmem>>, vector<16xi32>,
      %swap3A_190 = vector.shape_cast %swap3A_189 : vector<16xi32> to vector<16xi32>
      %swap3A_191 = vector.shape_cast %shift_right_logical3A_187 : vector<16xi32> to vector<16xi32>
      tpu.vector_store %arg23[%swap3A_188], %swap3A_191 {strides = array<i32>} : memref<32xi32, #tpu.memory_space<vmem>>, vector<16xi32>,
      %dma_start3A_192 = arith.constant 0 : i32
      %dma_start3A_193 = arith.constant 0 : i32
      %dma_start3A_194 = arith.constant 0 : i32
      %dma_start3A_195 = tpu.memref_slice %arg2[%dma_start3A_192, %dma_start3A_193, %dma_start3A_194] : memref<2x10000x128xf32, #tpu.memory_space<hbm>> -> memref<1x10000x128xf32, #tpu.memory_space<hbm>>
      %dma_start3A_196 = tpu.memref_squeeze %dma_start3A_195 : memref<1x10000x128xf32, #tpu.memory_space<hbm>> -> memref<10000x128xf32, #tpu.memory_space<hbm>>
      %dma_start3A_197 = arith.constant 0 : i32
      %dma_start3A_198 = arith.constant 0 : i32
      %dma_start3A_199 = tpu.memref_slice %dma_start3A_196[%dma_start3A_197, %dma_start3A_198] : memref<10000x128xf32, #tpu.memory_space<hbm>> -> memref<10000x128xf32, #tpu.memory_space<hbm>>
      tpu.enqueue_indirect_dma source(%dma_start3A_199 : memref<10000x128xf32, #tpu.memory_space<hbm>>) target(%arg8 : memref<32x128xf32, #tpu.memory_space<vmem>>) offsets(%arg18 : memref<32xi32, #tpu.memory_space<vmem>>) semaphore(%arg28 : memref<!tpu.dma_semaphore, #tpu.memory_space<semaphore_mem>>)
      %dma_start3A_200 = arith.constant 7 : i32
      %dma_start3A_201 = arith.constant 0 : i32
      %dma_start3A_202 = tpu.memref_slice %arg3[%arg1, %dma_start3A_200, %dma_start3A_201] : memref<16x625x32xi32, #tpu.memory_space<hbm>> -> memref<1x1x32xi32, #tpu.memory_space<hbm>>
      %dma_start3A_203 = tpu.memref_squeeze %dma_start3A_202 : memref<1x1x32xi32, #tpu.memory_space<hbm>> -> memref<32xi32, #tpu.memory_space<hbm>>
      %dma_start3A_204 = arith.constant 0 : i32
      %dma_start3A_205 = tpu.memref_slice %arg3[%arg1, %dma_start3A_200, %dma_start3A_204] : memref<16x625x32xi32, #tpu.memory_space<hbm>> -> memref<1x1x32xi32, #tpu.memory_space<hbm>>
      %dma_start3A_206 = tpu.memref_squeeze %dma_start3A_205 : memref<1x1x32xi32, #tpu.memory_space<hbm>> -> memref<32xi32, #tpu.memory_space<hbm>>
      tpu.enqueue_dma source(%dma_start3A_206 : memref<32xi32, #tpu.memory_space<hbm>>) target(%arg13 : memref<32xi32, #tpu.memory_space<vmem>>) target_semaphore(%arg38 : memref<!tpu.dma_semaphore, #tpu.memory_space<semaphore_mem>>)
      %dma_wait3A_207 = arith.constant 0 : i32
      %dma_wait3A_208 = arith.constant 0 : i32
      %dma_wait3A_209 = tpu.memref_slice %arg3[%arg1, %dma_wait3A_207, %dma_wait3A_208] : memref<16x625x32xi32, #tpu.memory_space<hbm>> -> memref<1x1x32xi32, #tpu.memory_space<hbm>>
      %dma_wait3A_210 = tpu.memref_squeeze %dma_wait3A_209 : memref<1x1x32xi32, #tpu.memory_space<hbm>> -> memref<32xi32, #tpu.memory_space<hbm>>
      %dma_wait3A_211 = arith.constant 0 : i32
      %dma_wait3A_212 = tpu.memref_slice %arg3[%arg1, %dma_wait3A_207, %dma_wait3A_211] : memref<16x625x32xi32, #tpu.memory_space<hbm>> -> memref<1x1x32xi32, #tpu.memory_space<hbm>>
      %dma_wait3A_213 = tpu.memref_squeeze %dma_wait3A_212 : memref<1x1x32xi32, #tpu.memory_space<hbm>> -> memref<32xi32, #tpu.memory_space<hbm>>
      tpu.wait_dma2 semaphore(%arg39 : memref<!tpu.dma_semaphore, #tpu.memory_space<semaphore_mem>>) src(%dma_wait3A_213 : memref<32xi32, #tpu.memory_space<hbm>>) dst(%arg14 : memref<32xi32, #tpu.memory_space<vmem>>)
      %get3A_214 = arith.constant 0 : index
      %get3A_215 = tpu.vector_load %arg14[%get3A_214] {strides = array<i32>} : memref<32xi32, #tpu.memory_space<vmem>>, vector<16xi32>,
      %get3A_216 = vector.shape_cast %get3A_215 : vector<16xi32> to vector<16xi32>
      %and3A_217 = arith.constant 16383 : i32
      %and3A_218 = vector.broadcast %and3A_217 : i32 to vector<16xi32>
      %and3A_219 = arith.andi %get3A_216, %and3A_218 : vector<16xi32>
      %swap3A_220 = arith.constant 0 : index
      %swap3A_221 = tpu.vector_load %arg19[%swap3A_220] {strides = array<i32>} : memref<32xi32, #tpu.memory_space<vmem>>, vector<16xi32>,
      %swap3A_222 = vector.shape_cast %swap3A_221 : vector<16xi32> to vector<16xi32>
      %swap3A_223 = vector.shape_cast %and3A_219 : vector<16xi32> to vector<16xi32>
      tpu.vector_store %arg19[%swap3A_220], %swap3A_223 {strides = array<i32>} : memref<32xi32, #tpu.memory_space<vmem>>, vector<16xi32>,
      %shift_right_logical3A_224 = arith.constant 14 : i32
      %shift_right_logical3A_225 = vector.broadcast %shift_right_logical3A_224 : i32 to vector<16xi32>
      %shift_right_logical3A_226 = arith.shrui %get3A_216, %shift_right_logical3A_225 : vector<16xi32>
      %swap3A_227 = arith.constant 0 : index
      %swap3A_228 = tpu.vector_load %arg24[%swap3A_227] {strides = array<i32>} : memref<32xi32, #tpu.memory_space<vmem>>, vector<16xi32>,
      %swap3A_229 = vector.shape_cast %swap3A_228 : vector<16xi32> to vector<16xi32>
      %swap3A_230 = vector.shape_cast %shift_right_logical3A_226 : vector<16xi32> to vector<16xi32>
      tpu.vector_store %arg24[%swap3A_227], %swap3A_230 {strides = array<i32>} : memref<32xi32, #tpu.memory_space<vmem>>, vector<16xi32>,
      %get3A_231 = arith.constant 16 : index
      %get3A_232 = tpu.vector_load %arg14[%get3A_231] {strides = array<i32>} : memref<32xi32, #tpu.memory_space<vmem>>, vector<16xi32>,
      %get3A_233 = vector.shape_cast %get3A_232 : vector<16xi32> to vector<16xi32>
      %and3A_234 = arith.constant 16383 : i32
      %and3A_235 = vector.broadcast %and3A_234 : i32 to vector<16xi32>
      %and3A_236 = arith.andi %get3A_233, %and3A_235 : vector<16xi32>
      %swap3A_237 = arith.constant 16 : index
      %swap3A_238 = tpu.vector_load %arg19[%swap3A_237] {strides = array<i32>} : memref<32xi32, #tpu.memory_space<vmem>>, vector<16xi32>,
      %swap3A_239 = vector.shape_cast %swap3A_238 : vector<16xi32> to vector<16xi32>
      %swap3A_240 = vector.shape_cast %and3A_236 : vector<16xi32> to vector<16xi32>
      tpu.vector_store %arg19[%swap3A_237], %swap3A_240 {strides = array<i32>} : memref<32xi32, #tpu.memory_space<vmem>>, vector<16xi32>,
      %shift_right_logical3A_241 = arith.constant 14 : i32
      %shift_right_logical3A_242 = vector.broadcast %shift_right_logical3A_241 : i32 to vector<16xi32>
      %shift_right_logical3A_243 = arith.shrui %get3A_233, %shift_right_logical3A_242 : vector<16xi32>
      %swap3A_244 = arith.constant 16 : index
      %swap3A_245 = tpu.vector_load %arg24[%swap3A_244] {strides = array<i32>} : memref<32xi32, #tpu.memory_space<vmem>>, vector<16xi32>,
      %swap3A_246 = vector.shape_cast %swap3A_245 : vector<16xi32> to vector<16xi32>
      %swap3A_247 = vector.shape_cast %shift_right_logical3A_243 : vector<16xi32> to vector<16xi32>
      tpu.vector_store %arg24[%swap3A_244], %swap3A_247 {strides = array<i32>} : memref<32xi32, #tpu.memory_space<vmem>>, vector<16xi32>,
      %dma_start3A_248 = arith.constant 0 : i32
      %dma_start3A_249 = arith.constant 0 : i32
      %dma_start3A_250 = arith.constant 0 : i32
      %dma_start3A_251 = tpu.memref_slice %arg2[%dma_start3A_248, %dma_start3A_249, %dma_start3A_250] : memref<2x10000x128xf32, #tpu.memory_space<hbm>> -> memref<1x10000x128xf32, #tpu.memory_space<hbm>>
      %dma_start3A_252 = tpu.memref_squeeze %dma_start3A_251 : memref<1x10000x128xf32, #tpu.memory_space<hbm>> -> memref<10000x128xf32, #tpu.memory_space<hbm>>
      %dma_start3A_253 = arith.constant 0 : i32
      %dma_start3A_254 = arith.constant 0 : i32
      %dma_start3A_255 = tpu.memref_slice %dma_start3A_252[%dma_start3A_253, %dma_start3A_254] : memref<10000x128xf32, #tpu.memory_space<hbm>> -> memref<10000x128xf32, #tpu.memory_space<hbm>>
      tpu.enqueue_indirect_dma source(%dma_start3A_255 : memref<10000x128xf32, #tpu.memory_space<hbm>>) target(%arg9 : memref<32x128xf32, #tpu.memory_space<vmem>>) offsets(%arg19 : memref<32xi32, #tpu.memory_space<vmem>>) semaphore(%arg29 : memref<!tpu.dma_semaphore, #tpu.memory_space<semaphore_mem>>)
      %dma_start3A_256 = arith.constant 8 : i32
      %dma_start3A_257 = arith.constant 0 : i32
      %dma_start3A_258 = tpu.memref_slice %arg3[%arg1, %dma_start3A_256, %dma_start3A_257] : memref<16x625x32xi32, #tpu.memory_space<hbm>> -> memref<1x1x32xi32, #tpu.memory_space<hbm>>
      %dma_start3A_259 = tpu.memref_squeeze %dma_start3A_258 : memref<1x1x32xi32, #tpu.memory_space<hbm>> -> memref<32xi32, #tpu.memory_space<hbm>>
      %dma_start3A_260 = arith.constant 0 : i32
      %dma_start3A_261 = tpu.memref_slice %arg3[%arg1, %dma_start3A_256, %dma_start3A_260] : memref<16x625x32xi32, #tpu.memory_space<hbm>> -> memref<1x1x32xi32, #tpu.memory_space<hbm>>
      %dma_start3A_262 = tpu.memref_squeeze %dma_start3A_261 : memref<1x1x32xi32, #tpu.memory_space<hbm>> -> memref<32xi32, #tpu.memory_space<hbm>>
      tpu.enqueue_dma source(%dma_start3A_262 : memref<32xi32, #tpu.memory_space<hbm>>) target(%arg14 : memref<32xi32, #tpu.memory_space<vmem>>) target_semaphore(%arg39 : memref<!tpu.dma_semaphore, #tpu.memory_space<semaphore_mem>>)
      %dma_wait3A_263 = arith.constant 0 : i32
      %dma_wait3A_264 = arith.constant 0 : i32
      %dma_wait3A_265 = tpu.memref_slice %arg3[%arg1, %dma_wait3A_263, %dma_wait3A_264] : memref<16x625x32xi32, #tpu.memory_space<hbm>> -> memref<1x1x32xi32, #tpu.memory_space<hbm>>
      %dma_wait3A_266 = tpu.memref_squeeze %dma_wait3A_265 : memref<1x1x32xi32, #tpu.memory_space<hbm>> -> memref<32xi32, #tpu.memory_space<hbm>>
      %dma_wait3A_267 = arith.constant 0 : i32
      %dma_wait3A_268 = tpu.memref_slice %arg3[%arg1, %dma_wait3A_263, %dma_wait3A_267] : memref<16x625x32xi32, #tpu.memory_space<hbm>> -> memref<1x1x32xi32, #tpu.memory_space<hbm>>
      %dma_wait3A_269 = tpu.memref_squeeze %dma_wait3A_268 : memref<1x1x32xi32, #tpu.memory_space<hbm>> -> memref<32xi32, #tpu.memory_space<hbm>>
      tpu.wait_dma2 semaphore(%arg40 : memref<!tpu.dma_semaphore, #tpu.memory_space<semaphore_mem>>) src(%dma_wait3A_269 : memref<32xi32, #tpu.memory_space<hbm>>) dst(%arg15 : memref<32xi32, #tpu.memory_space<vmem>>)
      %get3A_270 = arith.constant 0 : index
      %get3A_271 = tpu.vector_load %arg15[%get3A_270] {strides = array<i32>} : memref<32xi32, #tpu.memory_space<vmem>>, vector<16xi32>,
      %get3A_272 = vector.shape_cast %get3A_271 : vector<16xi32> to vector<16xi32>
      %and3A_273 = arith.constant 16383 : i32
      %and3A_274 = vector.broadcast %and3A_273 : i32 to vector<16xi32>
      %and3A_275 = arith.andi %get3A_272, %and3A_274 : vector<16xi32>
      %swap3A_276 = arith.constant 0 : index
      %swap3A_277 = tpu.vector_load %arg20[%swap3A_276] {strides = array<i32>} : memref<32xi32, #tpu.memory_space<vmem>>, vector<16xi32>,
      %swap3A_278 = vector.shape_cast %swap3A_277 : vector<16xi32> to vector<16xi32>
      %swap3A_279 = vector.shape_cast %and3A_275 : vector<16xi32> to vector<16xi32>
      tpu.vector_store %arg20[%swap3A_276], %swap3A_279 {strides = array<i32>} : memref<32xi32, #tpu.memory_space<vmem>>, vector<16xi32>,
      %shift_right_logical3A_280 = arith.constant 14 : i32
      %shift_right_logical3A_281 = vector.broadcast %shift_right_logical3A_280 : i32 to vector<16xi32>
      %shift_right_logical3A_282 = arith.shrui %get3A_272, %shift_right_logical3A_281 : vector<16xi32>
      %swap3A_283 = arith.constant 0 : index
      %swap3A_284 = tpu.vector_load %arg25[%swap3A_283] {strides = array<i32>} : memref<32xi32, #tpu.memory_space<vmem>>, vector<16xi32>,
      %swap3A_285 = vector.shape_cast %swap3A_284 : vector<16xi32> to vector<16xi32>
      %swap3A_286 = vector.shape_cast %shift_right_logical3A_282 : vector<16xi32> to vector<16xi32>
      tpu.vector_store %arg25[%swap3A_283], %swap3A_286 {strides = array<i32>} : memref<32xi32, #tpu.memory_space<vmem>>, vector<16xi32>,
      %get3A_287 = arith.constant 16 : index
      %get3A_288 = tpu.vector_load %arg15[%get3A_287] {strides = array<i32>} : memref<32xi32, #tpu.memory_space<vmem>>, vector<16xi32>,
      %get3A_289 = vector.shape_cast %get3A_288 : vector<16xi32> to vector<16xi32>
      %and3A_290 = arith.constant 16383 : i32
      %and3A_291 = vector.broadcast %and3A_290 : i32 to vector<16xi32>
      %and3A_292 = arith.andi %get3A_289, %and3A_291 : vector<16xi32>
      %swap3A_293 = arith.constant 16 : index
      %swap3A_294 = tpu.vector_load %arg20[%swap3A_293] {strides = array<i32>} : memref<32xi32, #tpu.memory_space<vmem>>, vector<16xi32>,
      %swap3A_295 = vector.shape_cast %swap3A_294 : vector<16xi32> to vector<16xi32>
      %swap3A_296 = vector.shape_cast %and3A_292 : vector<16xi32> to vector<16xi32>
      tpu.vector_store %arg20[%swap3A_293], %swap3A_296 {strides = array<i32>} : memref<32xi32, #tpu.memory_space<vmem>>, vector<16xi32>,
      %shift_right_logical3A_297 = arith.constant 14 : i32
      %shift_right_logical3A_298 = vector.broadcast %shift_right_logical3A_297 : i32 to vector<16xi32>
      %shift_right_logical3A_299 = arith.shrui %get3A_289, %shift_right_logical3A_298 : vector<16xi32>
      %swap3A_300 = arith.constant 16 : index
      %swap3A_301 = tpu.vector_load %arg25[%swap3A_300] {strides = array<i32>} : memref<32xi32, #tpu.memory_space<vmem>>, vector<16xi32>,
      %swap3A_302 = vector.shape_cast %swap3A_301 : vector<16xi32> to vector<16xi32>
      %swap3A_303 = vector.shape_cast %shift_right_logical3A_299 : vector<16xi32> to vector<16xi32>
      tpu.vector_store %arg25[%swap3A_300], %swap3A_303 {strides = array<i32>} : memref<32xi32, #tpu.memory_space<vmem>>, vector<16xi32>,
      %dma_start3A_304 = arith.constant 0 : i32
      %dma_start3A_305 = arith.constant 0 : i32
      %dma_start3A_306 = arith.constant 0 : i32
      %dma_start3A_307 = tpu.memref_slice %arg2[%dma_start3A_304, %dma_start3A_305, %dma_start3A_306] : memref<2x10000x128xf32, #tpu.memory_space<hbm>> -> memref<1x10000x128xf32, #tpu.memory_space<hbm>>
      %dma_start3A_308 = tpu.memref_squeeze %dma_start3A_307 : memref<1x10000x128xf32, #tpu.memory_space<hbm>> -> memref<10000x128xf32, #tpu.memory_space<hbm>>
      %dma_start3A_309 = arith.constant 0 : i32
      %dma_start3A_310 = arith.constant 0 : i32
      %dma_start3A_311 = tpu.memref_slice %dma_start3A_308[%dma_start3A_309, %dma_start3A_310] : memref<10000x128xf32, #tpu.memory_space<hbm>> -> memref<10000x128xf32, #tpu.memory_space<hbm>>
      tpu.enqueue_indirect_dma source(%dma_start3A_311 : memref<10000x128xf32, #tpu.memory_space<hbm>>) target(%arg10 : memref<32x128xf32, #tpu.memory_space<vmem>>) offsets(%arg20 : memref<32xi32, #tpu.memory_space<vmem>>) semaphore(%arg30 : memref<!tpu.dma_semaphore, #tpu.memory_space<semaphore_mem>>)
      %dma_start3A_312 = arith.constant 9 : i32
      %dma_start3A_313 = arith.constant 0 : i32
      %dma_start3A_314 = tpu.memref_slice %arg3[%arg1, %dma_start3A_312, %dma_start3A_313] : memref<16x625x32xi32, #tpu.memory_space<hbm>> -> memref<1x1x32xi32, #tpu.memory_space<hbm>>
      %dma_start3A_315 = tpu.memref_squeeze %dma_start3A_314 : memref<1x1x32xi32, #tpu.memory_space<hbm>> -> memref<32xi32, #tpu.memory_space<hbm>>
      %dma_start3A_316 = arith.constant 0 : i32
      %dma_start3A_317 = tpu.memref_slice %arg3[%arg1, %dma_start3A_312, %dma_start3A_316] : memref<16x625x32xi32, #tpu.memory_space<hbm>> -> memref<1x1x32xi32, #tpu.memory_space<hbm>>
      %dma_start3A_318 = tpu.memref_squeeze %dma_start3A_317 : memref<1x1x32xi32, #tpu.memory_space<hbm>> -> memref<32xi32, #tpu.memory_space<hbm>>
      tpu.enqueue_dma source(%dma_start3A_318 : memref<32xi32, #tpu.memory_space<hbm>>) target(%arg15 : memref<32xi32, #tpu.memory_space<vmem>>) target_semaphore(%arg40 : memref<!tpu.dma_semaphore, #tpu.memory_space<semaphore_mem>>)
      %scan3A = arith.constant 0 : i32
      %scan3A_319 = arith.constant 0 : i32
      %scan3A_320 = arith.constant 0 : i32
      %scan3A_321 = arith.constant 125 : i32
      %scan3A_322 = arith.addi %scan3A_320, %scan3A_321 : i32
      %scan3A_323 = arith.constant 1 : i32
      scf.for %scan3A_340 = %scan3A_320 to %scan3A_322 step %scan3A_323  : i32 {
        %dma_wait3A_341 = arith.constant 0 : i32
        %dma_wait3A_342 = arith.constant 0 : i32
        %dma_wait3A_343 = tpu.memref_slice %arg2[%scan3A_319, %dma_wait3A_341, %dma_wait3A_342] : memref<2x10000x128xf32, #tpu.memory_space<hbm>> -> memref<1x10000x128xf32, #tpu.memory_space<hbm>>
        %dma_wait3A_344 = tpu.memref_squeeze %dma_wait3A_343 : memref<1x10000x128xf32, #tpu.memory_space<hbm>> -> memref<10000x128xf32, #tpu.memory_space<hbm>>
        %dma_wait3A_345 = arith.constant 0 : i32
        %dma_wait3A_346 = arith.constant 0 : i32
        %dma_wait3A_347 = tpu.memref_slice %dma_wait3A_344[%dma_wait3A_345, %dma_wait3A_346] : memref<10000x128xf32, #tpu.memory_space<hbm>> -> memref<32x128xf32, #tpu.memory_space<hbm>>
        %dma_wait3A_348 = arith.constant 0 : i32
        %dma_wait3A_349 = arith.constant 0 : i32
        %dma_wait3A_350 = tpu.memref_slice %arg2[%scan3A_319, %dma_wait3A_348, %dma_wait3A_349] : memref<2x10000x128xf32, #tpu.memory_space<hbm>> -> memref<1x10000x128xf32, #tpu.memory_space<hbm>>
        %dma_wait3A_351 = tpu.memref_squeeze %dma_wait3A_350 : memref<1x10000x128xf32, #tpu.memory_space<hbm>> -> memref<10000x128xf32, #tpu.memory_space<hbm>>
        %dma_wait3A_352 = arith.constant 0 : i32
        %dma_wait3A_353 = arith.constant 0 : i32
        %dma_wait3A_354 = tpu.memref_slice %dma_wait3A_351[%dma_wait3A_352, %dma_wait3A_353] : memref<10000x128xf32, #tpu.memory_space<hbm>> -> memref<32x128xf32, #tpu.memory_space<hbm>>
        tpu.wait_dma2 semaphore(%arg26 : memref<!tpu.dma_semaphore, #tpu.memory_space<semaphore_mem>>) src(%dma_wait3A_354 : memref<32x128xf32, #tpu.memory_space<hbm>>) dst(%arg6 : memref<32x128xf32, #tpu.memory_space<vmem>>)
        %dma_start3A_355 = arith.constant 0 : i32
        %dma_start3A_356 = arith.constant 0 : i32
        %dma_start3A_357 = tpu.memref_slice %arg5[%dma_start3A_355, %dma_start3A_356] : memref<10064x128xf32, #tpu.memory_space<vmem_shared>> -> memref<10064x128xf32, #tpu.memory_space<vmem_shared>>
        tpu.enqueue_indirect_dma source(%arg6 : memref<32x128xf32, #tpu.memory_space<vmem>>) target(%dma_start3A_357 : memref<10064x128xf32, #tpu.memory_space<vmem_shared>>) offsets(%arg21 : memref<32xi32, #tpu.memory_space<vmem>>) semaphore(%arg31 : memref<!tpu.dma_semaphore, #tpu.memory_space<semaphore_mem>>) {add = true}
        %dma_wait3A_358 = arith.constant 0 : i32
        %dma_wait3A_359 = arith.constant 0 : i32
        %dma_wait3A_360 = tpu.memref_slice %arg2[%scan3A_319, %dma_wait3A_358, %dma_wait3A_359] : memref<2x10000x128xf32, #tpu.memory_space<hbm>> -> memref<1x10000x128xf32, #tpu.memory_space<hbm>>
        %dma_wait3A_361 = tpu.memref_squeeze %dma_wait3A_360 : memref<1x10000x128xf32, #tpu.memory_space<hbm>> -> memref<10000x128xf32, #tpu.memory_space<hbm>>
        %dma_wait3A_362 = arith.constant 0 : i32
        %dma_wait3A_363 = arith.constant 0 : i32
        %dma_wait3A_364 = tpu.memref_slice %dma_wait3A_361[%dma_wait3A_362, %dma_wait3A_363] : memref<10000x128xf32, #tpu.memory_space<hbm>> -> memref<32x128xf32, #tpu.memory_space<hbm>>
        %dma_wait3A_365 = arith.constant 0 : i32
        %dma_wait3A_366 = arith.constant 0 : i32
        %dma_wait3A_367 = tpu.memref_slice %arg2[%scan3A_319, %dma_wait3A_365, %dma_wait3A_366] : memref<2x10000x128xf32, #tpu.memory_space<hbm>> -> memref<1x10000x128xf32, #tpu.memory_space<hbm>>
        %dma_wait3A_368 = tpu.memref_squeeze %dma_wait3A_367 : memref<1x10000x128xf32, #tpu.memory_space<hbm>> -> memref<10000x128xf32, #tpu.memory_space<hbm>>
        %dma_wait3A_369 = arith.constant 0 : i32
        %dma_wait3A_370 = arith.constant 0 : i32
        %dma_wait3A_371 = tpu.memref_slice %dma_wait3A_368[%dma_wait3A_369, %dma_wait3A_370] : memref<10000x128xf32, #tpu.memory_space<hbm>> -> memref<32x128xf32, #tpu.memory_space<hbm>>
        tpu.wait_dma2 semaphore(%arg27 : memref<!tpu.dma_semaphore, #tpu.memory_space<semaphore_mem>>) src(%dma_wait3A_371 : memref<32x128xf32, #tpu.memory_space<hbm>>) dst(%arg7 : memref<32x128xf32, #tpu.memory_space<vmem>>)
        %dma_start3A_372 = arith.constant 0 : i32
        %dma_start3A_373 = arith.constant 0 : i32
        %dma_start3A_374 = tpu.memref_slice %arg5[%dma_start3A_372, %dma_start3A_373] : memref<10064x128xf32, #tpu.memory_space<vmem_shared>> -> memref<10064x128xf32, #tpu.memory_space<vmem_shared>>
        tpu.enqueue_indirect_dma source(%arg7 : memref<32x128xf32, #tpu.memory_space<vmem>>) target(%dma_start3A_374 : memref<10064x128xf32, #tpu.memory_space<vmem_shared>>) offsets(%arg22 : memref<32xi32, #tpu.memory_space<vmem>>) semaphore(%arg32 : memref<!tpu.dma_semaphore, #tpu.memory_space<semaphore_mem>>) {add = true}
        %dma_wait3A_375 = arith.constant 0 : i32
        %dma_wait3A_376 = arith.constant 0 : i32
        %dma_wait3A_377 = tpu.memref_slice %arg2[%scan3A_319, %dma_wait3A_375, %dma_wait3A_376] : memref<2x10000x128xf32, #tpu.memory_space<hbm>> -> memref<1x10000x128xf32, #tpu.memory_space<hbm>>
        %dma_wait3A_378 = tpu.memref_squeeze %dma_wait3A_377 : memref<1x10000x128xf32, #tpu.memory_space<hbm>> -> memref<10000x128xf32, #tpu.memory_space<hbm>>
        %dma_wait3A_379 = arith.constant 0 : i32
        %dma_wait3A_380 = arith.constant 0 : i32
        %dma_wait3A_381 = tpu.memref_slice %dma_wait3A_378[%dma_wait3A_379, %dma_wait3A_380] : memref<10000x128xf32, #tpu.memory_space<hbm>> -> memref<32x128xf32, #tpu.memory_space<hbm>>
        %dma_wait3A_382 = arith.constant 0 : i32
        %dma_wait3A_383 = arith.constant 0 : i32
        %dma_wait3A_384 = tpu.memref_slice %arg2[%scan3A_319, %dma_wait3A_382, %dma_wait3A_383] : memref<2x10000x128xf32, #tpu.memory_space<hbm>> -> memref<1x10000x128xf32, #tpu.memory_space<hbm>>
        %dma_wait3A_385 = tpu.memref_squeeze %dma_wait3A_384 : memref<1x10000x128xf32, #tpu.memory_space<hbm>> -> memref<10000x128xf32, #tpu.memory_space<hbm>>
        %dma_wait3A_386 = arith.constant 0 : i32
        %dma_wait3A_387 = arith.constant 0 : i32
        %dma_wait3A_388 = tpu.memref_slice %dma_wait3A_385[%dma_wait3A_386, %dma_wait3A_387] : memref<10000x128xf32, #tpu.memory_space<hbm>> -> memref<32x128xf32, #tpu.memory_space<hbm>>
        tpu.wait_dma2 semaphore(%arg28 : memref<!tpu.dma_semaphore, #tpu.memory_space<semaphore_mem>>) src(%dma_wait3A_388 : memref<32x128xf32, #tpu.memory_space<hbm>>) dst(%arg8 : memref<32x128xf32, #tpu.memory_space<vmem>>)
        %dma_start3A_389 = arith.constant 0 : i32
        %dma_start3A_390 = arith.constant 0 : i32
        %dma_start3A_391 = tpu.memref_slice %arg5[%dma_start3A_389, %dma_start3A_390] : memref<10064x128xf32, #tpu.memory_space<vmem_shared>> -> memref<10064x128xf32, #tpu.memory_space<vmem_shared>>
        tpu.enqueue_indirect_dma source(%arg8 : memref<32x128xf32, #tpu.memory_space<vmem>>) target(%dma_start3A_391 : memref<10064x128xf32, #tpu.memory_space<vmem_shared>>) offsets(%arg23 : memref<32xi32, #tpu.memory_space<vmem>>) semaphore(%arg33 : memref<!tpu.dma_semaphore, #tpu.memory_space<semaphore_mem>>) {add = true}
        %dma_wait3A_392 = arith.constant 0 : i32
        %dma_wait3A_393 = arith.constant 0 : i32
        %dma_wait3A_394 = tpu.memref_slice %arg2[%scan3A_319, %dma_wait3A_392, %dma_wait3A_393] : memref<2x10000x128xf32, #tpu.memory_space<hbm>> -> memref<1x10000x128xf32, #tpu.memory_space<hbm>>
        %dma_wait3A_395 = tpu.memref_squeeze %dma_wait3A_394 : memref<1x10000x128xf32, #tpu.memory_space<hbm>> -> memref<10000x128xf32, #tpu.memory_space<hbm>>
        %dma_wait3A_396 = arith.constant 0 : i32
        %dma_wait3A_397 = arith.constant 0 : i32
        %dma_wait3A_398 = tpu.memref_slice %dma_wait3A_395[%dma_wait3A_396, %dma_wait3A_397] : memref<10000x128xf32, #tpu.memory_space<hbm>> -> memref<32x128xf32, #tpu.memory_space<hbm>>
        %dma_wait3A_399 = arith.constant 0 : i32
        %dma_wait3A_400 = arith.constant 0 : i32
        %dma_wait3A_401 = tpu.memref_slice %arg2[%scan3A_319, %dma_wait3A_399, %dma_wait3A_400] : memref<2x10000x128xf32, #tpu.memory_space<hbm>> -> memref<1x10000x128xf32, #tpu.memory_space<hbm>>
        %dma_wait3A_402 = tpu.memref_squeeze %dma_wait3A_401 : memref<1x10000x128xf32, #tpu.memory_space<hbm>> -> memref<10000x128xf32, #tpu.memory_space<hbm>>
        %dma_wait3A_403 = arith.constant 0 : i32
        %dma_wait3A_404 = arith.constant 0 : i32
        %dma_wait3A_405 = tpu.memref_slice %dma_wait3A_402[%dma_wait3A_403, %dma_wait3A_404] : memref<10000x128xf32, #tpu.memory_space<hbm>> -> memref<32x128xf32, #tpu.memory_space<hbm>>
        tpu.wait_dma2 semaphore(%arg29 : memref<!tpu.dma_semaphore, #tpu.memory_space<semaphore_mem>>) src(%dma_wait3A_405 : memref<32x128xf32, #tpu.memory_space<hbm>>) dst(%arg9 : memref<32x128xf32, #tpu.memory_space<vmem>>)
        %dma_start3A_406 = arith.constant 0 : i32
        %dma_start3A_407 = arith.constant 0 : i32
        %dma_start3A_408 = tpu.memref_slice %arg5[%dma_start3A_406, %dma_start3A_407] : memref<10064x128xf32, #tpu.memory_space<vmem_shared>> -> memref<10064x128xf32, #tpu.memory_space<vmem_shared>>
        tpu.enqueue_indirect_dma source(%arg9 : memref<32x128xf32, #tpu.memory_space<vmem>>) target(%dma_start3A_408 : memref<10064x128xf32, #tpu.memory_space<vmem_shared>>) offsets(%arg24 : memref<32xi32, #tpu.memory_space<vmem>>) semaphore(%arg34 : memref<!tpu.dma_semaphore, #tpu.memory_space<semaphore_mem>>) {add = true}
        %dma_wait3A_409 = arith.constant 0 : i32
        %dma_wait3A_410 = arith.constant 0 : i32
        %dma_wait3A_411 = tpu.memref_slice %arg2[%scan3A_319, %dma_wait3A_409, %dma_wait3A_410] : memref<2x10000x128xf32, #tpu.memory_space<hbm>> -> memref<1x10000x128xf32, #tpu.memory_space<hbm>>
        %dma_wait3A_412 = tpu.memref_squeeze %dma_wait3A_411 : memref<1x10000x128xf32, #tpu.memory_space<hbm>> -> memref<10000x128xf32, #tpu.memory_space<hbm>>
        %dma_wait3A_413 = arith.constant 0 : i32
        %dma_wait3A_414 = arith.constant 0 : i32
        %dma_wait3A_415 = tpu.memref_slice %dma_wait3A_412[%dma_wait3A_413, %dma_wait3A_414] : memref<10000x128xf32, #tpu.memory_space<hbm>> -> memref<32x128xf32, #tpu.memory_space<hbm>>
        %dma_wait3A_416 = arith.constant 0 : i32
        %dma_wait3A_417 = arith.constant 0 : i32
        %dma_wait3A_418 = tpu.memref_slice %arg2[%scan3A_319, %dma_wait3A_416, %dma_wait3A_417] : memref<2x10000x128xf32, #tpu.memory_space<hbm>> -> memref<1x10000x128xf32, #tpu.memory_space<hbm>>
        %dma_wait3A_419 = tpu.memref_squeeze %dma_wait3A_418 : memref<1x10000x128xf32, #tpu.memory_space<hbm>> -> memref<10000x128xf32, #tpu.memory_space<hbm>>
        %dma_wait3A_420 = arith.constant 0 : i32
        %dma_wait3A_421 = arith.constant 0 : i32
        %dma_wait3A_422 = tpu.memref_slice %dma_wait3A_419[%dma_wait3A_420, %dma_wait3A_421] : memref<10000x128xf32, #tpu.memory_space<hbm>> -> memref<32x128xf32, #tpu.memory_space<hbm>>
        tpu.wait_dma2 semaphore(%arg30 : memref<!tpu.dma_semaphore, #tpu.memory_space<semaphore_mem>>) src(%dma_wait3A_422 : memref<32x128xf32, #tpu.memory_space<hbm>>) dst(%arg10 : memref<32x128xf32, #tpu.memory_space<vmem>>)
        %dma_start3A_423 = arith.constant 0 : i32
        %dma_start3A_424 = arith.constant 0 : i32
        %dma_start3A_425 = tpu.memref_slice %arg5[%dma_start3A_423, %dma_start3A_424] : memref<10064x128xf32, #tpu.memory_space<vmem_shared>> -> memref<10064x128xf32, #tpu.memory_space<vmem_shared>>
        tpu.enqueue_indirect_dma source(%arg10 : memref<32x128xf32, #tpu.memory_space<vmem>>) target(%dma_start3A_425 : memref<10064x128xf32, #tpu.memory_space<vmem_shared>>) offsets(%arg25 : memref<32xi32, #tpu.memory_space<vmem>>) semaphore(%arg35 : memref<!tpu.dma_semaphore, #tpu.memory_space<semaphore_mem>>) {add = true}
        %lt3A = arith.constant 124 : i32
        %lt3A_426 = arith.cmpi slt, %scan3A_340, %lt3A : i32
        %convert_element_type3A_427 = arith.extui %lt3A_426 : i1 to i32
        %cond3A_428 = arith.constant 0 : i32
        %cond3A_429 = arith.cmpi ne, %convert_element_type3A_427, %cond3A_428 : i32
        scf.if %cond3A_429 {
          %add3A = arith.constant 1 : i32
          %add3A_430 = arith.addi %scan3A_340, %add3A : i32
          %mul3A_431 = arith.constant 5 : i32
          %mul3A_432 = arith.muli %add3A_430, %mul3A_431 : i32
          %add3A_433 = arith.constant 0 : i32
          %add3A_434 = arith.addi %mul3A_432, %add3A_433 : i32
          %dma_wait3A_435 = arith.constant 0 : i32
          %dma_wait3A_436 = arith.constant 0 : i32
          %dma_wait3A_437 = tpu.memref_slice %arg5[%dma_wait3A_435, %dma_wait3A_436] : memref<10064x128xf32, #tpu.memory_space<vmem_shared>> -> memref<10064x128xf32, #tpu.memory_space<vmem_shared>>
          tpu.wait_indirect_dma semaphore(%arg31 : memref<!tpu.dma_semaphore, #tpu.memory_space<semaphore_mem>>) src(%arg6 : memref<32x128xf32, #tpu.memory_space<vmem>>) dst(%dma_wait3A_437 : memref<10064x128xf32, #tpu.memory_space<vmem_shared>>)
          %dma_wait3A_438 = arith.constant 0 : i32
          %dma_wait3A_439 = arith.constant 0 : i32
          %dma_wait3A_440 = tpu.memref_slice %arg3[%arg1, %dma_wait3A_438, %dma_wait3A_439] : memref<16x625x32xi32, #tpu.memory_space<hbm>> -> memref<1x1x32xi32, #tpu.memory_space<hbm>>
          %dma_wait3A_441 = tpu.memref_squeeze %dma_wait3A_440 : memref<1x1x32xi32, #tpu.memory_space<hbm>> -> memref<32xi32, #tpu.memory_space<hbm>>
          %dma_wait3A_442 = arith.constant 0 : i32
          %dma_wait3A_443 = tpu.memref_slice %arg3[%arg1, %dma_wait3A_438, %dma_wait3A_442] : memref<16x625x32xi32, #tpu.memory_space<hbm>> -> memref<1x1x32xi32, #tpu.memory_space<hbm>>
          %dma_wait3A_444 = tpu.memref_squeeze %dma_wait3A_443 : memref<1x1x32xi32, #tpu.memory_space<hbm>> -> memref<32xi32, #tpu.memory_space<hbm>>
          tpu.wait_dma2 semaphore(%arg36 : memref<!tpu.dma_semaphore, #tpu.memory_space<semaphore_mem>>) src(%dma_wait3A_444 : memref<32xi32, #tpu.memory_space<hbm>>) dst(%arg11 : memref<32xi32, #tpu.memory_space<vmem>>)
          %get3A_445 = arith.constant 0 : index
          %get3A_446 = tpu.vector_load %arg11[%get3A_445] {strides = array<i32>} : memref<32xi32, #tpu.memory_space<vmem>>, vector<16xi32>,
          %get3A_447 = vector.shape_cast %get3A_446 : vector<16xi32> to vector<16xi32>
          %and3A_448 = arith.constant 16383 : i32
          %and3A_449 = vector.broadcast %and3A_448 : i32 to vector<16xi32>
          %and3A_450 = arith.andi %get3A_447, %and3A_449 : vector<16xi32>
          %swap3A_451 = arith.constant 0 : index
          %swap3A_452 = tpu.vector_load %arg16[%swap3A_451] {strides = array<i32>} : memref<32xi32, #tpu.memory_space<vmem>>, vector<16xi32>,
          %swap3A_453 = vector.shape_cast %swap3A_452 : vector<16xi32> to vector<16xi32>
          %swap3A_454 = vector.shape_cast %and3A_450 : vector<16xi32> to vector<16xi32>
          tpu.vector_store %arg16[%swap3A_451], %swap3A_454 {strides = array<i32>} : memref<32xi32, #tpu.memory_space<vmem>>, vector<16xi32>,
          %shift_right_logical3A_455 = arith.constant 14 : i32
          %shift_right_logical3A_456 = vector.broadcast %shift_right_logical3A_455 : i32 to vector<16xi32>
          %shift_right_logical3A_457 = arith.shrui %get3A_447, %shift_right_logical3A_456 : vector<16xi32>
          %swap3A_458 = arith.constant 0 : index
          %swap3A_459 = tpu.vector_load %arg21[%swap3A_458] {strides = array<i32>} : memref<32xi32, #tpu.memory_space<vmem>>, vector<16xi32>,
          %swap3A_460 = vector.shape_cast %swap3A_459 : vector<16xi32> to vector<16xi32>
          %swap3A_461 = vector.shape_cast %shift_right_logical3A_457 : vector<16xi32> to vector<16xi32>
          tpu.vector_store %arg21[%swap3A_458], %swap3A_461 {strides = array<i32>} : memref<32xi32, #tpu.memory_space<vmem>>, vector<16xi32>,
          %get3A_462 = arith.constant 16 : index
          %get3A_463 = tpu.vector_load %arg11[%get3A_462] {strides = array<i32>} : memref<32xi32, #tpu.memory_space<vmem>>, vector<16xi32>,
          %get3A_464 = vector.shape_cast %get3A_463 : vector<16xi32> to vector<16xi32>
          %and3A_465 = arith.constant 16383 : i32
          %and3A_466 = vector.broadcast %and3A_465 : i32 to vector<16xi32>
          %and3A_467 = arith.andi %get3A_464, %and3A_466 : vector<16xi32>
          %swap3A_468 = arith.constant 16 : index
          %swap3A_469 = tpu.vector_load %arg16[%swap3A_468] {strides = array<i32>} : memref<32xi32, #tpu.memory_space<vmem>>, vector<16xi32>,
          %swap3A_470 = vector.shape_cast %swap3A_469 : vector<16xi32> to vector<16xi32>
          %swap3A_471 = vector.shape_cast %and3A_467 : vector<16xi32> to vector<16xi32>
          tpu.vector_store %arg16[%swap3A_468], %swap3A_471 {strides = array<i32>} : memref<32xi32, #tpu.memory_space<vmem>>, vector<16xi32>,
          %shift_right_logical3A_472 = arith.constant 14 : i32
          %shift_right_logical3A_473 = vector.broadcast %shift_right_logical3A_472 : i32 to vector<16xi32>
          %shift_right_logical3A_474 = arith.shrui %get3A_464, %shift_right_logical3A_473 : vector<16xi32>
          %swap3A_475 = arith.constant 16 : index
          %swap3A_476 = tpu.vector_load %arg21[%swap3A_475] {strides = array<i32>} : memref<32xi32, #tpu.memory_space<vmem>>, vector<16xi32>,
          %swap3A_477 = vector.shape_cast %swap3A_476 : vector<16xi32> to vector<16xi32>
          %swap3A_478 = vector.shape_cast %shift_right_logical3A_474 : vector<16xi32> to vector<16xi32>
          tpu.vector_store %arg21[%swap3A_475], %swap3A_478 {strides = array<i32>} : memref<32xi32, #tpu.memory_space<vmem>>, vector<16xi32>,
          %dma_start3A_479 = arith.constant 0 : i32
          %dma_start3A_480 = arith.constant 0 : i32
          %dma_start3A_481 = tpu.memref_slice %arg2[%scan3A_319, %dma_start3A_479, %dma_start3A_480] : memref<2x10000x128xf32, #tpu.memory_space<hbm>> -> memref<1x10000x128xf32, #tpu.memory_space<hbm>>
          %dma_start3A_482 = tpu.memref_squeeze %dma_start3A_481 : memref<1x10000x128xf32, #tpu.memory_space<hbm>> -> memref<10000x128xf32, #tpu.memory_space<hbm>>
          %dma_start3A_483 = arith.constant 0 : i32
          %dma_start3A_484 = arith.constant 0 : i32
          %dma_start3A_485 = tpu.memref_slice %dma_start3A_482[%dma_start3A_483, %dma_start3A_484] : memref<10000x128xf32, #tpu.memory_space<hbm>> -> memref<10000x128xf32, #tpu.memory_space<hbm>>
          tpu.enqueue_indirect_dma source(%dma_start3A_485 : memref<10000x128xf32, #tpu.memory_space<hbm>>) target(%arg6 : memref<32x128xf32, #tpu.memory_space<vmem>>) offsets(%arg16 : memref<32xi32, #tpu.memory_space<vmem>>) semaphore(%arg26 : memref<!tpu.dma_semaphore, #tpu.memory_space<semaphore_mem>>)
          %lt3A_486 = arith.constant 123 : i32
          %lt3A_487 = arith.cmpi slt, %scan3A_340, %lt3A_486 : i32
          %convert_element_type3A_488 = arith.extui %lt3A_487 : i1 to i32
          %cond3A_489 = arith.constant 0 : i32
          %cond3A_490 = arith.cmpi ne, %convert_element_type3A_488, %cond3A_489 : i32
          scf.if %cond3A_490 {
            %add3A_739 = arith.constant 5 : i32
            %add3A_740 = arith.addi %add3A_434, %add3A_739 : i32
            %dma_start3A_741 = arith.constant 0 : i32
            %dma_start3A_742 = tpu.memref_slice %arg3[%arg1, %add3A_740, %dma_start3A_741] : memref<16x625x32xi32, #tpu.memory_space<hbm>> -> memref<1x1x32xi32, #tpu.memory_space<hbm>>
            %dma_start3A_743 = tpu.memref_squeeze %dma_start3A_742 : memref<1x1x32xi32, #tpu.memory_space<hbm>> -> memref<32xi32, #tpu.memory_space<hbm>>
            %dma_start3A_744 = arith.constant 0 : i32
            %dma_start3A_745 = tpu.memref_slice %arg3[%arg1, %add3A_740, %dma_start3A_744] : memref<16x625x32xi32, #tpu.memory_space<hbm>> -> memref<1x1x32xi32, #tpu.memory_space<hbm>>
            %dma_start3A_746 = tpu.memref_squeeze %dma_start3A_745 : memref<1x1x32xi32, #tpu.memory_space<hbm>> -> memref<32xi32, #tpu.memory_space<hbm>>
            tpu.enqueue_dma source(%dma_start3A_746 : memref<32xi32, #tpu.memory_space<hbm>>) target(%arg11 : memref<32xi32, #tpu.memory_space<vmem>>) target_semaphore(%arg36 : memref<!tpu.dma_semaphore, #tpu.memory_space<semaphore_mem>>)
          } else {
          }
          %add3A_491 = arith.constant 1 : i32
          %add3A_492 = arith.addi %scan3A_340, %add3A_491 : i32
          %mul3A_493 = arith.constant 5 : i32
          %mul3A_494 = arith.muli %add3A_492, %mul3A_493 : i32
          %add3A_495 = arith.constant 1 : i32
          %add3A_496 = arith.addi %mul3A_494, %add3A_495 : i32
          %dma_wait3A_497 = arith.constant 0 : i32
          %dma_wait3A_498 = arith.constant 0 : i32
          %dma_wait3A_499 = tpu.memref_slice %arg5[%dma_wait3A_497, %dma_wait3A_498] : memref<10064x128xf32, #tpu.memory_space<vmem_shared>> -> memref<10064x128xf32, #tpu.memory_space<vmem_shared>>
          tpu.wait_indirect_dma semaphore(%arg32 : memref<!tpu.dma_semaphore, #tpu.memory_space<semaphore_mem>>) src(%arg7 : memref<32x128xf32, #tpu.memory_space<vmem>>) dst(%dma_wait3A_499 : memref<10064x128xf32, #tpu.memory_space<vmem_shared>>)
          %dma_wait3A_500 = arith.constant 0 : i32
          %dma_wait3A_501 = arith.constant 0 : i32
          %dma_wait3A_502 = tpu.memref_slice %arg3[%arg1, %dma_wait3A_500, %dma_wait3A_501] : memref<16x625x32xi32, #tpu.memory_space<hbm>> -> memref<1x1x32xi32, #tpu.memory_space<hbm>>
          %dma_wait3A_503 = tpu.memref_squeeze %dma_wait3A_502 : memref<1x1x32xi32, #tpu.memory_space<hbm>> -> memref<32xi32, #tpu.memory_space<hbm>>
          %dma_wait3A_504 = arith.constant 0 : i32
          %dma_wait3A_505 = tpu.memref_slice %arg3[%arg1, %dma_wait3A_500, %dma_wait3A_504] : memref<16x625x32xi32, #tpu.memory_space<hbm>> -> memref<1x1x32xi32, #tpu.memory_space<hbm>>
          %dma_wait3A_506 = tpu.memref_squeeze %dma_wait3A_505 : memref<1x1x32xi32, #tpu.memory_space<hbm>> -> memref<32xi32, #tpu.memory_space<hbm>>
          tpu.wait_dma2 semaphore(%arg37 : memref<!tpu.dma_semaphore, #tpu.memory_space<semaphore_mem>>) src(%dma_wait3A_506 : memref<32xi32, #tpu.memory_space<hbm>>) dst(%arg12 : memref<32xi32, #tpu.memory_space<vmem>>)
          %get3A_507 = arith.constant 0 : index
          %get3A_508 = tpu.vector_load %arg12[%get3A_507] {strides = array<i32>} : memref<32xi32, #tpu.memory_space<vmem>>, vector<16xi32>,
          %get3A_509 = vector.shape_cast %get3A_508 : vector<16xi32> to vector<16xi32>
          %and3A_510 = arith.constant 16383 : i32
          %and3A_511 = vector.broadcast %and3A_510 : i32 to vector<16xi32>
          %and3A_512 = arith.andi %get3A_509, %and3A_511 : vector<16xi32>
          %swap3A_513 = arith.constant 0 : index
          %swap3A_514 = tpu.vector_load %arg17[%swap3A_513] {strides = array<i32>} : memref<32xi32, #tpu.memory_space<vmem>>, vector<16xi32>,
          %swap3A_515 = vector.shape_cast %swap3A_514 : vector<16xi32> to vector<16xi32>
          %swap3A_516 = vector.shape_cast %and3A_512 : vector<16xi32> to vector<16xi32>
          tpu.vector_store %arg17[%swap3A_513], %swap3A_516 {strides = array<i32>} : memref<32xi32, #tpu.memory_space<vmem>>, vector<16xi32>,
          %shift_right_logical3A_517 = arith.constant 14 : i32
          %shift_right_logical3A_518 = vector.broadcast %shift_right_logical3A_517 : i32 to vector<16xi32>
          %shift_right_logical3A_519 = arith.shrui %get3A_509, %shift_right_logical3A_518 : vector<16xi32>
          %swap3A_520 = arith.constant 0 : index
          %swap3A_521 = tpu.vector_load %arg22[%swap3A_520] {strides = array<i32>} : memref<32xi32, #tpu.memory_space<vmem>>, vector<16xi32>,
          %swap3A_522 = vector.shape_cast %swap3A_521 : vector<16xi32> to vector<16xi32>
          %swap3A_523 = vector.shape_cast %shift_right_logical3A_519 : vector<16xi32> to vector<16xi32>
          tpu.vector_store %arg22[%swap3A_520], %swap3A_523 {strides = array<i32>} : memref<32xi32, #tpu.memory_space<vmem>>, vector<16xi32>,
          %get3A_524 = arith.constant 16 : index
          %get3A_525 = tpu.vector_load %arg12[%get3A_524] {strides = array<i32>} : memref<32xi32, #tpu.memory_space<vmem>>, vector<16xi32>,
          %get3A_526 = vector.shape_cast %get3A_525 : vector<16xi32> to vector<16xi32>
          %and3A_527 = arith.constant 16383 : i32
          %and3A_528 = vector.broadcast %and3A_527 : i32 to vector<16xi32>
          %and3A_529 = arith.andi %get3A_526, %and3A_528 : vector<16xi32>
          %swap3A_530 = arith.constant 16 : index
          %swap3A_531 = tpu.vector_load %arg17[%swap3A_530] {strides = array<i32>} : memref<32xi32, #tpu.memory_space<vmem>>, vector<16xi32>,
          %swap3A_532 = vector.shape_cast %swap3A_531 : vector<16xi32> to vector<16xi32>
          %swap3A_533 = vector.shape_cast %and3A_529 : vector<16xi32> to vector<16xi32>
          tpu.vector_store %arg17[%swap3A_530], %swap3A_533 {strides = array<i32>} : memref<32xi32, #tpu.memory_space<vmem>>, vector<16xi32>,
          %shift_right_logical3A_534 = arith.constant 14 : i32
          %shift_right_logical3A_535 = vector.broadcast %shift_right_logical3A_534 : i32 to vector<16xi32>
          %shift_right_logical3A_536 = arith.shrui %get3A_526, %shift_right_logical3A_535 : vector<16xi32>
          %swap3A_537 = arith.constant 16 : index
          %swap3A_538 = tpu.vector_load %arg22[%swap3A_537] {strides = array<i32>} : memref<32xi32, #tpu.memory_space<vmem>>, vector<16xi32>,
          %swap3A_539 = vector.shape_cast %swap3A_538 : vector<16xi32> to vector<16xi32>
          %swap3A_540 = vector.shape_cast %shift_right_logical3A_536 : vector<16xi32> to vector<16xi32>
          tpu.vector_store %arg22[%swap3A_537], %swap3A_540 {strides = array<i32>} : memref<32xi32, #tpu.memory_space<vmem>>, vector<16xi32>,
          %dma_start3A_541 = arith.constant 0 : i32
          %dma_start3A_542 = arith.constant 0 : i32
          %dma_start3A_543 = tpu.memref_slice %arg2[%scan3A_319, %dma_start3A_541, %dma_start3A_542] : memref<2x10000x128xf32, #tpu.memory_space<hbm>> -> memref<1x10000x128xf32, #tpu.memory_space<hbm>>
          %dma_start3A_544 = tpu.memref_squeeze %dma_start3A_543 : memref<1x10000x128xf32, #tpu.memory_space<hbm>> -> memref<10000x128xf32, #tpu.memory_space<hbm>>
          %dma_start3A_545 = arith.constant 0 : i32
          %dma_start3A_546 = arith.constant 0 : i32
          %dma_start3A_547 = tpu.memref_slice %dma_start3A_544[%dma_start3A_545, %dma_start3A_546] : memref<10000x128xf32, #tpu.memory_space<hbm>> -> memref<10000x128xf32, #tpu.memory_space<hbm>>
          tpu.enqueue_indirect_dma source(%dma_start3A_547 : memref<10000x128xf32, #tpu.memory_space<hbm>>) target(%arg7 : memref<32x128xf32, #tpu.memory_space<vmem>>) offsets(%arg17 : memref<32xi32, #tpu.memory_space<vmem>>) semaphore(%arg27 : memref<!tpu.dma_semaphore, #tpu.memory_space<semaphore_mem>>)
          %lt3A_548 = arith.constant 123 : i32
          %lt3A_549 = arith.cmpi slt, %scan3A_340, %lt3A_548 : i32
          %convert_element_type3A_550 = arith.extui %lt3A_549 : i1 to i32
          %cond3A_551 = arith.constant 0 : i32
          %cond3A_552 = arith.cmpi ne, %convert_element_type3A_550, %cond3A_551 : i32
          scf.if %cond3A_552 {
            %add3A_739 = arith.constant 5 : i32
            %add3A_740 = arith.addi %add3A_496, %add3A_739 : i32
            %dma_start3A_741 = arith.constant 0 : i32
            %dma_start3A_742 = tpu.memref_slice %arg3[%arg1, %add3A_740, %dma_start3A_741] : memref<16x625x32xi32, #tpu.memory_space<hbm>> -> memref<1x1x32xi32, #tpu.memory_space<hbm>>
            %dma_start3A_743 = tpu.memref_squeeze %dma_start3A_742 : memref<1x1x32xi32, #tpu.memory_space<hbm>> -> memref<32xi32, #tpu.memory_space<hbm>>
            %dma_start3A_744 = arith.constant 0 : i32
            %dma_start3A_745 = tpu.memref_slice %arg3[%arg1, %add3A_740, %dma_start3A_744] : memref<16x625x32xi32, #tpu.memory_space<hbm>> -> memref<1x1x32xi32, #tpu.memory_space<hbm>>
            %dma_start3A_746 = tpu.memref_squeeze %dma_start3A_745 : memref<1x1x32xi32, #tpu.memory_space<hbm>> -> memref<32xi32, #tpu.memory_space<hbm>>
            tpu.enqueue_dma source(%dma_start3A_746 : memref<32xi32, #tpu.memory_space<hbm>>) target(%arg12 : memref<32xi32, #tpu.memory_space<vmem>>) target_semaphore(%arg37 : memref<!tpu.dma_semaphore, #tpu.memory_space<semaphore_mem>>)
          } else {
          }
          %add3A_553 = arith.constant 1 : i32
          %add3A_554 = arith.addi %scan3A_340, %add3A_553 : i32
          %mul3A_555 = arith.constant 5 : i32
          %mul3A_556 = arith.muli %add3A_554, %mul3A_555 : i32
          %add3A_557 = arith.constant 2 : i32
          %add3A_558 = arith.addi %mul3A_556, %add3A_557 : i32
          %dma_wait3A_559 = arith.constant 0 : i32
          %dma_wait3A_560 = arith.constant 0 : i32
          %dma_wait3A_561 = tpu.memref_slice %arg5[%dma_wait3A_559, %dma_wait3A_560] : memref<10064x128xf32, #tpu.memory_space<vmem_shared>> -> memref<10064x128xf32, #tpu.memory_space<vmem_shared>>
          tpu.wait_indirect_dma semaphore(%arg33 : memref<!tpu.dma_semaphore, #tpu.memory_space<semaphore_mem>>) src(%arg8 : memref<32x128xf32, #tpu.memory_space<vmem>>) dst(%dma_wait3A_561 : memref<10064x128xf32, #tpu.memory_space<vmem_shared>>)
          %dma_wait3A_562 = arith.constant 0 : i32
          %dma_wait3A_563 = arith.constant 0 : i32
          %dma_wait3A_564 = tpu.memref_slice %arg3[%arg1, %dma_wait3A_562, %dma_wait3A_563] : memref<16x625x32xi32, #tpu.memory_space<hbm>> -> memref<1x1x32xi32, #tpu.memory_space<hbm>>
          %dma_wait3A_565 = tpu.memref_squeeze %dma_wait3A_564 : memref<1x1x32xi32, #tpu.memory_space<hbm>> -> memref<32xi32, #tpu.memory_space<hbm>>
          %dma_wait3A_566 = arith.constant 0 : i32
          %dma_wait3A_567 = tpu.memref_slice %arg3[%arg1, %dma_wait3A_562, %dma_wait3A_566] : memref<16x625x32xi32, #tpu.memory_space<hbm>> -> memref<1x1x32xi32, #tpu.memory_space<hbm>>
          %dma_wait3A_568 = tpu.memref_squeeze %dma_wait3A_567 : memref<1x1x32xi32, #tpu.memory_space<hbm>> -> memref<32xi32, #tpu.memory_space<hbm>>
          tpu.wait_dma2 semaphore(%arg38 : memref<!tpu.dma_semaphore, #tpu.memory_space<semaphore_mem>>) src(%dma_wait3A_568 : memref<32xi32, #tpu.memory_space<hbm>>) dst(%arg13 : memref<32xi32, #tpu.memory_space<vmem>>)
          %get3A_569 = arith.constant 0 : index
          %get3A_570 = tpu.vector_load %arg13[%get3A_569] {strides = array<i32>} : memref<32xi32, #tpu.memory_space<vmem>>, vector<16xi32>,
          %get3A_571 = vector.shape_cast %get3A_570 : vector<16xi32> to vector<16xi32>
          %and3A_572 = arith.constant 16383 : i32
          %and3A_573 = vector.broadcast %and3A_572 : i32 to vector<16xi32>
          %and3A_574 = arith.andi %get3A_571, %and3A_573 : vector<16xi32>
          %swap3A_575 = arith.constant 0 : index
          %swap3A_576 = tpu.vector_load %arg18[%swap3A_575] {strides = array<i32>} : memref<32xi32, #tpu.memory_space<vmem>>, vector<16xi32>,
          %swap3A_577 = vector.shape_cast %swap3A_576 : vector<16xi32> to vector<16xi32>
          %swap3A_578 = vector.shape_cast %and3A_574 : vector<16xi32> to vector<16xi32>
          tpu.vector_store %arg18[%swap3A_575], %swap3A_578 {strides = array<i32>} : memref<32xi32, #tpu.memory_space<vmem>>, vector<16xi32>,
          %shift_right_logical3A_579 = arith.constant 14 : i32
          %shift_right_logical3A_580 = vector.broadcast %shift_right_logical3A_579 : i32 to vector<16xi32>
          %shift_right_logical3A_581 = arith.shrui %get3A_571, %shift_right_logical3A_580 : vector<16xi32>
          %swap3A_582 = arith.constant 0 : index
          %swap3A_583 = tpu.vector_load %arg23[%swap3A_582] {strides = array<i32>} : memref<32xi32, #tpu.memory_space<vmem>>, vector<16xi32>,
          %swap3A_584 = vector.shape_cast %swap3A_583 : vector<16xi32> to vector<16xi32>
          %swap3A_585 = vector.shape_cast %shift_right_logical3A_581 : vector<16xi32> to vector<16xi32>
          tpu.vector_store %arg23[%swap3A_582], %swap3A_585 {strides = array<i32>} : memref<32xi32, #tpu.memory_space<vmem>>, vector<16xi32>,
          %get3A_586 = arith.constant 16 : index
          %get3A_587 = tpu.vector_load %arg13[%get3A_586] {strides = array<i32>} : memref<32xi32, #tpu.memory_space<vmem>>, vector<16xi32>,
          %get3A_588 = vector.shape_cast %get3A_587 : vector<16xi32> to vector<16xi32>
          %and3A_589 = arith.constant 16383 : i32
          %and3A_590 = vector.broadcast %and3A_589 : i32 to vector<16xi32>
          %and3A_591 = arith.andi %get3A_588, %and3A_590 : vector<16xi32>
          %swap3A_592 = arith.constant 16 : index
          %swap3A_593 = tpu.vector_load %arg18[%swap3A_592] {strides = array<i32>} : memref<32xi32, #tpu.memory_space<vmem>>, vector<16xi32>,
          %swap3A_594 = vector.shape_cast %swap3A_593 : vector<16xi32> to vector<16xi32>
          %swap3A_595 = vector.shape_cast %and3A_591 : vector<16xi32> to vector<16xi32>
          tpu.vector_store %arg18[%swap3A_592], %swap3A_595 {strides = array<i32>} : memref<32xi32, #tpu.memory_space<vmem>>, vector<16xi32>,
          %shift_right_logical3A_596 = arith.constant 14 : i32
          %shift_right_logical3A_597 = vector.broadcast %shift_right_logical3A_596 : i32 to vector<16xi32>
          %shift_right_logical3A_598 = arith.shrui %get3A_588, %shift_right_logical3A_597 : vector<16xi32>
          %swap3A_599 = arith.constant 16 : index
          %swap3A_600 = tpu.vector_load %arg23[%swap3A_599] {strides = array<i32>} : memref<32xi32, #tpu.memory_space<vmem>>, vector<16xi32>,
          %swap3A_601 = vector.shape_cast %swap3A_600 : vector<16xi32> to vector<16xi32>
          %swap3A_602 = vector.shape_cast %shift_right_logical3A_598 : vector<16xi32> to vector<16xi32>
          tpu.vector_store %arg23[%swap3A_599], %swap3A_602 {strides = array<i32>} : memref<32xi32, #tpu.memory_space<vmem>>, vector<16xi32>,
          %dma_start3A_603 = arith.constant 0 : i32
          %dma_start3A_604 = arith.constant 0 : i32
          %dma_start3A_605 = tpu.memref_slice %arg2[%scan3A_319, %dma_start3A_603, %dma_start3A_604] : memref<2x10000x128xf32, #tpu.memory_space<hbm>> -> memref<1x10000x128xf32, #tpu.memory_space<hbm>>
          %dma_start3A_606 = tpu.memref_squeeze %dma_start3A_605 : memref<1x10000x128xf32, #tpu.memory_space<hbm>> -> memref<10000x128xf32, #tpu.memory_space<hbm>>
          %dma_start3A_607 = arith.constant 0 : i32
          %dma_start3A_608 = arith.constant 0 : i32
          %dma_start3A_609 = tpu.memref_slice %dma_start3A_606[%dma_start3A_607, %dma_start3A_608] : memref<10000x128xf32, #tpu.memory_space<hbm>> -> memref<10000x128xf32, #tpu.memory_space<hbm>>
          tpu.enqueue_indirect_dma source(%dma_start3A_609 : memref<10000x128xf32, #tpu.memory_space<hbm>>) target(%arg8 : memref<32x128xf32, #tpu.memory_space<vmem>>) offsets(%arg18 : memref<32xi32, #tpu.memory_space<vmem>>) semaphore(%arg28 : memref<!tpu.dma_semaphore, #tpu.memory_space<semaphore_mem>>)
          %lt3A_610 = arith.constant 123 : i32
          %lt3A_611 = arith.cmpi slt, %scan3A_340, %lt3A_610 : i32
          %convert_element_type3A_612 = arith.extui %lt3A_611 : i1 to i32
          %cond3A_613 = arith.constant 0 : i32
          %cond3A_614 = arith.cmpi ne, %convert_element_type3A_612, %cond3A_613 : i32
          scf.if %cond3A_614 {
            %add3A_739 = arith.constant 5 : i32
            %add3A_740 = arith.addi %add3A_558, %add3A_739 : i32
            %dma_start3A_741 = arith.constant 0 : i32
            %dma_start3A_742 = tpu.memref_slice %arg3[%arg1, %add3A_740, %dma_start3A_741] : memref<16x625x32xi32, #tpu.memory_space<hbm>> -> memref<1x1x32xi32, #tpu.memory_space<hbm>>
            %dma_start3A_743 = tpu.memref_squeeze %dma_start3A_742 : memref<1x1x32xi32, #tpu.memory_space<hbm>> -> memref<32xi32, #tpu.memory_space<hbm>>
            %dma_start3A_744 = arith.constant 0 : i32
            %dma_start3A_745 = tpu.memref_slice %arg3[%arg1, %add3A_740, %dma_start3A_744] : memref<16x625x32xi32, #tpu.memory_space<hbm>> -> memref<1x1x32xi32, #tpu.memory_space<hbm>>
            %dma_start3A_746 = tpu.memref_squeeze %dma_start3A_745 : memref<1x1x32xi32, #tpu.memory_space<hbm>> -> memref<32xi32, #tpu.memory_space<hbm>>
            tpu.enqueue_dma source(%dma_start3A_746 : memref<32xi32, #tpu.memory_space<hbm>>) target(%arg13 : memref<32xi32, #tpu.memory_space<vmem>>) target_semaphore(%arg38 : memref<!tpu.dma_semaphore, #tpu.memory_space<semaphore_mem>>)
          } else {
          }
          %add3A_615 = arith.constant 1 : i32
          %add3A_616 = arith.addi %scan3A_340, %add3A_615 : i32
          %mul3A_617 = arith.constant 5 : i32
          %mul3A_618 = arith.muli %add3A_616, %mul3A_617 : i32
          %add3A_619 = arith.constant 3 : i32
          %add3A_620 = arith.addi %mul3A_618, %add3A_619 : i32
          %dma_wait3A_621 = arith.constant 0 : i32
          %dma_wait3A_622 = arith.constant 0 : i32
          %dma_wait3A_623 = tpu.memref_slice %arg5[%dma_wait3A_621, %dma_wait3A_622] : memref<10064x128xf32, #tpu.memory_space<vmem_shared>> -> memref<10064x128xf32, #tpu.memory_space<vmem_shared>>
          tpu.wait_indirect_dma semaphore(%arg34 : memref<!tpu.dma_semaphore, #tpu.memory_space<semaphore_mem>>) src(%arg9 : memref<32x128xf32, #tpu.memory_space<vmem>>) dst(%dma_wait3A_623 : memref<10064x128xf32, #tpu.memory_space<vmem_shared>>)
          %dma_wait3A_624 = arith.constant 0 : i32
          %dma_wait3A_625 = arith.constant 0 : i32
          %dma_wait3A_626 = tpu.memref_slice %arg3[%arg1, %dma_wait3A_624, %dma_wait3A_625] : memref<16x625x32xi32, #tpu.memory_space<hbm>> -> memref<1x1x32xi32, #tpu.memory_space<hbm>>
          %dma_wait3A_627 = tpu.memref_squeeze %dma_wait3A_626 : memref<1x1x32xi32, #tpu.memory_space<hbm>> -> memref<32xi32, #tpu.memory_space<hbm>>
          %dma_wait3A_628 = arith.constant 0 : i32
          %dma_wait3A_629 = tpu.memref_slice %arg3[%arg1, %dma_wait3A_624, %dma_wait3A_628] : memref<16x625x32xi32, #tpu.memory_space<hbm>> -> memref<1x1x32xi32, #tpu.memory_space<hbm>>
          %dma_wait3A_630 = tpu.memref_squeeze %dma_wait3A_629 : memref<1x1x32xi32, #tpu.memory_space<hbm>> -> memref<32xi32, #tpu.memory_space<hbm>>
          tpu.wait_dma2 semaphore(%arg39 : memref<!tpu.dma_semaphore, #tpu.memory_space<semaphore_mem>>) src(%dma_wait3A_630 : memref<32xi32, #tpu.memory_space<hbm>>) dst(%arg14 : memref<32xi32, #tpu.memory_space<vmem>>)
          %get3A_631 = arith.constant 0 : index
          %get3A_632 = tpu.vector_load %arg14[%get3A_631] {strides = array<i32>} : memref<32xi32, #tpu.memory_space<vmem>>, vector<16xi32>,
          %get3A_633 = vector.shape_cast %get3A_632 : vector<16xi32> to vector<16xi32>
          %and3A_634 = arith.constant 16383 : i32
          %and3A_635 = vector.broadcast %and3A_634 : i32 to vector<16xi32>
          %and3A_636 = arith.andi %get3A_633, %and3A_635 : vector<16xi32>
          %swap3A_637 = arith.constant 0 : index
          %swap3A_638 = tpu.vector_load %arg19[%swap3A_637] {strides = array<i32>} : memref<32xi32, #tpu.memory_space<vmem>>, vector<16xi32>,
          %swap3A_639 = vector.shape_cast %swap3A_638 : vector<16xi32> to vector<16xi32>
          %swap3A_640 = vector.shape_cast %and3A_636 : vector<16xi32> to vector<16xi32>
          tpu.vector_store %arg19[%swap3A_637], %swap3A_640 {strides = array<i32>} : memref<32xi32, #tpu.memory_space<vmem>>, vector<16xi32>,
          %shift_right_logical3A_641 = arith.constant 14 : i32
          %shift_right_logical3A_642 = vector.broadcast %shift_right_logical3A_641 : i32 to vector<16xi32>
          %shift_right_logical3A_643 = arith.shrui %get3A_633, %shift_right_logical3A_642 : vector<16xi32>
          %swap3A_644 = arith.constant 0 : index
          %swap3A_645 = tpu.vector_load %arg24[%swap3A_644] {strides = array<i32>} : memref<32xi32, #tpu.memory_space<vmem>>, vector<16xi32>,
          %swap3A_646 = vector.shape_cast %swap3A_645 : vector<16xi32> to vector<16xi32>
          %swap3A_647 = vector.shape_cast %shift_right_logical3A_643 : vector<16xi32> to vector<16xi32>
          tpu.vector_store %arg24[%swap3A_644], %swap3A_647 {strides = array<i32>} : memref<32xi32, #tpu.memory_space<vmem>>, vector<16xi32>,
          %get3A_648 = arith.constant 16 : index
          %get3A_649 = tpu.vector_load %arg14[%get3A_648] {strides = array<i32>} : memref<32xi32, #tpu.memory_space<vmem>>, vector<16xi32>,
          %get3A_650 = vector.shape_cast %get3A_649 : vector<16xi32> to vector<16xi32>
          %and3A_651 = arith.constant 16383 : i32
          %and3A_652 = vector.broadcast %and3A_651 : i32 to vector<16xi32>
          %and3A_653 = arith.andi %get3A_650, %and3A_652 : vector<16xi32>
          %swap3A_654 = arith.constant 16 : index
          %swap3A_655 = tpu.vector_load %arg19[%swap3A_654] {strides = array<i32>} : memref<32xi32, #tpu.memory_space<vmem>>, vector<16xi32>,
          %swap3A_656 = vector.shape_cast %swap3A_655 : vector<16xi32> to vector<16xi32>
          %swap3A_657 = vector.shape_cast %and3A_653 : vector<16xi32> to vector<16xi32>
          tpu.vector_store %arg19[%swap3A_654], %swap3A_657 {strides = array<i32>} : memref<32xi32, #tpu.memory_space<vmem>>, vector<16xi32>,
          %shift_right_logical3A_658 = arith.constant 14 : i32
          %shift_right_logical3A_659 = vector.broadcast %shift_right_logical3A_658 : i32 to vector<16xi32>
          %shift_right_logical3A_660 = arith.shrui %get3A_650, %shift_right_logical3A_659 : vector<16xi32>
          %swap3A_661 = arith.constant 16 : index
          %swap3A_662 = tpu.vector_load %arg24[%swap3A_661] {strides = array<i32>} : memref<32xi32, #tpu.memory_space<vmem>>, vector<16xi32>,
          %swap3A_663 = vector.shape_cast %swap3A_662 : vector<16xi32> to vector<16xi32>
          %swap3A_664 = vector.shape_cast %shift_right_logical3A_660 : vector<16xi32> to vector<16xi32>
          tpu.vector_store %arg24[%swap3A_661], %swap3A_664 {strides = array<i32>} : memref<32xi32, #tpu.memory_space<vmem>>, vector<16xi32>,
          %dma_start3A_665 = arith.constant 0 : i32
          %dma_start3A_666 = arith.constant 0 : i32
          %dma_start3A_667 = tpu.memref_slice %arg2[%scan3A_319, %dma_start3A_665, %dma_start3A_666] : memref<2x10000x128xf32, #tpu.memory_space<hbm>> -> memref<1x10000x128xf32, #tpu.memory_space<hbm>>
          %dma_start3A_668 = tpu.memref_squeeze %dma_start3A_667 : memref<1x10000x128xf32, #tpu.memory_space<hbm>> -> memref<10000x128xf32, #tpu.memory_space<hbm>>
          %dma_start3A_669 = arith.constant 0 : i32
          %dma_start3A_670 = arith.constant 0 : i32
          %dma_start3A_671 = tpu.memref_slice %dma_start3A_668[%dma_start3A_669, %dma_start3A_670] : memref<10000x128xf32, #tpu.memory_space<hbm>> -> memref<10000x128xf32, #tpu.memory_space<hbm>>
          tpu.enqueue_indirect_dma source(%dma_start3A_671 : memref<10000x128xf32, #tpu.memory_space<hbm>>) target(%arg9 : memref<32x128xf32, #tpu.memory_space<vmem>>) offsets(%arg19 : memref<32xi32, #tpu.memory_space<vmem>>) semaphore(%arg29 : memref<!tpu.dma_semaphore, #tpu.memory_space<semaphore_mem>>)
          %lt3A_672 = arith.constant 123 : i32
          %lt3A_673 = arith.cmpi slt, %scan3A_340, %lt3A_672 : i32
          %convert_element_type3A_674 = arith.extui %lt3A_673 : i1 to i32
          %cond3A_675 = arith.constant 0 : i32
          %cond3A_676 = arith.cmpi ne, %convert_element_type3A_674, %cond3A_675 : i32
          scf.if %cond3A_676 {
            %add3A_739 = arith.constant 5 : i32
            %add3A_740 = arith.addi %add3A_620, %add3A_739 : i32
            %dma_start3A_741 = arith.constant 0 : i32
            %dma_start3A_742 = tpu.memref_slice %arg3[%arg1, %add3A_740, %dma_start3A_741] : memref<16x625x32xi32, #tpu.memory_space<hbm>> -> memref<1x1x32xi32, #tpu.memory_space<hbm>>
            %dma_start3A_743 = tpu.memref_squeeze %dma_start3A_742 : memref<1x1x32xi32, #tpu.memory_space<hbm>> -> memref<32xi32, #tpu.memory_space<hbm>>
            %dma_start3A_744 = arith.constant 0 : i32
            %dma_start3A_745 = tpu.memref_slice %arg3[%arg1, %add3A_740, %dma_start3A_744] : memref<16x625x32xi32, #tpu.memory_space<hbm>> -> memref<1x1x32xi32, #tpu.memory_space<hbm>>
            %dma_start3A_746 = tpu.memref_squeeze %dma_start3A_745 : memref<1x1x32xi32, #tpu.memory_space<hbm>> -> memref<32xi32, #tpu.memory_space<hbm>>
            tpu.enqueue_dma source(%dma_start3A_746 : memref<32xi32, #tpu.memory_space<hbm>>) target(%arg14 : memref<32xi32, #tpu.memory_space<vmem>>) target_semaphore(%arg39 : memref<!tpu.dma_semaphore, #tpu.memory_space<semaphore_mem>>)
          } else {
          }
          %add3A_677 = arith.constant 1 : i32
          %add3A_678 = arith.addi %scan3A_340, %add3A_677 : i32
          %mul3A_679 = arith.constant 5 : i32
          %mul3A_680 = arith.muli %add3A_678, %mul3A_679 : i32
          %add3A_681 = arith.constant 4 : i32
          %add3A_682 = arith.addi %mul3A_680, %add3A_681 : i32
          %dma_wait3A_683 = arith.constant 0 : i32
          %dma_wait3A_684 = arith.constant 0 : i32
          %dma_wait3A_685 = tpu.memref_slice %arg5[%dma_wait3A_683, %dma_wait3A_684] : memref<10064x128xf32, #tpu.memory_space<vmem_shared>> -> memref<10064x128xf32, #tpu.memory_space<vmem_shared>>
          tpu.wait_indirect_dma semaphore(%arg35 : memref<!tpu.dma_semaphore, #tpu.memory_space<semaphore_mem>>) src(%arg10 : memref<32x128xf32, #tpu.memory_space<vmem>>) dst(%dma_wait3A_685 : memref<10064x128xf32, #tpu.memory_space<vmem_shared>>)
          %dma_wait3A_686 = arith.constant 0 : i32
          %dma_wait3A_687 = arith.constant 0 : i32
          %dma_wait3A_688 = tpu.memref_slice %arg3[%arg1, %dma_wait3A_686, %dma_wait3A_687] : memref<16x625x32xi32, #tpu.memory_space<hbm>> -> memref<1x1x32xi32, #tpu.memory_space<hbm>>
          %dma_wait3A_689 = tpu.memref_squeeze %dma_wait3A_688 : memref<1x1x32xi32, #tpu.memory_space<hbm>> -> memref<32xi32, #tpu.memory_space<hbm>>
          %dma_wait3A_690 = arith.constant 0 : i32
          %dma_wait3A_691 = tpu.memref_slice %arg3[%arg1, %dma_wait3A_686, %dma_wait3A_690] : memref<16x625x32xi32, #tpu.memory_space<hbm>> -> memref<1x1x32xi32, #tpu.memory_space<hbm>>
          %dma_wait3A_692 = tpu.memref_squeeze %dma_wait3A_691 : memref<1x1x32xi32, #tpu.memory_space<hbm>> -> memref<32xi32, #tpu.memory_space<hbm>>
          tpu.wait_dma2 semaphore(%arg40 : memref<!tpu.dma_semaphore, #tpu.memory_space<semaphore_mem>>) src(%dma_wait3A_692 : memref<32xi32, #tpu.memory_space<hbm>>) dst(%arg15 : memref<32xi32, #tpu.memory_space<vmem>>)
          %get3A_693 = arith.constant 0 : index
          %get3A_694 = tpu.vector_load %arg15[%get3A_693] {strides = array<i32>} : memref<32xi32, #tpu.memory_space<vmem>>, vector<16xi32>,
          %get3A_695 = vector.shape_cast %get3A_694 : vector<16xi32> to vector<16xi32>
          %and3A_696 = arith.constant 16383 : i32
          %and3A_697 = vector.broadcast %and3A_696 : i32 to vector<16xi32>
          %and3A_698 = arith.andi %get3A_695, %and3A_697 : vector<16xi32>
          %swap3A_699 = arith.constant 0 : index
          %swap3A_700 = tpu.vector_load %arg20[%swap3A_699] {strides = array<i32>} : memref<32xi32, #tpu.memory_space<vmem>>, vector<16xi32>,
          %swap3A_701 = vector.shape_cast %swap3A_700 : vector<16xi32> to vector<16xi32>
          %swap3A_702 = vector.shape_cast %and3A_698 : vector<16xi32> to vector<16xi32>
          tpu.vector_store %arg20[%swap3A_699], %swap3A_702 {strides = array<i32>} : memref<32xi32, #tpu.memory_space<vmem>>, vector<16xi32>,
          %shift_right_logical3A_703 = arith.constant 14 : i32
          %shift_right_logical3A_704 = vector.broadcast %shift_right_logical3A_703 : i32 to vector<16xi32>
          %shift_right_logical3A_705 = arith.shrui %get3A_695, %shift_right_logical3A_704 : vector<16xi32>
          %swap3A_706 = arith.constant 0 : index
          %swap3A_707 = tpu.vector_load %arg25[%swap3A_706] {strides = array<i32>} : memref<32xi32, #tpu.memory_space<vmem>>, vector<16xi32>,
          %swap3A_708 = vector.shape_cast %swap3A_707 : vector<16xi32> to vector<16xi32>
          %swap3A_709 = vector.shape_cast %shift_right_logical3A_705 : vector<16xi32> to vector<16xi32>
          tpu.vector_store %arg25[%swap3A_706], %swap3A_709 {strides = array<i32>} : memref<32xi32, #tpu.memory_space<vmem>>, vector<16xi32>,
          %get3A_710 = arith.constant 16 : index
          %get3A_711 = tpu.vector_load %arg15[%get3A_710] {strides = array<i32>} : memref<32xi32, #tpu.memory_space<vmem>>, vector<16xi32>,
          %get3A_712 = vector.shape_cast %get3A_711 : vector<16xi32> to vector<16xi32>
          %and3A_713 = arith.constant 16383 : i32
          %and3A_714 = vector.broadcast %and3A_713 : i32 to vector<16xi32>
          %and3A_715 = arith.andi %get3A_712, %and3A_714 : vector<16xi32>
          %swap3A_716 = arith.constant 16 : index
          %swap3A_717 = tpu.vector_load %arg20[%swap3A_716] {strides = array<i32>} : memref<32xi32, #tpu.memory_space<vmem>>, vector<16xi32>,
          %swap3A_718 = vector.shape_cast %swap3A_717 : vector<16xi32> to vector<16xi32>
          %swap3A_719 = vector.shape_cast %and3A_715 : vector<16xi32> to vector<16xi32>
          tpu.vector_store %arg20[%swap3A_716], %swap3A_719 {strides = array<i32>} : memref<32xi32, #tpu.memory_space<vmem>>, vector<16xi32>,
          %shift_right_logical3A_720 = arith.constant 14 : i32
          %shift_right_logical3A_721 = vector.broadcast %shift_right_logical3A_720 : i32 to vector<16xi32>
          %shift_right_logical3A_722 = arith.shrui %get3A_712, %shift_right_logical3A_721 : vector<16xi32>
          %swap3A_723 = arith.constant 16 : index
          %swap3A_724 = tpu.vector_load %arg25[%swap3A_723] {strides = array<i32>} : memref<32xi32, #tpu.memory_space<vmem>>, vector<16xi32>,
          %swap3A_725 = vector.shape_cast %swap3A_724 : vector<16xi32> to vector<16xi32>
          %swap3A_726 = vector.shape_cast %shift_right_logical3A_722 : vector<16xi32> to vector<16xi32>
          tpu.vector_store %arg25[%swap3A_723], %swap3A_726 {strides = array<i32>} : memref<32xi32, #tpu.memory_space<vmem>>, vector<16xi32>,
          %dma_start3A_727 = arith.constant 0 : i32
          %dma_start3A_728 = arith.constant 0 : i32
          %dma_start3A_729 = tpu.memref_slice %arg2[%scan3A_319, %dma_start3A_727, %dma_start3A_728] : memref<2x10000x128xf32, #tpu.memory_space<hbm>> -> memref<1x10000x128xf32, #tpu.memory_space<hbm>>
          %dma_start3A_730 = tpu.memref_squeeze %dma_start3A_729 : memref<1x10000x128xf32, #tpu.memory_space<hbm>> -> memref<10000x128xf32, #tpu.memory_space<hbm>>
          %dma_start3A_731 = arith.constant 0 : i32
          %dma_start3A_732 = arith.constant 0 : i32
          %dma_start3A_733 = tpu.memref_slice %dma_start3A_730[%dma_start3A_731, %dma_start3A_732] : memref<10000x128xf32, #tpu.memory_space<hbm>> -> memref<10000x128xf32, #tpu.memory_space<hbm>>
          tpu.enqueue_indirect_dma source(%dma_start3A_733 : memref<10000x128xf32, #tpu.memory_space<hbm>>) target(%arg10 : memref<32x128xf32, #tpu.memory_space<vmem>>) offsets(%arg20 : memref<32xi32, #tpu.memory_space<vmem>>) semaphore(%arg30 : memref<!tpu.dma_semaphore, #tpu.memory_space<semaphore_mem>>)
          %lt3A_734 = arith.constant 123 : i32
          %lt3A_735 = arith.cmpi slt, %scan3A_340, %lt3A_734 : i32
          %convert_element_type3A_736 = arith.extui %lt3A_735 : i1 to i32
          %cond3A_737 = arith.constant 0 : i32
          %cond3A_738 = arith.cmpi ne, %convert_element_type3A_736, %cond3A_737 : i32
          scf.if %cond3A_738 {
            %add3A_739 = arith.constant 5 : i32
            %add3A_740 = arith.addi %add3A_682, %add3A_739 : i32
            %dma_start3A_741 = arith.constant 0 : i32
            %dma_start3A_742 = tpu.memref_slice %arg3[%arg1, %add3A_740, %dma_start3A_741] : memref<16x625x32xi32, #tpu.memory_space<hbm>> -> memref<1x1x32xi32, #tpu.memory_space<hbm>>
            %dma_start3A_743 = tpu.memref_squeeze %dma_start3A_742 : memref<1x1x32xi32, #tpu.memory_space<hbm>> -> memref<32xi32, #tpu.memory_space<hbm>>
            %dma_start3A_744 = arith.constant 0 : i32
            %dma_start3A_745 = tpu.memref_slice %arg3[%arg1, %add3A_740, %dma_start3A_744] : memref<16x625x32xi32, #tpu.memory_space<hbm>> -> memref<1x1x32xi32, #tpu.memory_space<hbm>>
            %dma_start3A_746 = tpu.memref_squeeze %dma_start3A_745 : memref<1x1x32xi32, #tpu.memory_space<hbm>> -> memref<32xi32, #tpu.memory_space<hbm>>
            tpu.enqueue_dma source(%dma_start3A_746 : memref<32xi32, #tpu.memory_space<hbm>>) target(%arg15 : memref<32xi32, #tpu.memory_space<vmem>>) target_semaphore(%arg40 : memref<!tpu.dma_semaphore, #tpu.memory_space<semaphore_mem>>)
          } else {
          }
        } else {
        }
      }
      %scan3A_324 = arith.constant 125 : i32
      %dma_wait3A_325 = arith.constant 0 : i32
      %dma_wait3A_326 = arith.constant 0 : i32
      %dma_wait3A_327 = tpu.memref_slice %arg5[%dma_wait3A_325, %dma_wait3A_326] : memref<10064x128xf32, #tpu.memory_space<vmem_shared>> -> memref<10064x128xf32, #tpu.memory_space<vmem_shared>>
      tpu.wait_indirect_dma semaphore(%arg31 : memref<!tpu.dma_semaphore, #tpu.memory_space<semaphore_mem>>) src(%arg6 : memref<32x128xf32, #tpu.memory_space<vmem>>) dst(%dma_wait3A_327 : memref<10064x128xf32, #tpu.memory_space<vmem_shared>>)
      %dma_wait3A_328 = arith.constant 0 : i32
      %dma_wait3A_329 = arith.constant 0 : i32
      %dma_wait3A_330 = tpu.memref_slice %arg5[%dma_wait3A_328, %dma_wait3A_329] : memref<10064x128xf32, #tpu.memory_space<vmem_shared>> -> memref<10064x128xf32, #tpu.memory_space<vmem_shared>>
      tpu.wait_indirect_dma semaphore(%arg32 : memref<!tpu.dma_semaphore, #tpu.memory_space<semaphore_mem>>) src(%arg7 : memref<32x128xf32, #tpu.memory_space<vmem>>) dst(%dma_wait3A_330 : memref<10064x128xf32, #tpu.memory_space<vmem_shared>>)
      %dma_wait3A_331 = arith.constant 0 : i32
      %dma_wait3A_332 = arith.constant 0 : i32
      %dma_wait3A_333 = tpu.memref_slice %arg5[%dma_wait3A_331, %dma_wait3A_332] : memref<10064x128xf32, #tpu.memory_space<vmem_shared>> -> memref<10064x128xf32, #tpu.memory_space<vmem_shared>>
      tpu.wait_indirect_dma semaphore(%arg33 : memref<!tpu.dma_semaphore, #tpu.memory_space<semaphore_mem>>) src(%arg8 : memref<32x128xf32, #tpu.memory_space<vmem>>) dst(%dma_wait3A_333 : memref<10064x128xf32, #tpu.memory_space<vmem_shared>>)
      %dma_wait3A_334 = arith.constant 0 : i32
      %dma_wait3A_335 = arith.constant 0 : i32
      %dma_wait3A_336 = tpu.memref_slice %arg5[%dma_wait3A_334, %dma_wait3A_335] : memref<10064x128xf32, #tpu.memory_space<vmem_shared>> -> memref<10064x128xf32, #tpu.memory_space<vmem_shared>>
      tpu.wait_indirect_dma semaphore(%arg34 : memref<!tpu.dma_semaphore, #tpu.memory_space<semaphore_mem>>) src(%arg9 : memref<32x128xf32, #tpu.memory_space<vmem>>) dst(%dma_wait3A_336 : memref<10064x128xf32, #tpu.memory_space<vmem_shared>>)
      %dma_wait3A_337 = arith.constant 0 : i32
      %dma_wait3A_338 = arith.constant 0 : i32
      %dma_wait3A_339 = tpu.memref_slice %arg5[%dma_wait3A_337, %dma_wait3A_338] : memref<10064x128xf32, #tpu.memory_space<vmem_shared>> -> memref<10064x128xf32, #tpu.memory_space<vmem_shared>>
      tpu.wait_indirect_dma semaphore(%arg35 : memref<!tpu.dma_semaphore, #tpu.memory_space<semaphore_mem>>) src(%arg10 : memref<32x128xf32, #tpu.memory_space<vmem>>) dst(%dma_wait3A_339 : memref<10064x128xf32, #tpu.memory_space<vmem_shared>>)
    } else {
    }
    %eq3A_4 = arith.constant 1 : i32
    %eq3A_5 = arith.cmpi eq, %arg0, %eq3A_4 : i32
    %convert_element_type3A_6 = arith.extui %eq3A_5 : i1 to i32
    %cond3A_7 = arith.constant 0 : i32
    %cond3A_8 = arith.cmpi ne, %convert_element_type3A_6, %cond3A_7 : i32
    scf.if %cond3A_8 {
      %dma_start3A = arith.constant 0 : i32
      %dma_start3A_10 = arith.constant 0 : i32
      %dma_start3A_11 = tpu.memref_slice %arg3[%arg1, %dma_start3A, %dma_start3A_10] : memref<16x625x32xi32, #tpu.memory_space<hbm>> -> memref<1x1x32xi32, #tpu.memory_space<hbm>>
      %dma_start3A_12 = tpu.memref_squeeze %dma_start3A_11 : memref<1x1x32xi32, #tpu.memory_space<hbm>> -> memref<32xi32, #tpu.memory_space<hbm>>
      %dma_start3A_13 = arith.constant 0 : i32
      %dma_start3A_14 = tpu.memref_slice %arg3[%arg1, %dma_start3A, %dma_start3A_13] : memref<16x625x32xi32, #tpu.memory_space<hbm>> -> memref<1x1x32xi32, #tpu.memory_space<hbm>>
      %dma_start3A_15 = tpu.memref_squeeze %dma_start3A_14 : memref<1x1x32xi32, #tpu.memory_space<hbm>> -> memref<32xi32, #tpu.memory_space<hbm>>
      tpu.enqueue_dma source(%dma_start3A_15 : memref<32xi32, #tpu.memory_space<hbm>>) target(%arg11 : memref<32xi32, #tpu.memory_space<vmem>>) target_semaphore(%arg36 : memref<!tpu.dma_semaphore, #tpu.memory_space<semaphore_mem>>)
      %dma_start3A_16 = arith.constant 1 : i32
      %dma_start3A_17 = arith.constant 0 : i32
      %dma_start3A_18 = tpu.memref_slice %arg3[%arg1, %dma_start3A_16, %dma_start3A_17] : memref<16x625x32xi32, #tpu.memory_space<hbm>> -> memref<1x1x32xi32, #tpu.memory_space<hbm>>
      %dma_start3A_19 = tpu.memref_squeeze %dma_start3A_18 : memref<1x1x32xi32, #tpu.memory_space<hbm>> -> memref<32xi32, #tpu.memory_space<hbm>>
      %dma_start3A_20 = arith.constant 0 : i32
      %dma_start3A_21 = tpu.memref_slice %arg3[%arg1, %dma_start3A_16, %dma_start3A_20] : memref<16x625x32xi32, #tpu.memory_space<hbm>> -> memref<1x1x32xi32, #tpu.memory_space<hbm>>
      %dma_start3A_22 = tpu.memref_squeeze %dma_start3A_21 : memref<1x1x32xi32, #tpu.memory_space<hbm>> -> memref<32xi32, #tpu.memory_space<hbm>>
      tpu.enqueue_dma source(%dma_start3A_22 : memref<32xi32, #tpu.memory_space<hbm>>) target(%arg12 : memref<32xi32, #tpu.memory_space<vmem>>) target_semaphore(%arg37 : memref<!tpu.dma_semaphore, #tpu.memory_space<semaphore_mem>>)
      %dma_start3A_23 = arith.constant 2 : i32
      %dma_start3A_24 = arith.constant 0 : i32
      %dma_start3A_25 = tpu.memref_slice %arg3[%arg1, %dma_start3A_23, %dma_start3A_24] : memref<16x625x32xi32, #tpu.memory_space<hbm>> -> memref<1x1x32xi32, #tpu.memory_space<hbm>>
      %dma_start3A_26 = tpu.memref_squeeze %dma_start3A_25 : memref<1x1x32xi32, #tpu.memory_space<hbm>> -> memref<32xi32, #tpu.memory_space<hbm>>
      %dma_start3A_27 = arith.constant 0 : i32
      %dma_start3A_28 = tpu.memref_slice %arg3[%arg1, %dma_start3A_23, %dma_start3A_27] : memref<16x625x32xi32, #tpu.memory_space<hbm>> -> memref<1x1x32xi32, #tpu.memory_space<hbm>>
      %dma_start3A_29 = tpu.memref_squeeze %dma_start3A_28 : memref<1x1x32xi32, #tpu.memory_space<hbm>> -> memref<32xi32, #tpu.memory_space<hbm>>
      tpu.enqueue_dma source(%dma_start3A_29 : memref<32xi32, #tpu.memory_space<hbm>>) target(%arg13 : memref<32xi32, #tpu.memory_space<vmem>>) target_semaphore(%arg38 : memref<!tpu.dma_semaphore, #tpu.memory_space<semaphore_mem>>)
      %dma_start3A_30 = arith.constant 3 : i32
      %dma_start3A_31 = arith.constant 0 : i32
      %dma_start3A_32 = tpu.memref_slice %arg3[%arg1, %dma_start3A_30, %dma_start3A_31] : memref<16x625x32xi32, #tpu.memory_space<hbm>> -> memref<1x1x32xi32, #tpu.memory_space<hbm>>
      %dma_start3A_33 = tpu.memref_squeeze %dma_start3A_32 : memref<1x1x32xi32, #tpu.memory_space<hbm>> -> memref<32xi32, #tpu.memory_space<hbm>>
      %dma_start3A_34 = arith.constant 0 : i32
      %dma_start3A_35 = tpu.memref_slice %arg3[%arg1, %dma_start3A_30, %dma_start3A_34] : memref<16x625x32xi32, #tpu.memory_space<hbm>> -> memref<1x1x32xi32, #tpu.memory_space<hbm>>
      %dma_start3A_36 = tpu.memref_squeeze %dma_start3A_35 : memref<1x1x32xi32, #tpu.memory_space<hbm>> -> memref<32xi32, #tpu.memory_space<hbm>>
      tpu.enqueue_dma source(%dma_start3A_36 : memref<32xi32, #tpu.memory_space<hbm>>) target(%arg14 : memref<32xi32, #tpu.memory_space<vmem>>) target_semaphore(%arg39 : memref<!tpu.dma_semaphore, #tpu.memory_space<semaphore_mem>>)
      %dma_start3A_37 = arith.constant 4 : i32
      %dma_start3A_38 = arith.constant 0 : i32
      %dma_start3A_39 = tpu.memref_slice %arg3[%arg1, %dma_start3A_37, %dma_start3A_38] : memref<16x625x32xi32, #tpu.memory_space<hbm>> -> memref<1x1x32xi32, #tpu.memory_space<hbm>>
      %dma_start3A_40 = tpu.memref_squeeze %dma_start3A_39 : memref<1x1x32xi32, #tpu.memory_space<hbm>> -> memref<32xi32, #tpu.memory_space<hbm>>
      %dma_start3A_41 = arith.constant 0 : i32
      %dma_start3A_42 = tpu.memref_slice %arg3[%arg1, %dma_start3A_37, %dma_start3A_41] : memref<16x625x32xi32, #tpu.memory_space<hbm>> -> memref<1x1x32xi32, #tpu.memory_space<hbm>>
      %dma_start3A_43 = tpu.memref_squeeze %dma_start3A_42 : memref<1x1x32xi32, #tpu.memory_space<hbm>> -> memref<32xi32, #tpu.memory_space<hbm>>
      tpu.enqueue_dma source(%dma_start3A_43 : memref<32xi32, #tpu.memory_space<hbm>>) target(%arg15 : memref<32xi32, #tpu.memory_space<vmem>>) target_semaphore(%arg40 : memref<!tpu.dma_semaphore, #tpu.memory_space<semaphore_mem>>)
      %dma_wait3A = arith.constant 0 : i32
      %dma_wait3A_44 = arith.constant 0 : i32
      %dma_wait3A_45 = tpu.memref_slice %arg3[%arg1, %dma_wait3A, %dma_wait3A_44] : memref<16x625x32xi32, #tpu.memory_space<hbm>> -> memref<1x1x32xi32, #tpu.memory_space<hbm>>
      %dma_wait3A_46 = tpu.memref_squeeze %dma_wait3A_45 : memref<1x1x32xi32, #tpu.memory_space<hbm>> -> memref<32xi32, #tpu.memory_space<hbm>>
      %dma_wait3A_47 = arith.constant 0 : i32
      %dma_wait3A_48 = tpu.memref_slice %arg3[%arg1, %dma_wait3A, %dma_wait3A_47] : memref<16x625x32xi32, #tpu.memory_space<hbm>> -> memref<1x1x32xi32, #tpu.memory_space<hbm>>
      %dma_wait3A_49 = tpu.memref_squeeze %dma_wait3A_48 : memref<1x1x32xi32, #tpu.memory_space<hbm>> -> memref<32xi32, #tpu.memory_space<hbm>>
      tpu.wait_dma2 semaphore(%arg36 : memref<!tpu.dma_semaphore, #tpu.memory_space<semaphore_mem>>) src(%dma_wait3A_49 : memref<32xi32, #tpu.memory_space<hbm>>) dst(%arg11 : memref<32xi32, #tpu.memory_space<vmem>>)
      %get3A = arith.constant 0 : index
      %get3A_50 = tpu.vector_load %arg11[%get3A] {strides = array<i32>} : memref<32xi32, #tpu.memory_space<vmem>>, vector<16xi32>,
      %get3A_51 = vector.shape_cast %get3A_50 : vector<16xi32> to vector<16xi32>
      %and3A = arith.constant 16383 : i32
      %and3A_52 = vector.broadcast %and3A : i32 to vector<16xi32>
      %and3A_53 = arith.andi %get3A_51, %and3A_52 : vector<16xi32>
      %swap3A = arith.constant 0 : index
      %swap3A_54 = tpu.vector_load %arg16[%swap3A] {strides = array<i32>} : memref<32xi32, #tpu.memory_space<vmem>>, vector<16xi32>,
      %swap3A_55 = vector.shape_cast %swap3A_54 : vector<16xi32> to vector<16xi32>
      %swap3A_56 = vector.shape_cast %and3A_53 : vector<16xi32> to vector<16xi32>
      tpu.vector_store %arg16[%swap3A], %swap3A_56 {strides = array<i32>} : memref<32xi32, #tpu.memory_space<vmem>>, vector<16xi32>,
      %shift_right_logical3A = arith.constant 14 : i32
      %shift_right_logical3A_57 = vector.broadcast %shift_right_logical3A : i32 to vector<16xi32>
      %shift_right_logical3A_58 = arith.shrui %get3A_51, %shift_right_logical3A_57 : vector<16xi32>
      %swap3A_59 = arith.constant 0 : index
      %swap3A_60 = tpu.vector_load %arg21[%swap3A_59] {strides = array<i32>} : memref<32xi32, #tpu.memory_space<vmem>>, vector<16xi32>,
      %swap3A_61 = vector.shape_cast %swap3A_60 : vector<16xi32> to vector<16xi32>
      %swap3A_62 = vector.shape_cast %shift_right_logical3A_58 : vector<16xi32> to vector<16xi32>
      tpu.vector_store %arg21[%swap3A_59], %swap3A_62 {strides = array<i32>} : memref<32xi32, #tpu.memory_space<vmem>>, vector<16xi32>,
      %get3A_63 = arith.constant 16 : index
      %get3A_64 = tpu.vector_load %arg11[%get3A_63] {strides = array<i32>} : memref<32xi32, #tpu.memory_space<vmem>>, vector<16xi32>,
      %get3A_65 = vector.shape_cast %get3A_64 : vector<16xi32> to vector<16xi32>
      %and3A_66 = arith.constant 16383 : i32
      %and3A_67 = vector.broadcast %and3A_66 : i32 to vector<16xi32>
      %and3A_68 = arith.andi %get3A_65, %and3A_67 : vector<16xi32>
      %swap3A_69 = arith.constant 16 : index
      %swap3A_70 = tpu.vector_load %arg16[%swap3A_69] {strides = array<i32>} : memref<32xi32, #tpu.memory_space<vmem>>, vector<16xi32>,
      %swap3A_71 = vector.shape_cast %swap3A_70 : vector<16xi32> to vector<16xi32>
      %swap3A_72 = vector.shape_cast %and3A_68 : vector<16xi32> to vector<16xi32>
      tpu.vector_store %arg16[%swap3A_69], %swap3A_72 {strides = array<i32>} : memref<32xi32, #tpu.memory_space<vmem>>, vector<16xi32>,
      %shift_right_logical3A_73 = arith.constant 14 : i32
      %shift_right_logical3A_74 = vector.broadcast %shift_right_logical3A_73 : i32 to vector<16xi32>
      %shift_right_logical3A_75 = arith.shrui %get3A_65, %shift_right_logical3A_74 : vector<16xi32>
      %swap3A_76 = arith.constant 16 : index
      %swap3A_77 = tpu.vector_load %arg21[%swap3A_76] {strides = array<i32>} : memref<32xi32, #tpu.memory_space<vmem>>, vector<16xi32>,
      %swap3A_78 = vector.shape_cast %swap3A_77 : vector<16xi32> to vector<16xi32>
      %swap3A_79 = vector.shape_cast %shift_right_logical3A_75 : vector<16xi32> to vector<16xi32>
      tpu.vector_store %arg21[%swap3A_76], %swap3A_79 {strides = array<i32>} : memref<32xi32, #tpu.memory_space<vmem>>, vector<16xi32>,
      %dma_start3A_80 = arith.constant 1 : i32
      %dma_start3A_81 = arith.constant 0 : i32
      %dma_start3A_82 = arith.constant 0 : i32
      %dma_start3A_83 = tpu.memref_slice %arg2[%dma_start3A_80, %dma_start3A_81, %dma_start3A_82] : memref<2x10000x128xf32, #tpu.memory_space<hbm>> -> memref<1x10000x128xf32, #tpu.memory_space<hbm>>
      %dma_start3A_84 = tpu.memref_squeeze %dma_start3A_83 : memref<1x10000x128xf32, #tpu.memory_space<hbm>> -> memref<10000x128xf32, #tpu.memory_space<hbm>>
      %dma_start3A_85 = arith.constant 0 : i32
      %dma_start3A_86 = arith.constant 0 : i32
      %dma_start3A_87 = tpu.memref_slice %dma_start3A_84[%dma_start3A_85, %dma_start3A_86] : memref<10000x128xf32, #tpu.memory_space<hbm>> -> memref<10000x128xf32, #tpu.memory_space<hbm>>
      tpu.enqueue_indirect_dma source(%dma_start3A_87 : memref<10000x128xf32, #tpu.memory_space<hbm>>) target(%arg6 : memref<32x128xf32, #tpu.memory_space<vmem>>) offsets(%arg16 : memref<32xi32, #tpu.memory_space<vmem>>) semaphore(%arg26 : memref<!tpu.dma_semaphore, #tpu.memory_space<semaphore_mem>>)
      %dma_start3A_88 = arith.constant 5 : i32
      %dma_start3A_89 = arith.constant 0 : i32
      %dma_start3A_90 = tpu.memref_slice %arg3[%arg1, %dma_start3A_88, %dma_start3A_89] : memref<16x625x32xi32, #tpu.memory_space<hbm>> -> memref<1x1x32xi32, #tpu.memory_space<hbm>>
      %dma_start3A_91 = tpu.memref_squeeze %dma_start3A_90 : memref<1x1x32xi32, #tpu.memory_space<hbm>> -> memref<32xi32, #tpu.memory_space<hbm>>
      %dma_start3A_92 = arith.constant 0 : i32
      %dma_start3A_93 = tpu.memref_slice %arg3[%arg1, %dma_start3A_88, %dma_start3A_92] : memref<16x625x32xi32, #tpu.memory_space<hbm>> -> memref<1x1x32xi32, #tpu.memory_space<hbm>>
      %dma_start3A_94 = tpu.memref_squeeze %dma_start3A_93 : memref<1x1x32xi32, #tpu.memory_space<hbm>> -> memref<32xi32, #tpu.memory_space<hbm>>
      tpu.enqueue_dma source(%dma_start3A_94 : memref<32xi32, #tpu.memory_space<hbm>>) target(%arg11 : memref<32xi32, #tpu.memory_space<vmem>>) target_semaphore(%arg36 : memref<!tpu.dma_semaphore, #tpu.memory_space<semaphore_mem>>)
      %dma_wait3A_95 = arith.constant 0 : i32
      %dma_wait3A_96 = arith.constant 0 : i32
      %dma_wait3A_97 = tpu.memref_slice %arg3[%arg1, %dma_wait3A_95, %dma_wait3A_96] : memref<16x625x32xi32, #tpu.memory_space<hbm>> -> memref<1x1x32xi32, #tpu.memory_space<hbm>>
      %dma_wait3A_98 = tpu.memref_squeeze %dma_wait3A_97 : memref<1x1x32xi32, #tpu.memory_space<hbm>> -> memref<32xi32, #tpu.memory_space<hbm>>
      %dma_wait3A_99 = arith.constant 0 : i32
      %dma_wait3A_100 = tpu.memref_slice %arg3[%arg1, %dma_wait3A_95, %dma_wait3A_99] : memref<16x625x32xi32, #tpu.memory_space<hbm>> -> memref<1x1x32xi32, #tpu.memory_space<hbm>>
      %dma_wait3A_101 = tpu.memref_squeeze %dma_wait3A_100 : memref<1x1x32xi32, #tpu.memory_space<hbm>> -> memref<32xi32, #tpu.memory_space<hbm>>
      tpu.wait_dma2 semaphore(%arg37 : memref<!tpu.dma_semaphore, #tpu.memory_space<semaphore_mem>>) src(%dma_wait3A_101 : memref<32xi32, #tpu.memory_space<hbm>>) dst(%arg12 : memref<32xi32, #tpu.memory_space<vmem>>)
      %get3A_102 = arith.constant 0 : index
      %get3A_103 = tpu.vector_load %arg12[%get3A_102] {strides = array<i32>} : memref<32xi32, #tpu.memory_space<vmem>>, vector<16xi32>,
      %get3A_104 = vector.shape_cast %get3A_103 : vector<16xi32> to vector<16xi32>
      %and3A_105 = arith.constant 16383 : i32
      %and3A_106 = vector.broadcast %and3A_105 : i32 to vector<16xi32>
      %and3A_107 = arith.andi %get3A_104, %and3A_106 : vector<16xi32>
      %swap3A_108 = arith.constant 0 : index
      %swap3A_109 = tpu.vector_load %arg17[%swap3A_108] {strides = array<i32>} : memref<32xi32, #tpu.memory_space<vmem>>, vector<16xi32>,
      %swap3A_110 = vector.shape_cast %swap3A_109 : vector<16xi32> to vector<16xi32>
      %swap3A_111 = vector.shape_cast %and3A_107 : vector<16xi32> to vector<16xi32>
      tpu.vector_store %arg17[%swap3A_108], %swap3A_111 {strides = array<i32>} : memref<32xi32, #tpu.memory_space<vmem>>, vector<16xi32>,
      %shift_right_logical3A_112 = arith.constant 14 : i32
      %shift_right_logical3A_113 = vector.broadcast %shift_right_logical3A_112 : i32 to vector<16xi32>
      %shift_right_logical3A_114 = arith.shrui %get3A_104, %shift_right_logical3A_113 : vector<16xi32>
      %swap3A_115 = arith.constant 0 : index
      %swap3A_116 = tpu.vector_load %arg22[%swap3A_115] {strides = array<i32>} : memref<32xi32, #tpu.memory_space<vmem>>, vector<16xi32>,
      %swap3A_117 = vector.shape_cast %swap3A_116 : vector<16xi32> to vector<16xi32>
      %swap3A_118 = vector.shape_cast %shift_right_logical3A_114 : vector<16xi32> to vector<16xi32>
      tpu.vector_store %arg22[%swap3A_115], %swap3A_118 {strides = array<i32>} : memref<32xi32, #tpu.memory_space<vmem>>, vector<16xi32>,
      %get3A_119 = arith.constant 16 : index
      %get3A_120 = tpu.vector_load %arg12[%get3A_119] {strides = array<i32>} : memref<32xi32, #tpu.memory_space<vmem>>, vector<16xi32>,
      %get3A_121 = vector.shape_cast %get3A_120 : vector<16xi32> to vector<16xi32>
      %and3A_122 = arith.constant 16383 : i32
      %and3A_123 = vector.broadcast %and3A_122 : i32 to vector<16xi32>
      %and3A_124 = arith.andi %get3A_121, %and3A_123 : vector<16xi32>
      %swap3A_125 = arith.constant 16 : index
      %swap3A_126 = tpu.vector_load %arg17[%swap3A_125] {strides = array<i32>} : memref<32xi32, #tpu.memory_space<vmem>>, vector<16xi32>,
      %swap3A_127 = vector.shape_cast %swap3A_126 : vector<16xi32> to vector<16xi32>
      %swap3A_128 = vector.shape_cast %and3A_124 : vector<16xi32> to vector<16xi32>
      tpu.vector_store %arg17[%swap3A_125], %swap3A_128 {strides = array<i32>} : memref<32xi32, #tpu.memory_space<vmem>>, vector<16xi32>,
      %shift_right_logical3A_129 = arith.constant 14 : i32
      %shift_right_logical3A_130 = vector.broadcast %shift_right_logical3A_129 : i32 to vector<16xi32>
      %shift_right_logical3A_131 = arith.shrui %get3A_121, %shift_right_logical3A_130 : vector<16xi32>
      %swap3A_132 = arith.constant 16 : index
      %swap3A_133 = tpu.vector_load %arg22[%swap3A_132] {strides = array<i32>} : memref<32xi32, #tpu.memory_space<vmem>>, vector<16xi32>,
      %swap3A_134 = vector.shape_cast %swap3A_133 : vector<16xi32> to vector<16xi32>
      %swap3A_135 = vector.shape_cast %shift_right_logical3A_131 : vector<16xi32> to vector<16xi32>
      tpu.vector_store %arg22[%swap3A_132], %swap3A_135 {strides = array<i32>} : memref<32xi32, #tpu.memory_space<vmem>>, vector<16xi32>,
      %dma_start3A_136 = arith.constant 1 : i32
      %dma_start3A_137 = arith.constant 0 : i32
      %dma_start3A_138 = arith.constant 0 : i32
      %dma_start3A_139 = tpu.memref_slice %arg2[%dma_start3A_136, %dma_start3A_137, %dma_start3A_138] : memref<2x10000x128xf32, #tpu.memory_space<hbm>> -> memref<1x10000x128xf32, #tpu.memory_space<hbm>>
      %dma_start3A_140 = tpu.memref_squeeze %dma_start3A_139 : memref<1x10000x128xf32, #tpu.memory_space<hbm>> -> memref<10000x128xf32, #tpu.memory_space<hbm>>
      %dma_start3A_141 = arith.constant 0 : i32
      %dma_start3A_142 = arith.constant 0 : i32
      %dma_start3A_143 = tpu.memref_slice %dma_start3A_140[%dma_start3A_141, %dma_start3A_142] : memref<10000x128xf32, #tpu.memory_space<hbm>> -> memref<10000x128xf32, #tpu.memory_space<hbm>>
      tpu.enqueue_indirect_dma source(%dma_start3A_143 : memref<10000x128xf32, #tpu.memory_space<hbm>>) target(%arg7 : memref<32x128xf32, #tpu.memory_space<vmem>>) offsets(%arg17 : memref<32xi32, #tpu.memory_space<vmem>>) semaphore(%arg27 : memref<!tpu.dma_semaphore, #tpu.memory_space<semaphore_mem>>)
      %dma_start3A_144 = arith.constant 6 : i32
      %dma_start3A_145 = arith.constant 0 : i32
      %dma_start3A_146 = tpu.memref_slice %arg3[%arg1, %dma_start3A_144, %dma_start3A_145] : memref<16x625x32xi32, #tpu.memory_space<hbm>> -> memref<1x1x32xi32, #tpu.memory_space<hbm>>
      %dma_start3A_147 = tpu.memref_squeeze %dma_start3A_146 : memref<1x1x32xi32, #tpu.memory_space<hbm>> -> memref<32xi32, #tpu.memory_space<hbm>>
      %dma_start3A_148 = arith.constant 0 : i32
      %dma_start3A_149 = tpu.memref_slice %arg3[%arg1, %dma_start3A_144, %dma_start3A_148] : memref<16x625x32xi32, #tpu.memory_space<hbm>> -> memref<1x1x32xi32, #tpu.memory_space<hbm>>
      %dma_start3A_150 = tpu.memref_squeeze %dma_start3A_149 : memref<1x1x32xi32, #tpu.memory_space<hbm>> -> memref<32xi32, #tpu.memory_space<hbm>>
      tpu.enqueue_dma source(%dma_start3A_150 : memref<32xi32, #tpu.memory_space<hbm>>) target(%arg12 : memref<32xi32, #tpu.memory_space<vmem>>) target_semaphore(%arg37 : memref<!tpu.dma_semaphore, #tpu.memory_space<semaphore_mem>>)
      %dma_wait3A_151 = arith.constant 0 : i32
      %dma_wait3A_152 = arith.constant 0 : i32
      %dma_wait3A_153 = tpu.memref_slice %arg3[%arg1, %dma_wait3A_151, %dma_wait3A_152] : memref<16x625x32xi32, #tpu.memory_space<hbm>> -> memref<1x1x32xi32, #tpu.memory_space<hbm>>
      %dma_wait3A_154 = tpu.memref_squeeze %dma_wait3A_153 : memref<1x1x32xi32, #tpu.memory_space<hbm>> -> memref<32xi32, #tpu.memory_space<hbm>>
      %dma_wait3A_155 = arith.constant 0 : i32
      %dma_wait3A_156 = tpu.memref_slice %arg3[%arg1, %dma_wait3A_151, %dma_wait3A_155] : memref<16x625x32xi32, #tpu.memory_space<hbm>> -> memref<1x1x32xi32, #tpu.memory_space<hbm>>
      %dma_wait3A_157 = tpu.memref_squeeze %dma_wait3A_156 : memref<1x1x32xi32, #tpu.memory_space<hbm>> -> memref<32xi32, #tpu.memory_space<hbm>>
      tpu.wait_dma2 semaphore(%arg38 : memref<!tpu.dma_semaphore, #tpu.memory_space<semaphore_mem>>) src(%dma_wait3A_157 : memref<32xi32, #tpu.memory_space<hbm>>) dst(%arg13 : memref<32xi32, #tpu.memory_space<vmem>>)
      %get3A_158 = arith.constant 0 : index
      %get3A_159 = tpu.vector_load %arg13[%get3A_158] {strides = array<i32>} : memref<32xi32, #tpu.memory_space<vmem>>, vector<16xi32>,
      %get3A_160 = vector.shape_cast %get3A_159 : vector<16xi32> to vector<16xi32>
      %and3A_161 = arith.constant 16383 : i32
      %and3A_162 = vector.broadcast %and3A_161 : i32 to vector<16xi32>
      %and3A_163 = arith.andi %get3A_160, %and3A_162 : vector<16xi32>
      %swap3A_164 = arith.constant 0 : index
      %swap3A_165 = tpu.vector_load %arg18[%swap3A_164] {strides = array<i32>} : memref<32xi32, #tpu.memory_space<vmem>>, vector<16xi32>,
      %swap3A_166 = vector.shape_cast %swap3A_165 : vector<16xi32> to vector<16xi32>
      %swap3A_167 = vector.shape_cast %and3A_163 : vector<16xi32> to vector<16xi32>
      tpu.vector_store %arg18[%swap3A_164], %swap3A_167 {strides = array<i32>} : memref<32xi32, #tpu.memory_space<vmem>>, vector<16xi32>,
      %shift_right_logical3A_168 = arith.constant 14 : i32
      %shift_right_logical3A_169 = vector.broadcast %shift_right_logical3A_168 : i32 to vector<16xi32>
      %shift_right_logical3A_170 = arith.shrui %get3A_160, %shift_right_logical3A_169 : vector<16xi32>
      %swap3A_171 = arith.constant 0 : index
      %swap3A_172 = tpu.vector_load %arg23[%swap3A_171] {strides = array<i32>} : memref<32xi32, #tpu.memory_space<vmem>>, vector<16xi32>,
      %swap3A_173 = vector.shape_cast %swap3A_172 : vector<16xi32> to vector<16xi32>
      %swap3A_174 = vector.shape_cast %shift_right_logical3A_170 : vector<16xi32> to vector<16xi32>
      tpu.vector_store %arg23[%swap3A_171], %swap3A_174 {strides = array<i32>} : memref<32xi32, #tpu.memory_space<vmem>>, vector<16xi32>,
      %get3A_175 = arith.constant 16 : index
      %get3A_176 = tpu.vector_load %arg13[%get3A_175] {strides = array<i32>} : memref<32xi32, #tpu.memory_space<vmem>>, vector<16xi32>,
      %get3A_177 = vector.shape_cast %get3A_176 : vector<16xi32> to vector<16xi32>
      %and3A_178 = arith.constant 16383 : i32
      %and3A_179 = vector.broadcast %and3A_178 : i32 to vector<16xi32>
      %and3A_180 = arith.andi %get3A_177, %and3A_179 : vector<16xi32>
      %swap3A_181 = arith.constant 16 : index
      %swap3A_182 = tpu.vector_load %arg18[%swap3A_181] {strides = array<i32>} : memref<32xi32, #tpu.memory_space<vmem>>, vector<16xi32>,
      %swap3A_183 = vector.shape_cast %swap3A_182 : vector<16xi32> to vector<16xi32>
      %swap3A_184 = vector.shape_cast %and3A_180 : vector<16xi32> to vector<16xi32>
      tpu.vector_store %arg18[%swap3A_181], %swap3A_184 {strides = array<i32>} : memref<32xi32, #tpu.memory_space<vmem>>, vector<16xi32>,
      %shift_right_logical3A_185 = arith.constant 14 : i32
      %shift_right_logical3A_186 = vector.broadcast %shift_right_logical3A_185 : i32 to vector<16xi32>
      %shift_right_logical3A_187 = arith.shrui %get3A_177, %shift_right_logical3A_186 : vector<16xi32>
      %swap3A_188 = arith.constant 16 : index
      %swap3A_189 = tpu.vector_load %arg23[%swap3A_188] {strides = array<i32>} : memref<32xi32, #tpu.memory_space<vmem>>, vector<16xi32>,
      %swap3A_190 = vector.shape_cast %swap3A_189 : vector<16xi32> to vector<16xi32>
      %swap3A_191 = vector.shape_cast %shift_right_logical3A_187 : vector<16xi32> to vector<16xi32>
      tpu.vector_store %arg23[%swap3A_188], %swap3A_191 {strides = array<i32>} : memref<32xi32, #tpu.memory_space<vmem>>, vector<16xi32>,
      %dma_start3A_192 = arith.constant 1 : i32
      %dma_start3A_193 = arith.constant 0 : i32
      %dma_start3A_194 = arith.constant 0 : i32
      %dma_start3A_195 = tpu.memref_slice %arg2[%dma_start3A_192, %dma_start3A_193, %dma_start3A_194] : memref<2x10000x128xf32, #tpu.memory_space<hbm>> -> memref<1x10000x128xf32, #tpu.memory_space<hbm>>
      %dma_start3A_196 = tpu.memref_squeeze %dma_start3A_195 : memref<1x10000x128xf32, #tpu.memory_space<hbm>> -> memref<10000x128xf32, #tpu.memory_space<hbm>>
      %dma_start3A_197 = arith.constant 0 : i32
      %dma_start3A_198 = arith.constant 0 : i32
      %dma_start3A_199 = tpu.memref_slice %dma_start3A_196[%dma_start3A_197, %dma_start3A_198] : memref<10000x128xf32, #tpu.memory_space<hbm>> -> memref<10000x128xf32, #tpu.memory_space<hbm>>
      tpu.enqueue_indirect_dma source(%dma_start3A_199 : memref<10000x128xf32, #tpu.memory_space<hbm>>) target(%arg8 : memref<32x128xf32, #tpu.memory_space<vmem>>) offsets(%arg18 : memref<32xi32, #tpu.memory_space<vmem>>) semaphore(%arg28 : memref<!tpu.dma_semaphore, #tpu.memory_space<semaphore_mem>>)
      %dma_start3A_200 = arith.constant 7 : i32
      %dma_start3A_201 = arith.constant 0 : i32
      %dma_start3A_202 = tpu.memref_slice %arg3[%arg1, %dma_start3A_200, %dma_start3A_201] : memref<16x625x32xi32, #tpu.memory_space<hbm>> -> memref<1x1x32xi32, #tpu.memory_space<hbm>>
      %dma_start3A_203 = tpu.memref_squeeze %dma_start3A_202 : memref<1x1x32xi32, #tpu.memory_space<hbm>> -> memref<32xi32, #tpu.memory_space<hbm>>
      %dma_start3A_204 = arith.constant 0 : i32
      %dma_start3A_205 = tpu.memref_slice %arg3[%arg1, %dma_start3A_200, %dma_start3A_204] : memref<16x625x32xi32, #tpu.memory_space<hbm>> -> memref<1x1x32xi32, #tpu.memory_space<hbm>>
      %dma_start3A_206 = tpu.memref_squeeze %dma_start3A_205 : memref<1x1x32xi32, #tpu.memory_space<hbm>> -> memref<32xi32, #tpu.memory_space<hbm>>
      tpu.enqueue_dma source(%dma_start3A_206 : memref<32xi32, #tpu.memory_space<hbm>>) target(%arg13 : memref<32xi32, #tpu.memory_space<vmem>>) target_semaphore(%arg38 : memref<!tpu.dma_semaphore, #tpu.memory_space<semaphore_mem>>)
      %dma_wait3A_207 = arith.constant 0 : i32
      %dma_wait3A_208 = arith.constant 0 : i32
      %dma_wait3A_209 = tpu.memref_slice %arg3[%arg1, %dma_wait3A_207, %dma_wait3A_208] : memref<16x625x32xi32, #tpu.memory_space<hbm>> -> memref<1x1x32xi32, #tpu.memory_space<hbm>>
      %dma_wait3A_210 = tpu.memref_squeeze %dma_wait3A_209 : memref<1x1x32xi32, #tpu.memory_space<hbm>> -> memref<32xi32, #tpu.memory_space<hbm>>
      %dma_wait3A_211 = arith.constant 0 : i32
      %dma_wait3A_212 = tpu.memref_slice %arg3[%arg1, %dma_wait3A_207, %dma_wait3A_211] : memref<16x625x32xi32, #tpu.memory_space<hbm>> -> memref<1x1x32xi32, #tpu.memory_space<hbm>>
      %dma_wait3A_213 = tpu.memref_squeeze %dma_wait3A_212 : memref<1x1x32xi32, #tpu.memory_space<hbm>> -> memref<32xi32, #tpu.memory_space<hbm>>
      tpu.wait_dma2 semaphore(%arg39 : memref<!tpu.dma_semaphore, #tpu.memory_space<semaphore_mem>>) src(%dma_wait3A_213 : memref<32xi32, #tpu.memory_space<hbm>>) dst(%arg14 : memref<32xi32, #tpu.memory_space<vmem>>)
      %get3A_214 = arith.constant 0 : index
      %get3A_215 = tpu.vector_load %arg14[%get3A_214] {strides = array<i32>} : memref<32xi32, #tpu.memory_space<vmem>>, vector<16xi32>,
      %get3A_216 = vector.shape_cast %get3A_215 : vector<16xi32> to vector<16xi32>
      %and3A_217 = arith.constant 16383 : i32
      %and3A_218 = vector.broadcast %and3A_217 : i32 to vector<16xi32>
      %and3A_219 = arith.andi %get3A_216, %and3A_218 : vector<16xi32>
      %swap3A_220 = arith.constant 0 : index
      %swap3A_221 = tpu.vector_load %arg19[%swap3A_220] {strides = array<i32>} : memref<32xi32, #tpu.memory_space<vmem>>, vector<16xi32>,
      %swap3A_222 = vector.shape_cast %swap3A_221 : vector<16xi32> to vector<16xi32>
      %swap3A_223 = vector.shape_cast %and3A_219 : vector<16xi32> to vector<16xi32>
      tpu.vector_store %arg19[%swap3A_220], %swap3A_223 {strides = array<i32>} : memref<32xi32, #tpu.memory_space<vmem>>, vector<16xi32>,
      %shift_right_logical3A_224 = arith.constant 14 : i32
      %shift_right_logical3A_225 = vector.broadcast %shift_right_logical3A_224 : i32 to vector<16xi32>
      %shift_right_logical3A_226 = arith.shrui %get3A_216, %shift_right_logical3A_225 : vector<16xi32>
      %swap3A_227 = arith.constant 0 : index
      %swap3A_228 = tpu.vector_load %arg24[%swap3A_227] {strides = array<i32>} : memref<32xi32, #tpu.memory_space<vmem>>, vector<16xi32>,
      %swap3A_229 = vector.shape_cast %swap3A_228 : vector<16xi32> to vector<16xi32>
      %swap3A_230 = vector.shape_cast %shift_right_logical3A_226 : vector<16xi32> to vector<16xi32>
      tpu.vector_store %arg24[%swap3A_227], %swap3A_230 {strides = array<i32>} : memref<32xi32, #tpu.memory_space<vmem>>, vector<16xi32>,
      %get3A_231 = arith.constant 16 : index
      %get3A_232 = tpu.vector_load %arg14[%get3A_231] {strides = array<i32>} : memref<32xi32, #tpu.memory_space<vmem>>, vector<16xi32>,
      %get3A_233 = vector.shape_cast %get3A_232 : vector<16xi32> to vector<16xi32>
      %and3A_234 = arith.constant 16383 : i32
      %and3A_235 = vector.broadcast %and3A_234 : i32 to vector<16xi32>
      %and3A_236 = arith.andi %get3A_233, %and3A_235 : vector<16xi32>
      %swap3A_237 = arith.constant 16 : index
      %swap3A_238 = tpu.vector_load %arg19[%swap3A_237] {strides = array<i32>} : memref<32xi32, #tpu.memory_space<vmem>>, vector<16xi32>,
      %swap3A_239 = vector.shape_cast %swap3A_238 : vector<16xi32> to vector<16xi32>
      %swap3A_240 = vector.shape_cast %and3A_236 : vector<16xi32> to vector<16xi32>
      tpu.vector_store %arg19[%swap3A_237], %swap3A_240 {strides = array<i32>} : memref<32xi32, #tpu.memory_space<vmem>>, vector<16xi32>,
      %shift_right_logical3A_241 = arith.constant 14 : i32
      %shift_right_logical3A_242 = vector.broadcast %shift_right_logical3A_241 : i32 to vector<16xi32>
      %shift_right_logical3A_243 = arith.shrui %get3A_233, %shift_right_logical3A_242 : vector<16xi32>
      %swap3A_244 = arith.constant 16 : index
      %swap3A_245 = tpu.vector_load %arg24[%swap3A_244] {strides = array<i32>} : memref<32xi32, #tpu.memory_space<vmem>>, vector<16xi32>,
      %swap3A_246 = vector.shape_cast %swap3A_245 : vector<16xi32> to vector<16xi32>
      %swap3A_247 = vector.shape_cast %shift_right_logical3A_243 : vector<16xi32> to vector<16xi32>
      tpu.vector_store %arg24[%swap3A_244], %swap3A_247 {strides = array<i32>} : memref<32xi32, #tpu.memory_space<vmem>>, vector<16xi32>,
      %dma_start3A_248 = arith.constant 1 : i32
      %dma_start3A_249 = arith.constant 0 : i32
      %dma_start3A_250 = arith.constant 0 : i32
      %dma_start3A_251 = tpu.memref_slice %arg2[%dma_start3A_248, %dma_start3A_249, %dma_start3A_250] : memref<2x10000x128xf32, #tpu.memory_space<hbm>> -> memref<1x10000x128xf32, #tpu.memory_space<hbm>>
      %dma_start3A_252 = tpu.memref_squeeze %dma_start3A_251 : memref<1x10000x128xf32, #tpu.memory_space<hbm>> -> memref<10000x128xf32, #tpu.memory_space<hbm>>
      %dma_start3A_253 = arith.constant 0 : i32
      %dma_start3A_254 = arith.constant 0 : i32
      %dma_start3A_255 = tpu.memref_slice %dma_start3A_252[%dma_start3A_253, %dma_start3A_254] : memref<10000x128xf32, #tpu.memory_space<hbm>> -> memref<10000x128xf32, #tpu.memory_space<hbm>>
      tpu.enqueue_indirect_dma source(%dma_start3A_255 : memref<10000x128xf32, #tpu.memory_space<hbm>>) target(%arg9 : memref<32x128xf32, #tpu.memory_space<vmem>>) offsets(%arg19 : memref<32xi32, #tpu.memory_space<vmem>>) semaphore(%arg29 : memref<!tpu.dma_semaphore, #tpu.memory_space<semaphore_mem>>)
      %dma_start3A_256 = arith.constant 8 : i32
      %dma_start3A_257 = arith.constant 0 : i32
      %dma_start3A_258 = tpu.memref_slice %arg3[%arg1, %dma_start3A_256, %dma_start3A_257] : memref<16x625x32xi32, #tpu.memory_space<hbm>> -> memref<1x1x32xi32, #tpu.memory_space<hbm>>
      %dma_start3A_259 = tpu.memref_squeeze %dma_start3A_258 : memref<1x1x32xi32, #tpu.memory_space<hbm>> -> memref<32xi32, #tpu.memory_space<hbm>>
      %dma_start3A_260 = arith.constant 0 : i32
      %dma_start3A_261 = tpu.memref_slice %arg3[%arg1, %dma_start3A_256, %dma_start3A_260] : memref<16x625x32xi32, #tpu.memory_space<hbm>> -> memref<1x1x32xi32, #tpu.memory_space<hbm>>
      %dma_start3A_262 = tpu.memref_squeeze %dma_start3A_261 : memref<1x1x32xi32, #tpu.memory_space<hbm>> -> memref<32xi32, #tpu.memory_space<hbm>>
      tpu.enqueue_dma source(%dma_start3A_262 : memref<32xi32, #tpu.memory_space<hbm>>) target(%arg14 : memref<32xi32, #tpu.memory_space<vmem>>) target_semaphore(%arg39 : memref<!tpu.dma_semaphore, #tpu.memory_space<semaphore_mem>>)
      %dma_wait3A_263 = arith.constant 0 : i32
      %dma_wait3A_264 = arith.constant 0 : i32
      %dma_wait3A_265 = tpu.memref_slice %arg3[%arg1, %dma_wait3A_263, %dma_wait3A_264] : memref<16x625x32xi32, #tpu.memory_space<hbm>> -> memref<1x1x32xi32, #tpu.memory_space<hbm>>
      %dma_wait3A_266 = tpu.memref_squeeze %dma_wait3A_265 : memref<1x1x32xi32, #tpu.memory_space<hbm>> -> memref<32xi32, #tpu.memory_space<hbm>>
      %dma_wait3A_267 = arith.constant 0 : i32
      %dma_wait3A_268 = tpu.memref_slice %arg3[%arg1, %dma_wait3A_263, %dma_wait3A_267] : memref<16x625x32xi32, #tpu.memory_space<hbm>> -> memref<1x1x32xi32, #tpu.memory_space<hbm>>
      %dma_wait3A_269 = tpu.memref_squeeze %dma_wait3A_268 : memref<1x1x32xi32, #tpu.memory_space<hbm>> -> memref<32xi32, #tpu.memory_space<hbm>>
      tpu.wait_dma2 semaphore(%arg40 : memref<!tpu.dma_semaphore, #tpu.memory_space<semaphore_mem>>) src(%dma_wait3A_269 : memref<32xi32, #tpu.memory_space<hbm>>) dst(%arg15 : memref<32xi32, #tpu.memory_space<vmem>>)
      %get3A_270 = arith.constant 0 : index
      %get3A_271 = tpu.vector_load %arg15[%get3A_270] {strides = array<i32>} : memref<32xi32, #tpu.memory_space<vmem>>, vector<16xi32>,
      %get3A_272 = vector.shape_cast %get3A_271 : vector<16xi32> to vector<16xi32>
      %and3A_273 = arith.constant 16383 : i32
      %and3A_274 = vector.broadcast %and3A_273 : i32 to vector<16xi32>
      %and3A_275 = arith.andi %get3A_272, %and3A_274 : vector<16xi32>
      %swap3A_276 = arith.constant 0 : index
      %swap3A_277 = tpu.vector_load %arg20[%swap3A_276] {strides = array<i32>} : memref<32xi32, #tpu.memory_space<vmem>>, vector<16xi32>,
      %swap3A_278 = vector.shape_cast %swap3A_277 : vector<16xi32> to vector<16xi32>
      %swap3A_279 = vector.shape_cast %and3A_275 : vector<16xi32> to vector<16xi32>
      tpu.vector_store %arg20[%swap3A_276], %swap3A_279 {strides = array<i32>} : memref<32xi32, #tpu.memory_space<vmem>>, vector<16xi32>,
      %shift_right_logical3A_280 = arith.constant 14 : i32
      %shift_right_logical3A_281 = vector.broadcast %shift_right_logical3A_280 : i32 to vector<16xi32>
      %shift_right_logical3A_282 = arith.shrui %get3A_272, %shift_right_logical3A_281 : vector<16xi32>
      %swap3A_283 = arith.constant 0 : index
      %swap3A_284 = tpu.vector_load %arg25[%swap3A_283] {strides = array<i32>} : memref<32xi32, #tpu.memory_space<vmem>>, vector<16xi32>,
      %swap3A_285 = vector.shape_cast %swap3A_284 : vector<16xi32> to vector<16xi32>
      %swap3A_286 = vector.shape_cast %shift_right_logical3A_282 : vector<16xi32> to vector<16xi32>
      tpu.vector_store %arg25[%swap3A_283], %swap3A_286 {strides = array<i32>} : memref<32xi32, #tpu.memory_space<vmem>>, vector<16xi32>,
      %get3A_287 = arith.constant 16 : index
      %get3A_288 = tpu.vector_load %arg15[%get3A_287] {strides = array<i32>} : memref<32xi32, #tpu.memory_space<vmem>>, vector<16xi32>,
      %get3A_289 = vector.shape_cast %get3A_288 : vector<16xi32> to vector<16xi32>
      %and3A_290 = arith.constant 16383 : i32
      %and3A_291 = vector.broadcast %and3A_290 : i32 to vector<16xi32>
      %and3A_292 = arith.andi %get3A_289, %and3A_291 : vector<16xi32>
      %swap3A_293 = arith.constant 16 : index
      %swap3A_294 = tpu.vector_load %arg20[%swap3A_293] {strides = array<i32>} : memref<32xi32, #tpu.memory_space<vmem>>, vector<16xi32>,
      %swap3A_295 = vector.shape_cast %swap3A_294 : vector<16xi32> to vector<16xi32>
      %swap3A_296 = vector.shape_cast %and3A_292 : vector<16xi32> to vector<16xi32>
      tpu.vector_store %arg20[%swap3A_293], %swap3A_296 {strides = array<i32>} : memref<32xi32, #tpu.memory_space<vmem>>, vector<16xi32>,
      %shift_right_logical3A_297 = arith.constant 14 : i32
      %shift_right_logical3A_298 = vector.broadcast %shift_right_logical3A_297 : i32 to vector<16xi32>
      %shift_right_logical3A_299 = arith.shrui %get3A_289, %shift_right_logical3A_298 : vector<16xi32>
      %swap3A_300 = arith.constant 16 : index
      %swap3A_301 = tpu.vector_load %arg25[%swap3A_300] {strides = array<i32>} : memref<32xi32, #tpu.memory_space<vmem>>, vector<16xi32>,
      %swap3A_302 = vector.shape_cast %swap3A_301 : vector<16xi32> to vector<16xi32>
      %swap3A_303 = vector.shape_cast %shift_right_logical3A_299 : vector<16xi32> to vector<16xi32>
      tpu.vector_store %arg25[%swap3A_300], %swap3A_303 {strides = array<i32>} : memref<32xi32, #tpu.memory_space<vmem>>, vector<16xi32>,
      %dma_start3A_304 = arith.constant 1 : i32
      %dma_start3A_305 = arith.constant 0 : i32
      %dma_start3A_306 = arith.constant 0 : i32
      %dma_start3A_307 = tpu.memref_slice %arg2[%dma_start3A_304, %dma_start3A_305, %dma_start3A_306] : memref<2x10000x128xf32, #tpu.memory_space<hbm>> -> memref<1x10000x128xf32, #tpu.memory_space<hbm>>
      %dma_start3A_308 = tpu.memref_squeeze %dma_start3A_307 : memref<1x10000x128xf32, #tpu.memory_space<hbm>> -> memref<10000x128xf32, #tpu.memory_space<hbm>>
      %dma_start3A_309 = arith.constant 0 : i32
      %dma_start3A_310 = arith.constant 0 : i32
      %dma_start3A_311 = tpu.memref_slice %dma_start3A_308[%dma_start3A_309, %dma_start3A_310] : memref<10000x128xf32, #tpu.memory_space<hbm>> -> memref<10000x128xf32, #tpu.memory_space<hbm>>
      tpu.enqueue_indirect_dma source(%dma_start3A_311 : memref<10000x128xf32, #tpu.memory_space<hbm>>) target(%arg10 : memref<32x128xf32, #tpu.memory_space<vmem>>) offsets(%arg20 : memref<32xi32, #tpu.memory_space<vmem>>) semaphore(%arg30 : memref<!tpu.dma_semaphore, #tpu.memory_space<semaphore_mem>>)
      %dma_start3A_312 = arith.constant 9 : i32
      %dma_start3A_313 = arith.constant 0 : i32
      %dma_start3A_314 = tpu.memref_slice %arg3[%arg1, %dma_start3A_312, %dma_start3A_313] : memref<16x625x32xi32, #tpu.memory_space<hbm>> -> memref<1x1x32xi32, #tpu.memory_space<hbm>>
      %dma_start3A_315 = tpu.memref_squeeze %dma_start3A_314 : memref<1x1x32xi32, #tpu.memory_space<hbm>> -> memref<32xi32, #tpu.memory_space<hbm>>
      %dma_start3A_316 = arith.constant 0 : i32
      %dma_start3A_317 = tpu.memref_slice %arg3[%arg1, %dma_start3A_312, %dma_start3A_316] : memref<16x625x32xi32, #tpu.memory_space<hbm>> -> memref<1x1x32xi32, #tpu.memory_space<hbm>>
      %dma_start3A_318 = tpu.memref_squeeze %dma_start3A_317 : memref<1x1x32xi32, #tpu.memory_space<hbm>> -> memref<32xi32, #tpu.memory_space<hbm>>
      tpu.enqueue_dma source(%dma_start3A_318 : memref<32xi32, #tpu.memory_space<hbm>>) target(%arg15 : memref<32xi32, #tpu.memory_space<vmem>>) target_semaphore(%arg40 : memref<!tpu.dma_semaphore, #tpu.memory_space<semaphore_mem>>)
      %scan3A = arith.constant 0 : i32
      %scan3A_319 = arith.constant 1 : i32
      %scan3A_320 = arith.constant 0 : i32
      %scan3A_321 = arith.constant 125 : i32
      %scan3A_322 = arith.addi %scan3A_320, %scan3A_321 : i32
      %scan3A_323 = arith.constant 1 : i32
      scf.for %scan3A_340 = %scan3A_320 to %scan3A_322 step %scan3A_323  : i32 {
        %dma_wait3A_341 = arith.constant 0 : i32
        %dma_wait3A_342 = arith.constant 0 : i32
        %dma_wait3A_343 = tpu.memref_slice %arg2[%scan3A_319, %dma_wait3A_341, %dma_wait3A_342] : memref<2x10000x128xf32, #tpu.memory_space<hbm>> -> memref<1x10000x128xf32, #tpu.memory_space<hbm>>
        %dma_wait3A_344 = tpu.memref_squeeze %dma_wait3A_343 : memref<1x10000x128xf32, #tpu.memory_space<hbm>> -> memref<10000x128xf32, #tpu.memory_space<hbm>>
        %dma_wait3A_345 = arith.constant 0 : i32
        %dma_wait3A_346 = arith.constant 0 : i32
        %dma_wait3A_347 = tpu.memref_slice %dma_wait3A_344[%dma_wait3A_345, %dma_wait3A_346] : memref<10000x128xf32, #tpu.memory_space<hbm>> -> memref<32x128xf32, #tpu.memory_space<hbm>>
        %dma_wait3A_348 = arith.constant 0 : i32
        %dma_wait3A_349 = arith.constant 0 : i32
        %dma_wait3A_350 = tpu.memref_slice %arg2[%scan3A_319, %dma_wait3A_348, %dma_wait3A_349] : memref<2x10000x128xf32, #tpu.memory_space<hbm>> -> memref<1x10000x128xf32, #tpu.memory_space<hbm>>
        %dma_wait3A_351 = tpu.memref_squeeze %dma_wait3A_350 : memref<1x10000x128xf32, #tpu.memory_space<hbm>> -> memref<10000x128xf32, #tpu.memory_space<hbm>>
        %dma_wait3A_352 = arith.constant 0 : i32
        %dma_wait3A_353 = arith.constant 0 : i32
        %dma_wait3A_354 = tpu.memref_slice %dma_wait3A_351[%dma_wait3A_352, %dma_wait3A_353] : memref<10000x128xf32, #tpu.memory_space<hbm>> -> memref<32x128xf32, #tpu.memory_space<hbm>>
        tpu.wait_dma2 semaphore(%arg26 : memref<!tpu.dma_semaphore, #tpu.memory_space<semaphore_mem>>) src(%dma_wait3A_354 : memref<32x128xf32, #tpu.memory_space<hbm>>) dst(%arg6 : memref<32x128xf32, #tpu.memory_space<vmem>>)
        %dma_start3A_355 = arith.constant 0 : i32
        %dma_start3A_356 = arith.constant 0 : i32
        %dma_start3A_357 = tpu.memref_slice %arg5[%dma_start3A_355, %dma_start3A_356] : memref<10064x128xf32, #tpu.memory_space<vmem_shared>> -> memref<10064x128xf32, #tpu.memory_space<vmem_shared>>
        tpu.enqueue_indirect_dma source(%arg6 : memref<32x128xf32, #tpu.memory_space<vmem>>) target(%dma_start3A_357 : memref<10064x128xf32, #tpu.memory_space<vmem_shared>>) offsets(%arg21 : memref<32xi32, #tpu.memory_space<vmem>>) semaphore(%arg31 : memref<!tpu.dma_semaphore, #tpu.memory_space<semaphore_mem>>) {add = true}
        %dma_wait3A_358 = arith.constant 0 : i32
        %dma_wait3A_359 = arith.constant 0 : i32
        %dma_wait3A_360 = tpu.memref_slice %arg2[%scan3A_319, %dma_wait3A_358, %dma_wait3A_359] : memref<2x10000x128xf32, #tpu.memory_space<hbm>> -> memref<1x10000x128xf32, #tpu.memory_space<hbm>>
        %dma_wait3A_361 = tpu.memref_squeeze %dma_wait3A_360 : memref<1x10000x128xf32, #tpu.memory_space<hbm>> -> memref<10000x128xf32, #tpu.memory_space<hbm>>
        %dma_wait3A_362 = arith.constant 0 : i32
        %dma_wait3A_363 = arith.constant 0 : i32
        %dma_wait3A_364 = tpu.memref_slice %dma_wait3A_361[%dma_wait3A_362, %dma_wait3A_363] : memref<10000x128xf32, #tpu.memory_space<hbm>> -> memref<32x128xf32, #tpu.memory_space<hbm>>
        %dma_wait3A_365 = arith.constant 0 : i32
        %dma_wait3A_366 = arith.constant 0 : i32
        %dma_wait3A_367 = tpu.memref_slice %arg2[%scan3A_319, %dma_wait3A_365, %dma_wait3A_366] : memref<2x10000x128xf32, #tpu.memory_space<hbm>> -> memref<1x10000x128xf32, #tpu.memory_space<hbm>>
        %dma_wait3A_368 = tpu.memref_squeeze %dma_wait3A_367 : memref<1x10000x128xf32, #tpu.memory_space<hbm>> -> memref<10000x128xf32, #tpu.memory_space<hbm>>
        %dma_wait3A_369 = arith.constant 0 : i32
        %dma_wait3A_370 = arith.constant 0 : i32
        %dma_wait3A_371 = tpu.memref_slice %dma_wait3A_368[%dma_wait3A_369, %dma_wait3A_370] : memref<10000x128xf32, #tpu.memory_space<hbm>> -> memref<32x128xf32, #tpu.memory_space<hbm>>
        tpu.wait_dma2 semaphore(%arg27 : memref<!tpu.dma_semaphore, #tpu.memory_space<semaphore_mem>>) src(%dma_wait3A_371 : memref<32x128xf32, #tpu.memory_space<hbm>>) dst(%arg7 : memref<32x128xf32, #tpu.memory_space<vmem>>)
        %dma_start3A_372 = arith.constant 0 : i32
        %dma_start3A_373 = arith.constant 0 : i32
        %dma_start3A_374 = tpu.memref_slice %arg5[%dma_start3A_372, %dma_start3A_373] : memref<10064x128xf32, #tpu.memory_space<vmem_shared>> -> memref<10064x128xf32, #tpu.memory_space<vmem_shared>>
        tpu.enqueue_indirect_dma source(%arg7 : memref<32x128xf32, #tpu.memory_space<vmem>>) target(%dma_start3A_374 : memref<10064x128xf32, #tpu.memory_space<vmem_shared>>) offsets(%arg22 : memref<32xi32, #tpu.memory_space<vmem>>) semaphore(%arg32 : memref<!tpu.dma_semaphore, #tpu.memory_space<semaphore_mem>>) {add = true}
        %dma_wait3A_375 = arith.constant 0 : i32
        %dma_wait3A_376 = arith.constant 0 : i32
        %dma_wait3A_377 = tpu.memref_slice %arg2[%scan3A_319, %dma_wait3A_375, %dma_wait3A_376] : memref<2x10000x128xf32, #tpu.memory_space<hbm>> -> memref<1x10000x128xf32, #tpu.memory_space<hbm>>
        %dma_wait3A_378 = tpu.memref_squeeze %dma_wait3A_377 : memref<1x10000x128xf32, #tpu.memory_space<hbm>> -> memref<10000x128xf32, #tpu.memory_space<hbm>>
        %dma_wait3A_379 = arith.constant 0 : i32
        %dma_wait3A_380 = arith.constant 0 : i32
        %dma_wait3A_381 = tpu.memref_slice %dma_wait3A_378[%dma_wait3A_379, %dma_wait3A_380] : memref<10000x128xf32, #tpu.memory_space<hbm>> -> memref<32x128xf32, #tpu.memory_space<hbm>>
        %dma_wait3A_382 = arith.constant 0 : i32
        %dma_wait3A_383 = arith.constant 0 : i32
        %dma_wait3A_384 = tpu.memref_slice %arg2[%scan3A_319, %dma_wait3A_382, %dma_wait3A_383] : memref<2x10000x128xf32, #tpu.memory_space<hbm>> -> memref<1x10000x128xf32, #tpu.memory_space<hbm>>
        %dma_wait3A_385 = tpu.memref_squeeze %dma_wait3A_384 : memref<1x10000x128xf32, #tpu.memory_space<hbm>> -> memref<10000x128xf32, #tpu.memory_space<hbm>>
        %dma_wait3A_386 = arith.constant 0 : i32
        %dma_wait3A_387 = arith.constant 0 : i32
        %dma_wait3A_388 = tpu.memref_slice %dma_wait3A_385[%dma_wait3A_386, %dma_wait3A_387] : memref<10000x128xf32, #tpu.memory_space<hbm>> -> memref<32x128xf32, #tpu.memory_space<hbm>>
        tpu.wait_dma2 semaphore(%arg28 : memref<!tpu.dma_semaphore, #tpu.memory_space<semaphore_mem>>) src(%dma_wait3A_388 : memref<32x128xf32, #tpu.memory_space<hbm>>) dst(%arg8 : memref<32x128xf32, #tpu.memory_space<vmem>>)
        %dma_start3A_389 = arith.constant 0 : i32
        %dma_start3A_390 = arith.constant 0 : i32
        %dma_start3A_391 = tpu.memref_slice %arg5[%dma_start3A_389, %dma_start3A_390] : memref<10064x128xf32, #tpu.memory_space<vmem_shared>> -> memref<10064x128xf32, #tpu.memory_space<vmem_shared>>
        tpu.enqueue_indirect_dma source(%arg8 : memref<32x128xf32, #tpu.memory_space<vmem>>) target(%dma_start3A_391 : memref<10064x128xf32, #tpu.memory_space<vmem_shared>>) offsets(%arg23 : memref<32xi32, #tpu.memory_space<vmem>>) semaphore(%arg33 : memref<!tpu.dma_semaphore, #tpu.memory_space<semaphore_mem>>) {add = true}
        %dma_wait3A_392 = arith.constant 0 : i32
        %dma_wait3A_393 = arith.constant 0 : i32
        %dma_wait3A_394 = tpu.memref_slice %arg2[%scan3A_319, %dma_wait3A_392, %dma_wait3A_393] : memref<2x10000x128xf32, #tpu.memory_space<hbm>> -> memref<1x10000x128xf32, #tpu.memory_space<hbm>>
        %dma_wait3A_395 = tpu.memref_squeeze %dma_wait3A_394 : memref<1x10000x128xf32, #tpu.memory_space<hbm>> -> memref<10000x128xf32, #tpu.memory_space<hbm>>
        %dma_wait3A_396 = arith.constant 0 : i32
        %dma_wait3A_397 = arith.constant 0 : i32
        %dma_wait3A_398 = tpu.memref_slice %dma_wait3A_395[%dma_wait3A_396, %dma_wait3A_397] : memref<10000x128xf32, #tpu.memory_space<hbm>> -> memref<32x128xf32, #tpu.memory_space<hbm>>
        %dma_wait3A_399 = arith.constant 0 : i32
        %dma_wait3A_400 = arith.constant 0 : i32
        %dma_wait3A_401 = tpu.memref_slice %arg2[%scan3A_319, %dma_wait3A_399, %dma_wait3A_400] : memref<2x10000x128xf32, #tpu.memory_space<hbm>> -> memref<1x10000x128xf32, #tpu.memory_space<hbm>>
        %dma_wait3A_402 = tpu.memref_squeeze %dma_wait3A_401 : memref<1x10000x128xf32, #tpu.memory_space<hbm>> -> memref<10000x128xf32, #tpu.memory_space<hbm>>
        %dma_wait3A_403 = arith.constant 0 : i32
        %dma_wait3A_404 = arith.constant 0 : i32
        %dma_wait3A_405 = tpu.memref_slice %dma_wait3A_402[%dma_wait3A_403, %dma_wait3A_404] : memref<10000x128xf32, #tpu.memory_space<hbm>> -> memref<32x128xf32, #tpu.memory_space<hbm>>
        tpu.wait_dma2 semaphore(%arg29 : memref<!tpu.dma_semaphore, #tpu.memory_space<semaphore_mem>>) src(%dma_wait3A_405 : memref<32x128xf32, #tpu.memory_space<hbm>>) dst(%arg9 : memref<32x128xf32, #tpu.memory_space<vmem>>)
        %dma_start3A_406 = arith.constant 0 : i32
        %dma_start3A_407 = arith.constant 0 : i32
        %dma_start3A_408 = tpu.memref_slice %arg5[%dma_start3A_406, %dma_start3A_407] : memref<10064x128xf32, #tpu.memory_space<vmem_shared>> -> memref<10064x128xf32, #tpu.memory_space<vmem_shared>>
        tpu.enqueue_indirect_dma source(%arg9 : memref<32x128xf32, #tpu.memory_space<vmem>>) target(%dma_start3A_408 : memref<10064x128xf32, #tpu.memory_space<vmem_shared>>) offsets(%arg24 : memref<32xi32, #tpu.memory_space<vmem>>) semaphore(%arg34 : memref<!tpu.dma_semaphore, #tpu.memory_space<semaphore_mem>>) {add = true}
        %dma_wait3A_409 = arith.constant 0 : i32
        %dma_wait3A_410 = arith.constant 0 : i32
        %dma_wait3A_411 = tpu.memref_slice %arg2[%scan3A_319, %dma_wait3A_409, %dma_wait3A_410] : memref<2x10000x128xf32, #tpu.memory_space<hbm>> -> memref<1x10000x128xf32, #tpu.memory_space<hbm>>
        %dma_wait3A_412 = tpu.memref_squeeze %dma_wait3A_411 : memref<1x10000x128xf32, #tpu.memory_space<hbm>> -> memref<10000x128xf32, #tpu.memory_space<hbm>>
        %dma_wait3A_413 = arith.constant 0 : i32
        %dma_wait3A_414 = arith.constant 0 : i32
        %dma_wait3A_415 = tpu.memref_slice %dma_wait3A_412[%dma_wait3A_413, %dma_wait3A_414] : memref<10000x128xf32, #tpu.memory_space<hbm>> -> memref<32x128xf32, #tpu.memory_space<hbm>>
        %dma_wait3A_416 = arith.constant 0 : i32
        %dma_wait3A_417 = arith.constant 0 : i32
        %dma_wait3A_418 = tpu.memref_slice %arg2[%scan3A_319, %dma_wait3A_416, %dma_wait3A_417] : memref<2x10000x128xf32, #tpu.memory_space<hbm>> -> memref<1x10000x128xf32, #tpu.memory_space<hbm>>
        %dma_wait3A_419 = tpu.memref_squeeze %dma_wait3A_418 : memref<1x10000x128xf32, #tpu.memory_space<hbm>> -> memref<10000x128xf32, #tpu.memory_space<hbm>>
        %dma_wait3A_420 = arith.constant 0 : i32
        %dma_wait3A_421 = arith.constant 0 : i32
        %dma_wait3A_422 = tpu.memref_slice %dma_wait3A_419[%dma_wait3A_420, %dma_wait3A_421] : memref<10000x128xf32, #tpu.memory_space<hbm>> -> memref<32x128xf32, #tpu.memory_space<hbm>>
        tpu.wait_dma2 semaphore(%arg30 : memref<!tpu.dma_semaphore, #tpu.memory_space<semaphore_mem>>) src(%dma_wait3A_422 : memref<32x128xf32, #tpu.memory_space<hbm>>) dst(%arg10 : memref<32x128xf32, #tpu.memory_space<vmem>>)
        %dma_start3A_423 = arith.constant 0 : i32
        %dma_start3A_424 = arith.constant 0 : i32
        %dma_start3A_425 = tpu.memref_slice %arg5[%dma_start3A_423, %dma_start3A_424] : memref<10064x128xf32, #tpu.memory_space<vmem_shared>> -> memref<10064x128xf32, #tpu.memory_space<vmem_shared>>
        tpu.enqueue_indirect_dma source(%arg10 : memref<32x128xf32, #tpu.memory_space<vmem>>) target(%dma_start3A_425 : memref<10064x128xf32, #tpu.memory_space<vmem_shared>>) offsets(%arg25 : memref<32xi32, #tpu.memory_space<vmem>>) semaphore(%arg35 : memref<!tpu.dma_semaphore, #tpu.memory_space<semaphore_mem>>) {add = true}
        %lt3A = arith.constant 124 : i32
        %lt3A_426 = arith.cmpi slt, %scan3A_340, %lt3A : i32
        %convert_element_type3A_427 = arith.extui %lt3A_426 : i1 to i32
        %cond3A_428 = arith.constant 0 : i32
        %cond3A_429 = arith.cmpi ne, %convert_element_type3A_427, %cond3A_428 : i32
        scf.if %cond3A_429 {
          %add3A = arith.constant 1 : i32
          %add3A_430 = arith.addi %scan3A_340, %add3A : i32
          %mul3A_431 = arith.constant 5 : i32
          %mul3A_432 = arith.muli %add3A_430, %mul3A_431 : i32
          %add3A_433 = arith.constant 0 : i32
          %add3A_434 = arith.addi %mul3A_432, %add3A_433 : i32
          %dma_wait3A_435 = arith.constant 0 : i32
          %dma_wait3A_436 = arith.constant 0 : i32
          %dma_wait3A_437 = tpu.memref_slice %arg5[%dma_wait3A_435, %dma_wait3A_436] : memref<10064x128xf32, #tpu.memory_space<vmem_shared>> -> memref<10064x128xf32, #tpu.memory_space<vmem_shared>>
          tpu.wait_indirect_dma semaphore(%arg31 : memref<!tpu.dma_semaphore, #tpu.memory_space<semaphore_mem>>) src(%arg6 : memref<32x128xf32, #tpu.memory_space<vmem>>) dst(%dma_wait3A_437 : memref<10064x128xf32, #tpu.memory_space<vmem_shared>>)
          %dma_wait3A_438 = arith.constant 0 : i32
          %dma_wait3A_439 = arith.constant 0 : i32
          %dma_wait3A_440 = tpu.memref_slice %arg3[%arg1, %dma_wait3A_438, %dma_wait3A_439] : memref<16x625x32xi32, #tpu.memory_space<hbm>> -> memref<1x1x32xi32, #tpu.memory_space<hbm>>
          %dma_wait3A_441 = tpu.memref_squeeze %dma_wait3A_440 : memref<1x1x32xi32, #tpu.memory_space<hbm>> -> memref<32xi32, #tpu.memory_space<hbm>>
          %dma_wait3A_442 = arith.constant 0 : i32
          %dma_wait3A_443 = tpu.memref_slice %arg3[%arg1, %dma_wait3A_438, %dma_wait3A_442] : memref<16x625x32xi32, #tpu.memory_space<hbm>> -> memref<1x1x32xi32, #tpu.memory_space<hbm>>
          %dma_wait3A_444 = tpu.memref_squeeze %dma_wait3A_443 : memref<1x1x32xi32, #tpu.memory_space<hbm>> -> memref<32xi32, #tpu.memory_space<hbm>>
          tpu.wait_dma2 semaphore(%arg36 : memref<!tpu.dma_semaphore, #tpu.memory_space<semaphore_mem>>) src(%dma_wait3A_444 : memref<32xi32, #tpu.memory_space<hbm>>) dst(%arg11 : memref<32xi32, #tpu.memory_space<vmem>>)
          %get3A_445 = arith.constant 0 : index
          %get3A_446 = tpu.vector_load %arg11[%get3A_445] {strides = array<i32>} : memref<32xi32, #tpu.memory_space<vmem>>, vector<16xi32>,
          %get3A_447 = vector.shape_cast %get3A_446 : vector<16xi32> to vector<16xi32>
          %and3A_448 = arith.constant 16383 : i32
          %and3A_449 = vector.broadcast %and3A_448 : i32 to vector<16xi32>
          %and3A_450 = arith.andi %get3A_447, %and3A_449 : vector<16xi32>
          %swap3A_451 = arith.constant 0 : index
          %swap3A_452 = tpu.vector_load %arg16[%swap3A_451] {strides = array<i32>} : memref<32xi32, #tpu.memory_space<vmem>>, vector<16xi32>,
          %swap3A_453 = vector.shape_cast %swap3A_452 : vector<16xi32> to vector<16xi32>
          %swap3A_454 = vector.shape_cast %and3A_450 : vector<16xi32> to vector<16xi32>
          tpu.vector_store %arg16[%swap3A_451], %swap3A_454 {strides = array<i32>} : memref<32xi32, #tpu.memory_space<vmem>>, vector<16xi32>,
          %shift_right_logical3A_455 = arith.constant 14 : i32
          %shift_right_logical3A_456 = vector.broadcast %shift_right_logical3A_455 : i32 to vector<16xi32>
          %shift_right_logical3A_457 = arith.shrui %get3A_447, %shift_right_logical3A_456 : vector<16xi32>
          %swap3A_458 = arith.constant 0 : index
          %swap3A_459 = tpu.vector_load %arg21[%swap3A_458] {strides = array<i32>} : memref<32xi32, #tpu.memory_space<vmem>>, vector<16xi32>,
          %swap3A_460 = vector.shape_cast %swap3A_459 : vector<16xi32> to vector<16xi32>
          %swap3A_461 = vector.shape_cast %shift_right_logical3A_457 : vector<16xi32> to vector<16xi32>
          tpu.vector_store %arg21[%swap3A_458], %swap3A_461 {strides = array<i32>} : memref<32xi32, #tpu.memory_space<vmem>>, vector<16xi32>,
          %get3A_462 = arith.constant 16 : index
          %get3A_463 = tpu.vector_load %arg11[%get3A_462] {strides = array<i32>} : memref<32xi32, #tpu.memory_space<vmem>>, vector<16xi32>,
          %get3A_464 = vector.shape_cast %get3A_463 : vector<16xi32> to vector<16xi32>
          %and3A_465 = arith.constant 16383 : i32
          %and3A_466 = vector.broadcast %and3A_465 : i32 to vector<16xi32>
          %and3A_467 = arith.andi %get3A_464, %and3A_466 : vector<16xi32>
          %swap3A_468 = arith.constant 16 : index
          %swap3A_469 = tpu.vector_load %arg16[%swap3A_468] {strides = array<i32>} : memref<32xi32, #tpu.memory_space<vmem>>, vector<16xi32>,
          %swap3A_470 = vector.shape_cast %swap3A_469 : vector<16xi32> to vector<16xi32>
          %swap3A_471 = vector.shape_cast %and3A_467 : vector<16xi32> to vector<16xi32>
          tpu.vector_store %arg16[%swap3A_468], %swap3A_471 {strides = array<i32>} : memref<32xi32, #tpu.memory_space<vmem>>, vector<16xi32>,
          %shift_right_logical3A_472 = arith.constant 14 : i32
          %shift_right_logical3A_473 = vector.broadcast %shift_right_logical3A_472 : i32 to vector<16xi32>
          %shift_right_logical3A_474 = arith.shrui %get3A_464, %shift_right_logical3A_473 : vector<16xi32>
          %swap3A_475 = arith.constant 16 : index
          %swap3A_476 = tpu.vector_load %arg21[%swap3A_475] {strides = array<i32>} : memref<32xi32, #tpu.memory_space<vmem>>, vector<16xi32>,
          %swap3A_477 = vector.shape_cast %swap3A_476 : vector<16xi32> to vector<16xi32>
          %swap3A_478 = vector.shape_cast %shift_right_logical3A_474 : vector<16xi32> to vector<16xi32>
          tpu.vector_store %arg21[%swap3A_475], %swap3A_478 {strides = array<i32>} : memref<32xi32, #tpu.memory_space<vmem>>, vector<16xi32>,
          %dma_start3A_479 = arith.constant 0 : i32
          %dma_start3A_480 = arith.constant 0 : i32
          %dma_start3A_481 = tpu.memref_slice %arg2[%scan3A_319, %dma_start3A_479, %dma_start3A_480] : memref<2x10000x128xf32, #tpu.memory_space<hbm>> -> memref<1x10000x128xf32, #tpu.memory_space<hbm>>
          %dma_start3A_482 = tpu.memref_squeeze %dma_start3A_481 : memref<1x10000x128xf32, #tpu.memory_space<hbm>> -> memref<10000x128xf32, #tpu.memory_space<hbm>>
          %dma_start3A_483 = arith.constant 0 : i32
          %dma_start3A_484 = arith.constant 0 : i32
          %dma_start3A_485 = tpu.memref_slice %dma_start3A_482[%dma_start3A_483, %dma_start3A_484] : memref<10000x128xf32, #tpu.memory_space<hbm>> -> memref<10000x128xf32, #tpu.memory_space<hbm>>
          tpu.enqueue_indirect_dma source(%dma_start3A_485 : memref<10000x128xf32, #tpu.memory_space<hbm>>) target(%arg6 : memref<32x128xf32, #tpu.memory_space<vmem>>) offsets(%arg16 : memref<32xi32, #tpu.memory_space<vmem>>) semaphore(%arg26 : memref<!tpu.dma_semaphore, #tpu.memory_space<semaphore_mem>>)
          %lt3A_486 = arith.constant 123 : i32
          %lt3A_487 = arith.cmpi slt, %scan3A_340, %lt3A_486 : i32
          %convert_element_type3A_488 = arith.extui %lt3A_487 : i1 to i32
          %cond3A_489 = arith.constant 0 : i32
          %cond3A_490 = arith.cmpi ne, %convert_element_type3A_488, %cond3A_489 : i32
          scf.if %cond3A_490 {
            %add3A_739 = arith.constant 5 : i32
            %add3A_740 = arith.addi %add3A_434, %add3A_739 : i32
            %dma_start3A_741 = arith.constant 0 : i32
            %dma_start3A_742 = tpu.memref_slice %arg3[%arg1, %add3A_740, %dma_start3A_741] : memref<16x625x32xi32, #tpu.memory_space<hbm>> -> memref<1x1x32xi32, #tpu.memory_space<hbm>>
            %dma_start3A_743 = tpu.memref_squeeze %dma_start3A_742 : memref<1x1x32xi32, #tpu.memory_space<hbm>> -> memref<32xi32, #tpu.memory_space<hbm>>
            %dma_start3A_744 = arith.constant 0 : i32
            %dma_start3A_745 = tpu.memref_slice %arg3[%arg1, %add3A_740, %dma_start3A_744] : memref<16x625x32xi32, #tpu.memory_space<hbm>> -> memref<1x1x32xi32, #tpu.memory_space<hbm>>
            %dma_start3A_746 = tpu.memref_squeeze %dma_start3A_745 : memref<1x1x32xi32, #tpu.memory_space<hbm>> -> memref<32xi32, #tpu.memory_space<hbm>>
            tpu.enqueue_dma source(%dma_start3A_746 : memref<32xi32, #tpu.memory_space<hbm>>) target(%arg11 : memref<32xi32, #tpu.memory_space<vmem>>) target_semaphore(%arg36 : memref<!tpu.dma_semaphore, #tpu.memory_space<semaphore_mem>>)
          } else {
          }
          %add3A_491 = arith.constant 1 : i32
          %add3A_492 = arith.addi %scan3A_340, %add3A_491 : i32
          %mul3A_493 = arith.constant 5 : i32
          %mul3A_494 = arith.muli %add3A_492, %mul3A_493 : i32
          %add3A_495 = arith.constant 1 : i32
          %add3A_496 = arith.addi %mul3A_494, %add3A_495 : i32
          %dma_wait3A_497 = arith.constant 0 : i32
          %dma_wait3A_498 = arith.constant 0 : i32
          %dma_wait3A_499 = tpu.memref_slice %arg5[%dma_wait3A_497, %dma_wait3A_498] : memref<10064x128xf32, #tpu.memory_space<vmem_shared>> -> memref<10064x128xf32, #tpu.memory_space<vmem_shared>>
          tpu.wait_indirect_dma semaphore(%arg32 : memref<!tpu.dma_semaphore, #tpu.memory_space<semaphore_mem>>) src(%arg7 : memref<32x128xf32, #tpu.memory_space<vmem>>) dst(%dma_wait3A_499 : memref<10064x128xf32, #tpu.memory_space<vmem_shared>>)
          %dma_wait3A_500 = arith.constant 0 : i32
          %dma_wait3A_501 = arith.constant 0 : i32
          %dma_wait3A_502 = tpu.memref_slice %arg3[%arg1, %dma_wait3A_500, %dma_wait3A_501] : memref<16x625x32xi32, #tpu.memory_space<hbm>> -> memref<1x1x32xi32, #tpu.memory_space<hbm>>
          %dma_wait3A_503 = tpu.memref_squeeze %dma_wait3A_502 : memref<1x1x32xi32, #tpu.memory_space<hbm>> -> memref<32xi32, #tpu.memory_space<hbm>>
          %dma_wait3A_504 = arith.constant 0 : i32
          %dma_wait3A_505 = tpu.memref_slice %arg3[%arg1, %dma_wait3A_500, %dma_wait3A_504] : memref<16x625x32xi32, #tpu.memory_space<hbm>> -> memref<1x1x32xi32, #tpu.memory_space<hbm>>
          %dma_wait3A_506 = tpu.memref_squeeze %dma_wait3A_505 : memref<1x1x32xi32, #tpu.memory_space<hbm>> -> memref<32xi32, #tpu.memory_space<hbm>>
          tpu.wait_dma2 semaphore(%arg37 : memref<!tpu.dma_semaphore, #tpu.memory_space<semaphore_mem>>) src(%dma_wait3A_506 : memref<32xi32, #tpu.memory_space<hbm>>) dst(%arg12 : memref<32xi32, #tpu.memory_space<vmem>>)
          %get3A_507 = arith.constant 0 : index
          %get3A_508 = tpu.vector_load %arg12[%get3A_507] {strides = array<i32>} : memref<32xi32, #tpu.memory_space<vmem>>, vector<16xi32>,
          %get3A_509 = vector.shape_cast %get3A_508 : vector<16xi32> to vector<16xi32>
          %and3A_510 = arith.constant 16383 : i32
          %and3A_511 = vector.broadcast %and3A_510 : i32 to vector<16xi32>
          %and3A_512 = arith.andi %get3A_509, %and3A_511 : vector<16xi32>
          %swap3A_513 = arith.constant 0 : index
          %swap3A_514 = tpu.vector_load %arg17[%swap3A_513] {strides = array<i32>} : memref<32xi32, #tpu.memory_space<vmem>>, vector<16xi32>,
          %swap3A_515 = vector.shape_cast %swap3A_514 : vector<16xi32> to vector<16xi32>
          %swap3A_516 = vector.shape_cast %and3A_512 : vector<16xi32> to vector<16xi32>
          tpu.vector_store %arg17[%swap3A_513], %swap3A_516 {strides = array<i32>} : memref<32xi32, #tpu.memory_space<vmem>>, vector<16xi32>,
          %shift_right_logical3A_517 = arith.constant 14 : i32
          %shift_right_logical3A_518 = vector.broadcast %shift_right_logical3A_517 : i32 to vector<16xi32>
          %shift_right_logical3A_519 = arith.shrui %get3A_509, %shift_right_logical3A_518 : vector<16xi32>
          %swap3A_520 = arith.constant 0 : index
          %swap3A_521 = tpu.vector_load %arg22[%swap3A_520] {strides = array<i32>} : memref<32xi32, #tpu.memory_space<vmem>>, vector<16xi32>,
          %swap3A_522 = vector.shape_cast %swap3A_521 : vector<16xi32> to vector<16xi32>
          %swap3A_523 = vector.shape_cast %shift_right_logical3A_519 : vector<16xi32> to vector<16xi32>
          tpu.vector_store %arg22[%swap3A_520], %swap3A_523 {strides = array<i32>} : memref<32xi32, #tpu.memory_space<vmem>>, vector<16xi32>,
          %get3A_524 = arith.constant 16 : index
          %get3A_525 = tpu.vector_load %arg12[%get3A_524] {strides = array<i32>} : memref<32xi32, #tpu.memory_space<vmem>>, vector<16xi32>,
          %get3A_526 = vector.shape_cast %get3A_525 : vector<16xi32> to vector<16xi32>
          %and3A_527 = arith.constant 16383 : i32
          %and3A_528 = vector.broadcast %and3A_527 : i32 to vector<16xi32>
          %and3A_529 = arith.andi %get3A_526, %and3A_528 : vector<16xi32>
          %swap3A_530 = arith.constant 16 : index
          %swap3A_531 = tpu.vector_load %arg17[%swap3A_530] {strides = array<i32>} : memref<32xi32, #tpu.memory_space<vmem>>, vector<16xi32>,
          %swap3A_532 = vector.shape_cast %swap3A_531 : vector<16xi32> to vector<16xi32>
          %swap3A_533 = vector.shape_cast %and3A_529 : vector<16xi32> to vector<16xi32>
          tpu.vector_store %arg17[%swap3A_530], %swap3A_533 {strides = array<i32>} : memref<32xi32, #tpu.memory_space<vmem>>, vector<16xi32>,
          %shift_right_logical3A_534 = arith.constant 14 : i32
          %shift_right_logical3A_535 = vector.broadcast %shift_right_logical3A_534 : i32 to vector<16xi32>
          %shift_right_logical3A_536 = arith.shrui %get3A_526, %shift_right_logical3A_535 : vector<16xi32>
          %swap3A_537 = arith.constant 16 : index
          %swap3A_538 = tpu.vector_load %arg22[%swap3A_537] {strides = array<i32>} : memref<32xi32, #tpu.memory_space<vmem>>, vector<16xi32>,
          %swap3A_539 = vector.shape_cast %swap3A_538 : vector<16xi32> to vector<16xi32>
          %swap3A_540 = vector.shape_cast %shift_right_logical3A_536 : vector<16xi32> to vector<16xi32>
          tpu.vector_store %arg22[%swap3A_537], %swap3A_540 {strides = array<i32>} : memref<32xi32, #tpu.memory_space<vmem>>, vector<16xi32>,
          %dma_start3A_541 = arith.constant 0 : i32
          %dma_start3A_542 = arith.constant 0 : i32
          %dma_start3A_543 = tpu.memref_slice %arg2[%scan3A_319, %dma_start3A_541, %dma_start3A_542] : memref<2x10000x128xf32, #tpu.memory_space<hbm>> -> memref<1x10000x128xf32, #tpu.memory_space<hbm>>
          %dma_start3A_544 = tpu.memref_squeeze %dma_start3A_543 : memref<1x10000x128xf32, #tpu.memory_space<hbm>> -> memref<10000x128xf32, #tpu.memory_space<hbm>>
          %dma_start3A_545 = arith.constant 0 : i32
          %dma_start3A_546 = arith.constant 0 : i32
          %dma_start3A_547 = tpu.memref_slice %dma_start3A_544[%dma_start3A_545, %dma_start3A_546] : memref<10000x128xf32, #tpu.memory_space<hbm>> -> memref<10000x128xf32, #tpu.memory_space<hbm>>
          tpu.enqueue_indirect_dma source(%dma_start3A_547 : memref<10000x128xf32, #tpu.memory_space<hbm>>) target(%arg7 : memref<32x128xf32, #tpu.memory_space<vmem>>) offsets(%arg17 : memref<32xi32, #tpu.memory_space<vmem>>) semaphore(%arg27 : memref<!tpu.dma_semaphore, #tpu.memory_space<semaphore_mem>>)
          %lt3A_548 = arith.constant 123 : i32
          %lt3A_549 = arith.cmpi slt, %scan3A_340, %lt3A_548 : i32
          %convert_element_type3A_550 = arith.extui %lt3A_549 : i1 to i32
          %cond3A_551 = arith.constant 0 : i32
          %cond3A_552 = arith.cmpi ne, %convert_element_type3A_550, %cond3A_551 : i32
          scf.if %cond3A_552 {
            %add3A_739 = arith.constant 5 : i32
            %add3A_740 = arith.addi %add3A_496, %add3A_739 : i32
            %dma_start3A_741 = arith.constant 0 : i32
            %dma_start3A_742 = tpu.memref_slice %arg3[%arg1, %add3A_740, %dma_start3A_741] : memref<16x625x32xi32, #tpu.memory_space<hbm>> -> memref<1x1x32xi32, #tpu.memory_space<hbm>>
            %dma_start3A_743 = tpu.memref_squeeze %dma_start3A_742 : memref<1x1x32xi32, #tpu.memory_space<hbm>> -> memref<32xi32, #tpu.memory_space<hbm>>
            %dma_start3A_744 = arith.constant 0 : i32
            %dma_start3A_745 = tpu.memref_slice %arg3[%arg1, %add3A_740, %dma_start3A_744] : memref<16x625x32xi32, #tpu.memory_space<hbm>> -> memref<1x1x32xi32, #tpu.memory_space<hbm>>
            %dma_start3A_746 = tpu.memref_squeeze %dma_start3A_745 : memref<1x1x32xi32, #tpu.memory_space<hbm>> -> memref<32xi32, #tpu.memory_space<hbm>>
            tpu.enqueue_dma source(%dma_start3A_746 : memref<32xi32, #tpu.memory_space<hbm>>) target(%arg12 : memref<32xi32, #tpu.memory_space<vmem>>) target_semaphore(%arg37 : memref<!tpu.dma_semaphore, #tpu.memory_space<semaphore_mem>>)
          } else {
          }
          %add3A_553 = arith.constant 1 : i32
          %add3A_554 = arith.addi %scan3A_340, %add3A_553 : i32
          %mul3A_555 = arith.constant 5 : i32
          %mul3A_556 = arith.muli %add3A_554, %mul3A_555 : i32
          %add3A_557 = arith.constant 2 : i32
          %add3A_558 = arith.addi %mul3A_556, %add3A_557 : i32
          %dma_wait3A_559 = arith.constant 0 : i32
          %dma_wait3A_560 = arith.constant 0 : i32
          %dma_wait3A_561 = tpu.memref_slice %arg5[%dma_wait3A_559, %dma_wait3A_560] : memref<10064x128xf32, #tpu.memory_space<vmem_shared>> -> memref<10064x128xf32, #tpu.memory_space<vmem_shared>>
          tpu.wait_indirect_dma semaphore(%arg33 : memref<!tpu.dma_semaphore, #tpu.memory_space<semaphore_mem>>) src(%arg8 : memref<32x128xf32, #tpu.memory_space<vmem>>) dst(%dma_wait3A_561 : memref<10064x128xf32, #tpu.memory_space<vmem_shared>>)
          %dma_wait3A_562 = arith.constant 0 : i32
          %dma_wait3A_563 = arith.constant 0 : i32
          %dma_wait3A_564 = tpu.memref_slice %arg3[%arg1, %dma_wait3A_562, %dma_wait3A_563] : memref<16x625x32xi32, #tpu.memory_space<hbm>> -> memref<1x1x32xi32, #tpu.memory_space<hbm>>
          %dma_wait3A_565 = tpu.memref_squeeze %dma_wait3A_564 : memref<1x1x32xi32, #tpu.memory_space<hbm>> -> memref<32xi32, #tpu.memory_space<hbm>>
          %dma_wait3A_566 = arith.constant 0 : i32
          %dma_wait3A_567 = tpu.memref_slice %arg3[%arg1, %dma_wait3A_562, %dma_wait3A_566] : memref<16x625x32xi32, #tpu.memory_space<hbm>> -> memref<1x1x32xi32, #tpu.memory_space<hbm>>
          %dma_wait3A_568 = tpu.memref_squeeze %dma_wait3A_567 : memref<1x1x32xi32, #tpu.memory_space<hbm>> -> memref<32xi32, #tpu.memory_space<hbm>>
          tpu.wait_dma2 semaphore(%arg38 : memref<!tpu.dma_semaphore, #tpu.memory_space<semaphore_mem>>) src(%dma_wait3A_568 : memref<32xi32, #tpu.memory_space<hbm>>) dst(%arg13 : memref<32xi32, #tpu.memory_space<vmem>>)
          %get3A_569 = arith.constant 0 : index
          %get3A_570 = tpu.vector_load %arg13[%get3A_569] {strides = array<i32>} : memref<32xi32, #tpu.memory_space<vmem>>, vector<16xi32>,
          %get3A_571 = vector.shape_cast %get3A_570 : vector<16xi32> to vector<16xi32>
          %and3A_572 = arith.constant 16383 : i32
          %and3A_573 = vector.broadcast %and3A_572 : i32 to vector<16xi32>
          %and3A_574 = arith.andi %get3A_571, %and3A_573 : vector<16xi32>
          %swap3A_575 = arith.constant 0 : index
          %swap3A_576 = tpu.vector_load %arg18[%swap3A_575] {strides = array<i32>} : memref<32xi32, #tpu.memory_space<vmem>>, vector<16xi32>,
          %swap3A_577 = vector.shape_cast %swap3A_576 : vector<16xi32> to vector<16xi32>
          %swap3A_578 = vector.shape_cast %and3A_574 : vector<16xi32> to vector<16xi32>
          tpu.vector_store %arg18[%swap3A_575], %swap3A_578 {strides = array<i32>} : memref<32xi32, #tpu.memory_space<vmem>>, vector<16xi32>,
          %shift_right_logical3A_579 = arith.constant 14 : i32
          %shift_right_logical3A_580 = vector.broadcast %shift_right_logical3A_579 : i32 to vector<16xi32>
          %shift_right_logical3A_581 = arith.shrui %get3A_571, %shift_right_logical3A_580 : vector<16xi32>
          %swap3A_582 = arith.constant 0 : index
          %swap3A_583 = tpu.vector_load %arg23[%swap3A_582] {strides = array<i32>} : memref<32xi32, #tpu.memory_space<vmem>>, vector<16xi32>,
          %swap3A_584 = vector.shape_cast %swap3A_583 : vector<16xi32> to vector<16xi32>
          %swap3A_585 = vector.shape_cast %shift_right_logical3A_581 : vector<16xi32> to vector<16xi32>
          tpu.vector_store %arg23[%swap3A_582], %swap3A_585 {strides = array<i32>} : memref<32xi32, #tpu.memory_space<vmem>>, vector<16xi32>,
          %get3A_586 = arith.constant 16 : index
          %get3A_587 = tpu.vector_load %arg13[%get3A_586] {strides = array<i32>} : memref<32xi32, #tpu.memory_space<vmem>>, vector<16xi32>,
          %get3A_588 = vector.shape_cast %get3A_587 : vector<16xi32> to vector<16xi32>
          %and3A_589 = arith.constant 16383 : i32
          %and3A_590 = vector.broadcast %and3A_589 : i32 to vector<16xi32>
          %and3A_591 = arith.andi %get3A_588, %and3A_590 : vector<16xi32>
          %swap3A_592 = arith.constant 16 : index
          %swap3A_593 = tpu.vector_load %arg18[%swap3A_592] {strides = array<i32>} : memref<32xi32, #tpu.memory_space<vmem>>, vector<16xi32>,
          %swap3A_594 = vector.shape_cast %swap3A_593 : vector<16xi32> to vector<16xi32>
          %swap3A_595 = vector.shape_cast %and3A_591 : vector<16xi32> to vector<16xi32>
          tpu.vector_store %arg18[%swap3A_592], %swap3A_595 {strides = array<i32>} : memref<32xi32, #tpu.memory_space<vmem>>, vector<16xi32>,
          %shift_right_logical3A_596 = arith.constant 14 : i32
          %shift_right_logical3A_597 = vector.broadcast %shift_right_logical3A_596 : i32 to vector<16xi32>
          %shift_right_logical3A_598 = arith.shrui %get3A_588, %shift_right_logical3A_597 : vector<16xi32>
          %swap3A_599 = arith.constant 16 : index
          %swap3A_600 = tpu.vector_load %arg23[%swap3A_599] {strides = array<i32>} : memref<32xi32, #tpu.memory_space<vmem>>, vector<16xi32>,
          %swap3A_601 = vector.shape_cast %swap3A_600 : vector<16xi32> to vector<16xi32>
          %swap3A_602 = vector.shape_cast %shift_right_logical3A_598 : vector<16xi32> to vector<16xi32>
          tpu.vector_store %arg23[%swap3A_599], %swap3A_602 {strides = array<i32>} : memref<32xi32, #tpu.memory_space<vmem>>, vector<16xi32>,
          %dma_start3A_603 = arith.constant 0 : i32
          %dma_start3A_604 = arith.constant 0 : i32
          %dma_start3A_605 = tpu.memref_slice %arg2[%scan3A_319, %dma_start3A_603, %dma_start3A_604] : memref<2x10000x128xf32, #tpu.memory_space<hbm>> -> memref<1x10000x128xf32, #tpu.memory_space<hbm>>
          %dma_start3A_606 = tpu.memref_squeeze %dma_start3A_605 : memref<1x10000x128xf32, #tpu.memory_space<hbm>> -> memref<10000x128xf32, #tpu.memory_space<hbm>>
          %dma_start3A_607 = arith.constant 0 : i32
          %dma_start3A_608 = arith.constant 0 : i32
          %dma_start3A_609 = tpu.memref_slice %dma_start3A_606[%dma_start3A_607, %dma_start3A_608] : memref<10000x128xf32, #tpu.memory_space<hbm>> -> memref<10000x128xf32, #tpu.memory_space<hbm>>
          tpu.enqueue_indirect_dma source(%dma_start3A_609 : memref<10000x128xf32, #tpu.memory_space<hbm>>) target(%arg8 : memref<32x128xf32, #tpu.memory_space<vmem>>) offsets(%arg18 : memref<32xi32, #tpu.memory_space<vmem>>) semaphore(%arg28 : memref<!tpu.dma_semaphore, #tpu.memory_space<semaphore_mem>>)
          %lt3A_610 = arith.constant 123 : i32
          %lt3A_611 = arith.cmpi slt, %scan3A_340, %lt3A_610 : i32
          %convert_element_type3A_612 = arith.extui %lt3A_611 : i1 to i32
          %cond3A_613 = arith.constant 0 : i32
          %cond3A_614 = arith.cmpi ne, %convert_element_type3A_612, %cond3A_613 : i32
          scf.if %cond3A_614 {
            %add3A_739 = arith.constant 5 : i32
            %add3A_740 = arith.addi %add3A_558, %add3A_739 : i32
            %dma_start3A_741 = arith.constant 0 : i32
            %dma_start3A_742 = tpu.memref_slice %arg3[%arg1, %add3A_740, %dma_start3A_741] : memref<16x625x32xi32, #tpu.memory_space<hbm>> -> memref<1x1x32xi32, #tpu.memory_space<hbm>>
            %dma_start3A_743 = tpu.memref_squeeze %dma_start3A_742 : memref<1x1x32xi32, #tpu.memory_space<hbm>> -> memref<32xi32, #tpu.memory_space<hbm>>
            %dma_start3A_744 = arith.constant 0 : i32
            %dma_start3A_745 = tpu.memref_slice %arg3[%arg1, %add3A_740, %dma_start3A_744] : memref<16x625x32xi32, #tpu.memory_space<hbm>> -> memref<1x1x32xi32, #tpu.memory_space<hbm>>
            %dma_start3A_746 = tpu.memref_squeeze %dma_start3A_745 : memref<1x1x32xi32, #tpu.memory_space<hbm>> -> memref<32xi32, #tpu.memory_space<hbm>>
            tpu.enqueue_dma source(%dma_start3A_746 : memref<32xi32, #tpu.memory_space<hbm>>) target(%arg13 : memref<32xi32, #tpu.memory_space<vmem>>) target_semaphore(%arg38 : memref<!tpu.dma_semaphore, #tpu.memory_space<semaphore_mem>>)
          } else {
          }
          %add3A_615 = arith.constant 1 : i32
          %add3A_616 = arith.addi %scan3A_340, %add3A_615 : i32
          %mul3A_617 = arith.constant 5 : i32
          %mul3A_618 = arith.muli %add3A_616, %mul3A_617 : i32
          %add3A_619 = arith.constant 3 : i32
          %add3A_620 = arith.addi %mul3A_618, %add3A_619 : i32
          %dma_wait3A_621 = arith.constant 0 : i32
          %dma_wait3A_622 = arith.constant 0 : i32
          %dma_wait3A_623 = tpu.memref_slice %arg5[%dma_wait3A_621, %dma_wait3A_622] : memref<10064x128xf32, #tpu.memory_space<vmem_shared>> -> memref<10064x128xf32, #tpu.memory_space<vmem_shared>>
          tpu.wait_indirect_dma semaphore(%arg34 : memref<!tpu.dma_semaphore, #tpu.memory_space<semaphore_mem>>) src(%arg9 : memref<32x128xf32, #tpu.memory_space<vmem>>) dst(%dma_wait3A_623 : memref<10064x128xf32, #tpu.memory_space<vmem_shared>>)
          %dma_wait3A_624 = arith.constant 0 : i32
          %dma_wait3A_625 = arith.constant 0 : i32
          %dma_wait3A_626 = tpu.memref_slice %arg3[%arg1, %dma_wait3A_624, %dma_wait3A_625] : memref<16x625x32xi32, #tpu.memory_space<hbm>> -> memref<1x1x32xi32, #tpu.memory_space<hbm>>
          %dma_wait3A_627 = tpu.memref_squeeze %dma_wait3A_626 : memref<1x1x32xi32, #tpu.memory_space<hbm>> -> memref<32xi32, #tpu.memory_space<hbm>>
          %dma_wait3A_628 = arith.constant 0 : i32
          %dma_wait3A_629 = tpu.memref_slice %arg3[%arg1, %dma_wait3A_624, %dma_wait3A_628] : memref<16x625x32xi32, #tpu.memory_space<hbm>> -> memref<1x1x32xi32, #tpu.memory_space<hbm>>
          %dma_wait3A_630 = tpu.memref_squeeze %dma_wait3A_629 : memref<1x1x32xi32, #tpu.memory_space<hbm>> -> memref<32xi32, #tpu.memory_space<hbm>>
          tpu.wait_dma2 semaphore(%arg39 : memref<!tpu.dma_semaphore, #tpu.memory_space<semaphore_mem>>) src(%dma_wait3A_630 : memref<32xi32, #tpu.memory_space<hbm>>) dst(%arg14 : memref<32xi32, #tpu.memory_space<vmem>>)
          %get3A_631 = arith.constant 0 : index
          %get3A_632 = tpu.vector_load %arg14[%get3A_631] {strides = array<i32>} : memref<32xi32, #tpu.memory_space<vmem>>, vector<16xi32>,
          %get3A_633 = vector.shape_cast %get3A_632 : vector<16xi32> to vector<16xi32>
          %and3A_634 = arith.constant 16383 : i32
          %and3A_635 = vector.broadcast %and3A_634 : i32 to vector<16xi32>
          %and3A_636 = arith.andi %get3A_633, %and3A_635 : vector<16xi32>
          %swap3A_637 = arith.constant 0 : index
          %swap3A_638 = tpu.vector_load %arg19[%swap3A_637] {strides = array<i32>} : memref<32xi32, #tpu.memory_space<vmem>>, vector<16xi32>,
          %swap3A_639 = vector.shape_cast %swap3A_638 : vector<16xi32> to vector<16xi32>
          %swap3A_640 = vector.shape_cast %and3A_636 : vector<16xi32> to vector<16xi32>
          tpu.vector_store %arg19[%swap3A_637], %swap3A_640 {strides = array<i32>} : memref<32xi32, #tpu.memory_space<vmem>>, vector<16xi32>,
          %shift_right_logical3A_641 = arith.constant 14 : i32
          %shift_right_logical3A_642 = vector.broadcast %shift_right_logical3A_641 : i32 to vector<16xi32>
          %shift_right_logical3A_643 = arith.shrui %get3A_633, %shift_right_logical3A_642 : vector<16xi32>
          %swap3A_644 = arith.constant 0 : index
          %swap3A_645 = tpu.vector_load %arg24[%swap3A_644] {strides = array<i32>} : memref<32xi32, #tpu.memory_space<vmem>>, vector<16xi32>,
          %swap3A_646 = vector.shape_cast %swap3A_645 : vector<16xi32> to vector<16xi32>
          %swap3A_647 = vector.shape_cast %shift_right_logical3A_643 : vector<16xi32> to vector<16xi32>
          tpu.vector_store %arg24[%swap3A_644], %swap3A_647 {strides = array<i32>} : memref<32xi32, #tpu.memory_space<vmem>>, vector<16xi32>,
          %get3A_648 = arith.constant 16 : index
          %get3A_649 = tpu.vector_load %arg14[%get3A_648] {strides = array<i32>} : memref<32xi32, #tpu.memory_space<vmem>>, vector<16xi32>,
          %get3A_650 = vector.shape_cast %get3A_649 : vector<16xi32> to vector<16xi32>
          %and3A_651 = arith.constant 16383 : i32
          %and3A_652 = vector.broadcast %and3A_651 : i32 to vector<16xi32>
          %and3A_653 = arith.andi %get3A_650, %and3A_652 : vector<16xi32>
          %swap3A_654 = arith.constant 16 : index
          %swap3A_655 = tpu.vector_load %arg19[%swap3A_654] {strides = array<i32>} : memref<32xi32, #tpu.memory_space<vmem>>, vector<16xi32>,
          %swap3A_656 = vector.shape_cast %swap3A_655 : vector<16xi32> to vector<16xi32>
          %swap3A_657 = vector.shape_cast %and3A_653 : vector<16xi32> to vector<16xi32>
          tpu.vector_store %arg19[%swap3A_654], %swap3A_657 {strides = array<i32>} : memref<32xi32, #tpu.memory_space<vmem>>, vector<16xi32>,
          %shift_right_logical3A_658 = arith.constant 14 : i32
          %shift_right_logical3A_659 = vector.broadcast %shift_right_logical3A_658 : i32 to vector<16xi32>
          %shift_right_logical3A_660 = arith.shrui %get3A_650, %shift_right_logical3A_659 : vector<16xi32>
          %swap3A_661 = arith.constant 16 : index
          %swap3A_662 = tpu.vector_load %arg24[%swap3A_661] {strides = array<i32>} : memref<32xi32, #tpu.memory_space<vmem>>, vector<16xi32>,
          %swap3A_663 = vector.shape_cast %swap3A_662 : vector<16xi32> to vector<16xi32>
          %swap3A_664 = vector.shape_cast %shift_right_logical3A_660 : vector<16xi32> to vector<16xi32>
          tpu.vector_store %arg24[%swap3A_661], %swap3A_664 {strides = array<i32>} : memref<32xi32, #tpu.memory_space<vmem>>, vector<16xi32>,
          %dma_start3A_665 = arith.constant 0 : i32
          %dma_start3A_666 = arith.constant 0 : i32
          %dma_start3A_667 = tpu.memref_slice %arg2[%scan3A_319, %dma_start3A_665, %dma_start3A_666] : memref<2x10000x128xf32, #tpu.memory_space<hbm>> -> memref<1x10000x128xf32, #tpu.memory_space<hbm>>
          %dma_start3A_668 = tpu.memref_squeeze %dma_start3A_667 : memref<1x10000x128xf32, #tpu.memory_space<hbm>> -> memref<10000x128xf32, #tpu.memory_space<hbm>>
          %dma_start3A_669 = arith.constant 0 : i32
          %dma_start3A_670 = arith.constant 0 : i32
          %dma_start3A_671 = tpu.memref_slice %dma_start3A_668[%dma_start3A_669, %dma_start3A_670] : memref<10000x128xf32, #tpu.memory_space<hbm>> -> memref<10000x128xf32, #tpu.memory_space<hbm>>
          tpu.enqueue_indirect_dma source(%dma_start3A_671 : memref<10000x128xf32, #tpu.memory_space<hbm>>) target(%arg9 : memref<32x128xf32, #tpu.memory_space<vmem>>) offsets(%arg19 : memref<32xi32, #tpu.memory_space<vmem>>) semaphore(%arg29 : memref<!tpu.dma_semaphore, #tpu.memory_space<semaphore_mem>>)
          %lt3A_672 = arith.constant 123 : i32
          %lt3A_673 = arith.cmpi slt, %scan3A_340, %lt3A_672 : i32
          %convert_element_type3A_674 = arith.extui %lt3A_673 : i1 to i32
          %cond3A_675 = arith.constant 0 : i32
          %cond3A_676 = arith.cmpi ne, %convert_element_type3A_674, %cond3A_675 : i32
          scf.if %cond3A_676 {
            %add3A_739 = arith.constant 5 : i32
            %add3A_740 = arith.addi %add3A_620, %add3A_739 : i32
            %dma_start3A_741 = arith.constant 0 : i32
            %dma_start3A_742 = tpu.memref_slice %arg3[%arg1, %add3A_740, %dma_start3A_741] : memref<16x625x32xi32, #tpu.memory_space<hbm>> -> memref<1x1x32xi32, #tpu.memory_space<hbm>>
            %dma_start3A_743 = tpu.memref_squeeze %dma_start3A_742 : memref<1x1x32xi32, #tpu.memory_space<hbm>> -> memref<32xi32, #tpu.memory_space<hbm>>
            %dma_start3A_744 = arith.constant 0 : i32
            %dma_start3A_745 = tpu.memref_slice %arg3[%arg1, %add3A_740, %dma_start3A_744] : memref<16x625x32xi32, #tpu.memory_space<hbm>> -> memref<1x1x32xi32, #tpu.memory_space<hbm>>
            %dma_start3A_746 = tpu.memref_squeeze %dma_start3A_745 : memref<1x1x32xi32, #tpu.memory_space<hbm>> -> memref<32xi32, #tpu.memory_space<hbm>>
            tpu.enqueue_dma source(%dma_start3A_746 : memref<32xi32, #tpu.memory_space<hbm>>) target(%arg14 : memref<32xi32, #tpu.memory_space<vmem>>) target_semaphore(%arg39 : memref<!tpu.dma_semaphore, #tpu.memory_space<semaphore_mem>>)
          } else {
          }
          %add3A_677 = arith.constant 1 : i32
          %add3A_678 = arith.addi %scan3A_340, %add3A_677 : i32
          %mul3A_679 = arith.constant 5 : i32
          %mul3A_680 = arith.muli %add3A_678, %mul3A_679 : i32
          %add3A_681 = arith.constant 4 : i32
          %add3A_682 = arith.addi %mul3A_680, %add3A_681 : i32
          %dma_wait3A_683 = arith.constant 0 : i32
          %dma_wait3A_684 = arith.constant 0 : i32
          %dma_wait3A_685 = tpu.memref_slice %arg5[%dma_wait3A_683, %dma_wait3A_684] : memref<10064x128xf32, #tpu.memory_space<vmem_shared>> -> memref<10064x128xf32, #tpu.memory_space<vmem_shared>>
          tpu.wait_indirect_dma semaphore(%arg35 : memref<!tpu.dma_semaphore, #tpu.memory_space<semaphore_mem>>) src(%arg10 : memref<32x128xf32, #tpu.memory_space<vmem>>) dst(%dma_wait3A_685 : memref<10064x128xf32, #tpu.memory_space<vmem_shared>>)
          %dma_wait3A_686 = arith.constant 0 : i32
          %dma_wait3A_687 = arith.constant 0 : i32
          %dma_wait3A_688 = tpu.memref_slice %arg3[%arg1, %dma_wait3A_686, %dma_wait3A_687] : memref<16x625x32xi32, #tpu.memory_space<hbm>> -> memref<1x1x32xi32, #tpu.memory_space<hbm>>
          %dma_wait3A_689 = tpu.memref_squeeze %dma_wait3A_688 : memref<1x1x32xi32, #tpu.memory_space<hbm>> -> memref<32xi32, #tpu.memory_space<hbm>>
          %dma_wait3A_690 = arith.constant 0 : i32
          %dma_wait3A_691 = tpu.memref_slice %arg3[%arg1, %dma_wait3A_686, %dma_wait3A_690] : memref<16x625x32xi32, #tpu.memory_space<hbm>> -> memref<1x1x32xi32, #tpu.memory_space<hbm>>
          %dma_wait3A_692 = tpu.memref_squeeze %dma_wait3A_691 : memref<1x1x32xi32, #tpu.memory_space<hbm>> -> memref<32xi32, #tpu.memory_space<hbm>>
          tpu.wait_dma2 semaphore(%arg40 : memref<!tpu.dma_semaphore, #tpu.memory_space<semaphore_mem>>) src(%dma_wait3A_692 : memref<32xi32, #tpu.memory_space<hbm>>) dst(%arg15 : memref<32xi32, #tpu.memory_space<vmem>>)
          %get3A_693 = arith.constant 0 : index
          %get3A_694 = tpu.vector_load %arg15[%get3A_693] {strides = array<i32>} : memref<32xi32, #tpu.memory_space<vmem>>, vector<16xi32>,
          %get3A_695 = vector.shape_cast %get3A_694 : vector<16xi32> to vector<16xi32>
          %and3A_696 = arith.constant 16383 : i32
          %and3A_697 = vector.broadcast %and3A_696 : i32 to vector<16xi32>
          %and3A_698 = arith.andi %get3A_695, %and3A_697 : vector<16xi32>
          %swap3A_699 = arith.constant 0 : index
          %swap3A_700 = tpu.vector_load %arg20[%swap3A_699] {strides = array<i32>} : memref<32xi32, #tpu.memory_space<vmem>>, vector<16xi32>,
          %swap3A_701 = vector.shape_cast %swap3A_700 : vector<16xi32> to vector<16xi32>
          %swap3A_702 = vector.shape_cast %and3A_698 : vector<16xi32> to vector<16xi32>
          tpu.vector_store %arg20[%swap3A_699], %swap3A_702 {strides = array<i32>} : memref<32xi32, #tpu.memory_space<vmem>>, vector<16xi32>,
          %shift_right_logical3A_703 = arith.constant 14 : i32
          %shift_right_logical3A_704 = vector.broadcast %shift_right_logical3A_703 : i32 to vector<16xi32>
          %shift_right_logical3A_705 = arith.shrui %get3A_695, %shift_right_logical3A_704 : vector<16xi32>
          %swap3A_706 = arith.constant 0 : index
          %swap3A_707 = tpu.vector_load %arg25[%swap3A_706] {strides = array<i32>} : memref<32xi32, #tpu.memory_space<vmem>>, vector<16xi32>,
          %swap3A_708 = vector.shape_cast %swap3A_707 : vector<16xi32> to vector<16xi32>
          %swap3A_709 = vector.shape_cast %shift_right_logical3A_705 : vector<16xi32> to vector<16xi32>
          tpu.vector_store %arg25[%swap3A_706], %swap3A_709 {strides = array<i32>} : memref<32xi32, #tpu.memory_space<vmem>>, vector<16xi32>,
          %get3A_710 = arith.constant 16 : index
          %get3A_711 = tpu.vector_load %arg15[%get3A_710] {strides = array<i32>} : memref<32xi32, #tpu.memory_space<vmem>>, vector<16xi32>,
          %get3A_712 = vector.shape_cast %get3A_711 : vector<16xi32> to vector<16xi32>
          %and3A_713 = arith.constant 16383 : i32
          %and3A_714 = vector.broadcast %and3A_713 : i32 to vector<16xi32>
          %and3A_715 = arith.andi %get3A_712, %and3A_714 : vector<16xi32>
          %swap3A_716 = arith.constant 16 : index
          %swap3A_717 = tpu.vector_load %arg20[%swap3A_716] {strides = array<i32>} : memref<32xi32, #tpu.memory_space<vmem>>, vector<16xi32>,
          %swap3A_718 = vector.shape_cast %swap3A_717 : vector<16xi32> to vector<16xi32>
          %swap3A_719 = vector.shape_cast %and3A_715 : vector<16xi32> to vector<16xi32>
          tpu.vector_store %arg20[%swap3A_716], %swap3A_719 {strides = array<i32>} : memref<32xi32, #tpu.memory_space<vmem>>, vector<16xi32>,
          %shift_right_logical3A_720 = arith.constant 14 : i32
          %shift_right_logical3A_721 = vector.broadcast %shift_right_logical3A_720 : i32 to vector<16xi32>
          %shift_right_logical3A_722 = arith.shrui %get3A_712, %shift_right_logical3A_721 : vector<16xi32>
          %swap3A_723 = arith.constant 16 : index
          %swap3A_724 = tpu.vector_load %arg25[%swap3A_723] {strides = array<i32>} : memref<32xi32, #tpu.memory_space<vmem>>, vector<16xi32>,
          %swap3A_725 = vector.shape_cast %swap3A_724 : vector<16xi32> to vector<16xi32>
          %swap3A_726 = vector.shape_cast %shift_right_logical3A_722 : vector<16xi32> to vector<16xi32>
          tpu.vector_store %arg25[%swap3A_723], %swap3A_726 {strides = array<i32>} : memref<32xi32, #tpu.memory_space<vmem>>, vector<16xi32>,
          %dma_start3A_727 = arith.constant 0 : i32
          %dma_start3A_728 = arith.constant 0 : i32
          %dma_start3A_729 = tpu.memref_slice %arg2[%scan3A_319, %dma_start3A_727, %dma_start3A_728] : memref<2x10000x128xf32, #tpu.memory_space<hbm>> -> memref<1x10000x128xf32, #tpu.memory_space<hbm>>
          %dma_start3A_730 = tpu.memref_squeeze %dma_start3A_729 : memref<1x10000x128xf32, #tpu.memory_space<hbm>> -> memref<10000x128xf32, #tpu.memory_space<hbm>>
          %dma_start3A_731 = arith.constant 0 : i32
          %dma_start3A_732 = arith.constant 0 : i32
          %dma_start3A_733 = tpu.memref_slice %dma_start3A_730[%dma_start3A_731, %dma_start3A_732] : memref<10000x128xf32, #tpu.memory_space<hbm>> -> memref<10000x128xf32, #tpu.memory_space<hbm>>
          tpu.enqueue_indirect_dma source(%dma_start3A_733 : memref<10000x128xf32, #tpu.memory_space<hbm>>) target(%arg10 : memref<32x128xf32, #tpu.memory_space<vmem>>) offsets(%arg20 : memref<32xi32, #tpu.memory_space<vmem>>) semaphore(%arg30 : memref<!tpu.dma_semaphore, #tpu.memory_space<semaphore_mem>>)
          %lt3A_734 = arith.constant 123 : i32
          %lt3A_735 = arith.cmpi slt, %scan3A_340, %lt3A_734 : i32
          %convert_element_type3A_736 = arith.extui %lt3A_735 : i1 to i32
          %cond3A_737 = arith.constant 0 : i32
          %cond3A_738 = arith.cmpi ne, %convert_element_type3A_736, %cond3A_737 : i32
          scf.if %cond3A_738 {
            %add3A_739 = arith.constant 5 : i32
            %add3A_740 = arith.addi %add3A_682, %add3A_739 : i32
            %dma_start3A_741 = arith.constant 0 : i32
            %dma_start3A_742 = tpu.memref_slice %arg3[%arg1, %add3A_740, %dma_start3A_741] : memref<16x625x32xi32, #tpu.memory_space<hbm>> -> memref<1x1x32xi32, #tpu.memory_space<hbm>>
            %dma_start3A_743 = tpu.memref_squeeze %dma_start3A_742 : memref<1x1x32xi32, #tpu.memory_space<hbm>> -> memref<32xi32, #tpu.memory_space<hbm>>
            %dma_start3A_744 = arith.constant 0 : i32
            %dma_start3A_745 = tpu.memref_slice %arg3[%arg1, %add3A_740, %dma_start3A_744] : memref<16x625x32xi32, #tpu.memory_space<hbm>> -> memref<1x1x32xi32, #tpu.memory_space<hbm>>
            %dma_start3A_746 = tpu.memref_squeeze %dma_start3A_745 : memref<1x1x32xi32, #tpu.memory_space<hbm>> -> memref<32xi32, #tpu.memory_space<hbm>>
            tpu.enqueue_dma source(%dma_start3A_746 : memref<32xi32, #tpu.memory_space<hbm>>) target(%arg15 : memref<32xi32, #tpu.memory_space<vmem>>) target_semaphore(%arg40 : memref<!tpu.dma_semaphore, #tpu.memory_space<semaphore_mem>>)
          } else {
          }
        } else {
        }
      }
      %scan3A_324 = arith.constant 125 : i32
      %dma_wait3A_325 = arith.constant 0 : i32
      %dma_wait3A_326 = arith.constant 0 : i32
      %dma_wait3A_327 = tpu.memref_slice %arg5[%dma_wait3A_325, %dma_wait3A_326] : memref<10064x128xf32, #tpu.memory_space<vmem_shared>> -> memref<10064x128xf32, #tpu.memory_space<vmem_shared>>
      tpu.wait_indirect_dma semaphore(%arg31 : memref<!tpu.dma_semaphore, #tpu.memory_space<semaphore_mem>>) src(%arg6 : memref<32x128xf32, #tpu.memory_space<vmem>>) dst(%dma_wait3A_327 : memref<10064x128xf32, #tpu.memory_space<vmem_shared>>)
      %dma_wait3A_328 = arith.constant 0 : i32
      %dma_wait3A_329 = arith.constant 0 : i32
      %dma_wait3A_330 = tpu.memref_slice %arg5[%dma_wait3A_328, %dma_wait3A_329] : memref<10064x128xf32, #tpu.memory_space<vmem_shared>> -> memref<10064x128xf32, #tpu.memory_space<vmem_shared>>
      tpu.wait_indirect_dma semaphore(%arg32 : memref<!tpu.dma_semaphore, #tpu.memory_space<semaphore_mem>>) src(%arg7 : memref<32x128xf32, #tpu.memory_space<vmem>>) dst(%dma_wait3A_330 : memref<10064x128xf32, #tpu.memory_space<vmem_shared>>)
      %dma_wait3A_331 = arith.constant 0 : i32
      %dma_wait3A_332 = arith.constant 0 : i32
      %dma_wait3A_333 = tpu.memref_slice %arg5[%dma_wait3A_331, %dma_wait3A_332] : memref<10064x128xf32, #tpu.memory_space<vmem_shared>> -> memref<10064x128xf32, #tpu.memory_space<vmem_shared>>
      tpu.wait_indirect_dma semaphore(%arg33 : memref<!tpu.dma_semaphore, #tpu.memory_space<semaphore_mem>>) src(%arg8 : memref<32x128xf32, #tpu.memory_space<vmem>>) dst(%dma_wait3A_333 : memref<10064x128xf32, #tpu.memory_space<vmem_shared>>)
      %dma_wait3A_334 = arith.constant 0 : i32
      %dma_wait3A_335 = arith.constant 0 : i32
      %dma_wait3A_336 = tpu.memref_slice %arg5[%dma_wait3A_334, %dma_wait3A_335] : memref<10064x128xf32, #tpu.memory_space<vmem_shared>> -> memref<10064x128xf32, #tpu.memory_space<vmem_shared>>
      tpu.wait_indirect_dma semaphore(%arg34 : memref<!tpu.dma_semaphore, #tpu.memory_space<semaphore_mem>>) src(%arg9 : memref<32x128xf32, #tpu.memory_space<vmem>>) dst(%dma_wait3A_336 : memref<10064x128xf32, #tpu.memory_space<vmem_shared>>)
      %dma_wait3A_337 = arith.constant 0 : i32
      %dma_wait3A_338 = arith.constant 0 : i32
      %dma_wait3A_339 = tpu.memref_slice %arg5[%dma_wait3A_337, %dma_wait3A_338] : memref<10064x128xf32, #tpu.memory_space<vmem_shared>> -> memref<10064x128xf32, #tpu.memory_space<vmem_shared>>
      tpu.wait_indirect_dma semaphore(%arg35 : memref<!tpu.dma_semaphore, #tpu.memory_space<semaphore_mem>>) src(%arg10 : memref<32x128xf32, #tpu.memory_space<vmem>>) dst(%dma_wait3A_339 : memref<10064x128xf32, #tpu.memory_space<vmem_shared>>)
    } else {
    }
    %barrier3A_9 = arith.constant 0 : index
    tpu.barrier barrier_id(%barrier3A_9)
    "tpu.region"() ({
      %run_scoped3A = tpu.sem_alloc : memref<!tpu.dma_semaphore, #tpu.memory_space<semaphore_mem>>
      %dma_start3A = arith.constant 0 : i32
      %dma_start3A_10 = tpu.memref_slice %arg4[%arg0, %min3A_1, %dma_start3A] : memref<2x10000x128xf32, #tpu.memory_space<hbm>> -> memref<1x632x128xf32, #tpu.memory_space<hbm>>
      %dma_start3A_11 = tpu.memref_squeeze %dma_start3A_10 : memref<1x632x128xf32, #tpu.memory_space<hbm>> -> memref<632x128xf32, #tpu.memory_space<hbm>>
      %dma_start3A_12 = arith.constant 0 : i32
      %dma_start3A_13 = tpu.memref_slice %arg5[%min3A_1, %dma_start3A_12] : memref<10064x128xf32, #tpu.memory_space<vmem_shared>> -> memref<632x128xf32, #tpu.memory_space<vmem_shared>>
      tpu.enqueue_dma source(%dma_start3A_13 : memref<632x128xf32, #tpu.memory_space<vmem_shared>>) target(%dma_start3A_11 : memref<632x128xf32, #tpu.memory_space<hbm>>) target_semaphore(%run_scoped3A : memref<!tpu.dma_semaphore, #tpu.memory_space<semaphore_mem>>)
      %dma_wait3A = arith.constant 0 : i32
      %dma_wait3A_14 = tpu.memref_slice %arg4[%arg0, %min3A_1, %dma_wait3A] : memref<2x10000x128xf32, #tpu.memory_space<hbm>> -> memref<1x632x128xf32, #tpu.memory_space<hbm>>
      %dma_wait3A_15 = tpu.memref_squeeze %dma_wait3A_14 : memref<1x632x128xf32, #tpu.memory_space<hbm>> -> memref<632x128xf32, #tpu.memory_space<hbm>>
      %dma_wait3A_16 = arith.constant 0 : i32
      %dma_wait3A_17 = tpu.memref_slice %arg5[%min3A_1, %dma_wait3A_16] : memref<10064x128xf32, #tpu.memory_space<vmem_shared>> -> memref<632x128xf32, #tpu.memory_space<vmem_shared>>
      tpu.wait_dma2 semaphore(%run_scoped3A : memref<!tpu.dma_semaphore, #tpu.memory_space<semaphore_mem>>) src(%dma_wait3A_17 : memref<632x128xf32, #tpu.memory_space<vmem_shared>>) dst(%dma_wait3A_15 : memref<632x128xf32, #tpu.memory_space<hbm>>)
      tpu.yield
    }) : () -> ()
    return
  }
}

#map = affine_map<(d0, d1) -> (0)>
#map1 = affine_map<(d0, d1) -> (0, 0)>
module attributes {stable_mosaic.version = 14 : i64} {
  func.func @_deg_kernel(%arg0: i32, %arg1: i32, %arg2: memref<320000xi32, #tpu.memory_space<hbm>>, %arg3: memref<32x10000xf32, #tpu.memory_space<hbm>>, %arg4: memref<10000xi32, #tpu.memory_space<vmem>>, %arg5: memref<10000xf32, #tpu.memory_space<vmem>>) attributes {dimension_semantics = [#tpu.dimension_semantics<core_parallel>, #tpu.dimension_semantics<subcore_parallel>], iteration_bounds = array<i64: 2, 16>, scalar_prefetch = 0 : i64, scratch_operands = 2 : i64, tpu.core_type = #tpu.core_type<sc_vector_subcore>, window_params = [{transform_indices = #map}, {transform_indices = #map1}]} {
    %mul3A = arith.constant 2 : i32
    %mul3A_0 = arith.muli %arg1, %mul3A : i32
    %add3A = arith.addi %mul3A_0, %arg0 : i32
    %broadcast_in_dim3A = arith.constant 0.000000e+00 : f32
    %broadcast_in_dim3A_1 = vector.broadcast %broadcast_in_dim3A : f32 to vector<16xf32>
    %scan3A = arith.constant 0 : i32
    %scan3A_2 = arith.constant 0 : i32
    %scan3A_3 = arith.constant 625 : i32
    %scan3A_4 = arith.addi %scan3A_2, %scan3A_3 : i32
    %scan3A_5 = arith.constant 1 : i32
    scf.for %scan3A_17 = %scan3A_2 to %scan3A_4 step %scan3A_5  : i32 {
      %mul3A_18 = arith.constant 16 : i32
      %mul3A_19 = arith.muli %scan3A_17, %mul3A_18 : i32
      %swap3A = arith.index_cast %mul3A_19 : i32 to index
      %swap3A_20 = tpu.vector_load %arg5[%swap3A] {strides = array<i32>} : memref<10000xf32, #tpu.memory_space<vmem>>, vector<16xf32>,
      tpu.vector_store %arg5[%swap3A], %broadcast_in_dim3A_1 {strides = array<i32>} : memref<10000xf32, #tpu.memory_space<vmem>>, vector<16xf32>,
    }
    %scan3A_6 = arith.constant 625 : i32
    %mul3A_7 = arith.constant 10000 : i32
    %mul3A_8 = arith.muli %add3A, %mul3A_7 : i32
    "tpu.region"() ({
      %run_scoped3A = tpu.sem_alloc : memref<!tpu.dma_semaphore, #tpu.memory_space<semaphore_mem>>
      %dma_start3A = tpu.memref_slice %arg2[%mul3A_8] : memref<320000xi32, #tpu.memory_space<hbm>> -> memref<10000xi32, #tpu.memory_space<hbm>>
      %dma_start3A_17 = tpu.memref_slice %arg2[%mul3A_8] : memref<320000xi32, #tpu.memory_space<hbm>> -> memref<10000xi32, #tpu.memory_space<hbm>>
      tpu.enqueue_dma source(%dma_start3A_17 : memref<10000xi32, #tpu.memory_space<hbm>>) target(%arg4 : memref<10000xi32, #tpu.memory_space<vmem>>) target_semaphore(%run_scoped3A : memref<!tpu.dma_semaphore, #tpu.memory_space<semaphore_mem>>)
      %dma_wait3A = tpu.memref_slice %arg2[%mul3A_8] : memref<320000xi32, #tpu.memory_space<hbm>> -> memref<10000xi32, #tpu.memory_space<hbm>>
      %dma_wait3A_18 = tpu.memref_slice %arg2[%mul3A_8] : memref<320000xi32, #tpu.memory_space<hbm>> -> memref<10000xi32, #tpu.memory_space<hbm>>
      tpu.wait_dma2 semaphore(%run_scoped3A : memref<!tpu.dma_semaphore, #tpu.memory_space<semaphore_mem>>) src(%dma_wait3A_18 : memref<10000xi32, #tpu.memory_space<hbm>>) dst(%arg4 : memref<10000xi32, #tpu.memory_space<vmem>>)
      tpu.yield
    }) : () -> ()
    %broadcast_in_dim3A_9 = arith.constant 1.000000e+00 : f32
    %broadcast_in_dim3A_10 = vector.broadcast %broadcast_in_dim3A_9 : f32 to vector<16xf32>
    %scan3A_11 = arith.constant 0 : i32
    %scan3A_12 = arith.constant 0 : i32
    %scan3A_13 = arith.constant 625 : i32
    %scan3A_14 = arith.addi %scan3A_12, %scan3A_13 : i32
    %scan3A_15 = arith.constant 1 : i32
    scf.for %scan3A_17 = %scan3A_12 to %scan3A_14 step %scan3A_15  : i32 {
      %mul3A_18 = arith.constant 16 : i32
      %mul3A_19 = arith.muli %scan3A_17, %mul3A_18 : i32
      %get3A = arith.index_cast %mul3A_19 : i32 to index
      %get3A_20 = tpu.vector_load %arg4[%get3A] {strides = array<i32>} : memref<10000xi32, #tpu.memory_space<vmem>>, vector<16xi32>,
      tpu.vector_store_idx %arg5[%get3A_20], %broadcast_in_dim3A_10 {add = true} : memref<10000xf32, #tpu.memory_space<vmem>>[vector<16xi32>], vector<16xf32>,
    }
    %scan3A_16 = arith.constant 625 : i32
    "tpu.region"() ({
      %run_scoped3A = tpu.sem_alloc : memref<!tpu.dma_semaphore, #tpu.memory_space<semaphore_mem>>
      %dma_start3A = arith.constant 0 : i32
      %dma_start3A_17 = tpu.memref_slice %arg3[%add3A, %dma_start3A] : memref<32x10000xf32, #tpu.memory_space<hbm>> -> memref<1x10000xf32, #tpu.memory_space<hbm>>
      %dma_start3A_18 = tpu.memref_squeeze %dma_start3A_17 : memref<1x10000xf32, #tpu.memory_space<hbm>> -> memref<10000xf32, #tpu.memory_space<hbm>>
      %dma_start3A_19 = arith.constant 0 : i32
      %dma_start3A_20 = tpu.memref_slice %arg3[%add3A, %dma_start3A_19] : memref<32x10000xf32, #tpu.memory_space<hbm>> -> memref<1x10000xf32, #tpu.memory_space<hbm>>
      %dma_start3A_21 = tpu.memref_squeeze %dma_start3A_20 : memref<1x10000xf32, #tpu.memory_space<hbm>> -> memref<10000xf32, #tpu.memory_space<hbm>>
      tpu.enqueue_dma source(%arg5 : memref<10000xf32, #tpu.memory_space<vmem>>) target(%dma_start3A_21 : memref<10000xf32, #tpu.memory_space<hbm>>) target_semaphore(%run_scoped3A : memref<!tpu.dma_semaphore, #tpu.memory_space<semaphore_mem>>)
      %dma_wait3A = arith.constant 0 : i32
      %dma_wait3A_22 = tpu.memref_slice %arg3[%add3A, %dma_wait3A] : memref<32x10000xf32, #tpu.memory_space<hbm>> -> memref<1x10000xf32, #tpu.memory_space<hbm>>
      %dma_wait3A_23 = tpu.memref_squeeze %dma_wait3A_22 : memref<1x10000xf32, #tpu.memory_space<hbm>> -> memref<10000xf32, #tpu.memory_space<hbm>>
      %dma_wait3A_24 = arith.constant 0 : i32
      %dma_wait3A_25 = tpu.memref_slice %arg3[%add3A, %dma_wait3A_24] : memref<32x10000xf32, #tpu.memory_space<hbm>> -> memref<1x10000xf32, #tpu.memory_space<hbm>>
      %dma_wait3A_26 = tpu.memref_squeeze %dma_wait3A_25 : memref<1x10000xf32, #tpu.memory_space<hbm>> -> memref<10000xf32, #tpu.memory_space<hbm>>
      tpu.wait_dma2 semaphore(%run_scoped3A : memref<!tpu.dma_semaphore, #tpu.memory_space<semaphore_mem>>) src(%arg5 : memref<10000xf32, #tpu.memory_space<vmem>>) dst(%dma_wait3A_26 : memref<10000xf32, #tpu.memory_space<hbm>>)
      tpu.yield
    }) : () -> ()
    return
  }
}

module attributes {stable_mosaic.version = 14 : i64} {
  func.func @_h2_body(%arg0: i32, %arg1: i32, %arg2: memref<1000x128xf32, #tpu.memory_space<vmem>>, %arg3: memref<128x128xf32, #tpu.memory_space<vmem>>, %arg4: memref<1000x32xf32, #tpu.memory_space<vmem>>, %arg5: memref<1x1000x128xf32, #tpu.memory_space<vmem>>, %arg6: memref<1000x1xf32, #tpu.memory_space<vmem>>) attributes {dimension_semantics = [#tpu.dimension_semantics<arbitrary>, #tpu.dimension_semantics<arbitrary>], iteration_bounds = array<i64: 10, 2>, scalar_prefetch = 0 : i64, scratch_operands = 0 : i64, tpu.core_type = #tpu.core_type<tc>, window_params = [{transform_indices = @transform_0, window_bounds = array<i64: 1000, 128>}, {transform_indices = @transform_1, window_bounds = array<i64: 128, 128>}, {transform_indices = @transform_2, window_bounds = array<i64: 1000, 32>}, {transform_indices = @transform_3, window_bounds = array<i64: 1, 1000, 128>}, {transform_indices = @transform_4, window_bounds = array<i64: 1000, 1>}]} {
    %get3A = arith.constant 0 : index
    %get3A_0 = arith.constant 0 : index
    %get3A_1 = vector.load %arg4[%get3A, %get3A_0] : memref<1000x32xf32, #tpu.memory_space<vmem>>, vector<1000x32xf32>
    %reduce_sum3A = arith.constant dense<0.000000e+00> : vector<1000xf32>
    %reduce_sum3A_2 = vector.multi_reduction <add>, %get3A_1, %reduce_sum3A [1] : vector<1000x32xf32> to vector<1000xf32>
    %broadcast_in_dim3A = vector.shape_cast %reduce_sum3A_2 : vector<1000xf32> to vector<1000x1xf32>
    %add3A = arith.constant 1.000000e+00 : f32
    %add3A_3 = vector.broadcast %add3A : f32 to vector<1000x1xf32>
    %add3A_4 = arith.addf %broadcast_in_dim3A, %add3A_3 : vector<1000x1xf32>
    %rsqrt3A = math.rsqrt %add3A_4 : vector<1000x1xf32>
    %get3A_5 = arith.constant 0 : index
    %get3A_6 = arith.constant 0 : index
    %get3A_7 = vector.load %arg2[%get3A_5, %get3A_6] : memref<1000x128xf32, #tpu.memory_space<vmem>>, vector<1000x128xf32>
    %get3A_8 = arith.constant 0 : index
    %get3A_9 = arith.constant 0 : index
    %get3A_10 = vector.load %arg3[%get3A_8, %get3A_9] : memref<128x128xf32, #tpu.memory_space<vmem>>, vector<128x128xf32>
    %dot_general3A = arith.constant dense<0.000000e+00> : vector<1000x128xf32>
    %dot_general3A_11 = tpu.matmul %get3A_7, %get3A_10, %dot_general3A {dimension_numbers = #tpu.dot_dimension_numbers<[1], [0], [0], [1], [0, 0, 1, 1], [], []>, transpose_lhs_hint = false} : vector<1000x128xf32>, vector<128x128xf32>, vector<1000x128xf32> -> vector<1000x128xf32>
    %mul3A = vector.broadcast %rsqrt3A : vector<1000x1xf32> to vector<1000x128xf32>
    %mul3A_12 = arith.mulf %dot_general3A_11, %mul3A : vector<1000x128xf32>
    %broadcast_in_dim3A_13 = vector.shape_cast %mul3A_12 : vector<1000x128xf32> to vector<1x1000x128xf32>
    %swap3A = arith.constant 0 : index
    %swap3A_14 = arith.constant 0 : index
    %swap3A_15 = arith.constant 0 : index
    %swap3A_16 = vector.load %arg5[%swap3A, %swap3A_14, %swap3A_15] : memref<1x1000x128xf32, #tpu.memory_space<vmem>>, vector<1x1000x128xf32>
    tpu.vector_store %arg5[%swap3A, %swap3A_14, %swap3A_15], %broadcast_in_dim3A_13 {strides = array<i32>} : memref<1x1000x128xf32, #tpu.memory_space<vmem>>, vector<1x1000x128xf32>,
    %swap3A_17 = arith.constant 0 : index
    %swap3A_18 = arith.constant 0 : index
    %swap3A_19 = vector.load %arg6[%swap3A_17, %swap3A_18] : memref<1000x1xf32, #tpu.memory_space<vmem>>, vector<1000x1xf32>
    tpu.vector_store %arg6[%swap3A_17, %swap3A_18], %rsqrt3A {strides = array<i32>} : memref<1000x1xf32, #tpu.memory_space<vmem>>, vector<1000x1xf32>,
    return
  }
  func.func @transform_0(%arg0: i32, %arg1: i32) -> (i32, i32) {
    %c0_i32 = arith.constant 0 : i32
    %c0_i32_0 = arith.constant 0 : i32
    return %arg0, %c0_i32 : i32, i32
  }
  func.func @transform_1(%arg0: i32, %arg1: i32) -> (i32, i32) {
    %c0_i32 = arith.constant 0 : i32
    %c0_i32_0 = arith.constant 0 : i32
    return %c0_i32, %arg1 : i32, i32
  }
  func.func @transform_2(%arg0: i32, %arg1: i32) -> (i32, i32) {
    %c0_i32 = arith.constant 0 : i32
    %c0_i32_0 = arith.constant 0 : i32
    return %arg0, %c0_i32 : i32, i32
  }
  func.func @transform_3(%arg0: i32, %arg1: i32) -> (i32, i32, i32) {
    %c0_i32 = arith.constant 0 : i32
    %c0_i32_0 = arith.constant 0 : i32
    return %arg1, %arg0, %c0_i32 : i32, i32, i32
  }
  func.func @transform_4(%arg0: i32, %arg1: i32) -> (i32, i32) {
    %c0_i32 = arith.constant 0 : i32
    %c0_i32_0 = arith.constant 0 : i32
    return %arg0, %c0_i32 : i32, i32
  }
}

module attributes {stable_mosaic.version = 14 : i64} {
  func.func @_fin_body(%arg0: i32, %arg1: memref<2x1000x128xf32, #tpu.memory_space<vmem>>, %arg2: memref<1000x1xf32, #tpu.memory_space<vmem>>, %arg3: memref<2x1x128xf32, #tpu.memory_space<vmem>>, %arg4: memref<256x256xf32, #tpu.memory_space<vmem>>, %arg5: memref<1x256xf32, #tpu.memory_space<vmem>>, %arg6: memref<256x256xf32, #tpu.memory_space<vmem>>, %arg7: memref<1x256xf32, #tpu.memory_space<vmem>>, %arg8: memref<128x256xf32, #tpu.memory_space<vmem>>, %arg9: memref<1x128xf32, #tpu.memory_space<vmem>>, %arg10: memref<128x256xf32, #tpu.memory_space<vmem>>, %arg11: memref<1x128xf32, #tpu.memory_space<vmem>>, %arg12: memref<1x256xf32, #tpu.memory_space<vmem>>, %arg13: memref<1x256xf32, #tpu.memory_space<vmem>>, %arg14: memref<1x128xf32, #tpu.memory_space<vmem>>, %arg15: memref<1x128xf32, #tpu.memory_space<vmem>>, %arg16: memref<2x128xf32, #tpu.memory_space<vmem>>) attributes {dimension_semantics = [#tpu.dimension_semantics<arbitrary>], iteration_bounds = array<i64: 10>, scalar_prefetch = 0 : i64, scratch_operands = 1 : i64, tpu.core_type = #tpu.core_type<tc>, window_params = [{transform_indices = @transform_0, window_bounds = array<i64: 2, 1000, 128>}, {transform_indices = @transform_1, window_bounds = array<i64: 1000, 1>}, {pipeline_mode = #tpu.pipeline_mode<synchronous>, transform_indices = @transform_2, window_bounds = array<i64: 2, 1, 128>}, {pipeline_mode = #tpu.pipeline_mode<synchronous>, transform_indices = @transform_3, window_bounds = array<i64: 256, 256>}, {pipeline_mode = #tpu.pipeline_mode<synchronous>, transform_indices = @transform_4, window_bounds = array<i64: 1, 256>}, {pipeline_mode = #tpu.pipeline_mode<synchronous>, transform_indices = @transform_5, window_bounds = array<i64: 256, 256>}, {pipeline_mode = #tpu.pipeline_mode<synchronous>, transform_indices = @transform_6, window_bounds = array<i64: 1, 256>}, {pipeline_mode = #tpu.pipeline_mode<synchronous>, transform_indices = @transform_7, window_bounds = array<i64: 128, 256>}, {pipeline_mode = #tpu.pipeline_mode<synchronous>, transform_indices = @transform_8, window_bounds = array<i64: 1, 128>}, {pipeline_mode = #tpu.pipeline_mode<synchronous>, transform_indices = @transform_9, window_bounds = array<i64: 128, 256>}, {pipeline_mode = #tpu.pipeline_mode<synchronous>, transform_indices = @transform_10, window_bounds = array<i64: 1, 128>}, {pipeline_mode = #tpu.pipeline_mode<synchronous>, transform_indices = @transform_11, window_bounds = array<i64: 1, 256>}, {pipeline_mode = #tpu.pipeline_mode<synchronous>, transform_indices = @transform_12, window_bounds = array<i64: 1, 256>}, {pipeline_mode = #tpu.pipeline_mode<synchronous>, transform_indices = @transform_13, window_bounds = array<i64: 1, 128>}, {pipeline_mode = #tpu.pipeline_mode<synchronous>, transform_indices = @transform_14, window_bounds = array<i64: 1, 128>}]} {
    %eq3A = arith.constant 0 : i32
    %eq3A_0 = arith.cmpi eq, %arg0, %eq3A : i32
    %convert_element_type3A = arith.extui %eq3A_0 : i1 to i32
    %cond3A = arith.constant 0 : i32
    %cond3A_1 = arith.cmpi ne, %convert_element_type3A, %cond3A : i32
    scf.if %cond3A_1 {
      %broadcast_in_dim3A_28 = arith.constant 0.000000e+00 : f32
      %broadcast_in_dim3A_29 = vector.broadcast %broadcast_in_dim3A_28 : f32 to vector<2x128xf32>
      %swap3A_30 = arith.constant 0 : index
      %swap3A_31 = arith.constant 0 : index
      %swap3A_32 = vector.load %arg16[%swap3A_30, %swap3A_31] : memref<2x128xf32, #tpu.memory_space<vmem>>, vector<2x128xf32>
      tpu.vector_store %arg16[%swap3A_30, %swap3A_31], %broadcast_in_dim3A_29 {strides = array<i32>} : memref<2x128xf32, #tpu.memory_space<vmem>>, vector<2x128xf32>,
    } else {
    }
    %get3A = arith.constant 0 : index
    %get3A_2 = arith.constant 0 : index
    %get3A_3 = arith.constant 0 : index
    %get3A_4 = vector.load %arg1[%get3A, %get3A_2, %get3A_3] : memref<2x1000x128xf32, #tpu.memory_space<vmem>>, vector<2x1000x128xf32>
    %get3A_5 = arith.constant 0 : index
    %get3A_6 = arith.constant 0 : index
    %get3A_7 = vector.load %arg2[%get3A_5, %get3A_6] : memref<1000x1xf32, #tpu.memory_space<vmem>>, vector<1000x1xf32>
    %broadcast_in_dim3A = vector.shape_cast %get3A_7 : vector<1000x1xf32> to vector<1x1000x1xf32>
    %mul3A = vector.broadcast %broadcast_in_dim3A : vector<1x1000x1xf32> to vector<2x1000x128xf32>
    %mul3A_8 = arith.mulf %get3A_4, %mul3A : vector<2x1000x128xf32>
    %get3A_9 = arith.constant 0 : index
    %get3A_10 = arith.constant 0 : index
    %get3A_11 = arith.constant 0 : index
    %get3A_12 = vector.load %arg3[%get3A_9, %get3A_10, %get3A_11] : memref<2x1x128xf32, #tpu.memory_space<vmem>>, vector<2x1x128xf32>
    %add3A = vector.broadcast %get3A_12 : vector<2x1x128xf32> to vector<2x1000x128xf32>
    %add3A_13 = arith.addf %mul3A_8, %add3A : vector<2x1000x128xf32>
    %max3A = arith.constant 0.000000e+00 : f32
    %max3A_14 = vector.broadcast %max3A : f32 to vector<2x1000x128xf32>
    %max3A_15 = arith.maximumf %add3A_13, %max3A_14 : vector<2x1000x128xf32>
    %get3A_16 = arith.constant 0 : index
    %get3A_17 = arith.constant 0 : index
    %get3A_18 = vector.load %arg16[%get3A_16, %get3A_17] : memref<2x128xf32, #tpu.memory_space<vmem>>, vector<2x128xf32>
    %reduce_sum3A = arith.constant dense<0.000000e+00> : vector<2x128xf32>
    %reduce_sum3A_19 = vector.multi_reduction <add>, %max3A_15, %reduce_sum3A [1] : vector<2x1000x128xf32> to vector<2x128xf32>
    %add3A_20 = arith.addf %get3A_18, %reduce_sum3A_19 : vector<2x128xf32>
    %swap3A = arith.constant 0 : index
    %swap3A_21 = arith.constant 0 : index
    %swap3A_22 = vector.load %arg16[%swap3A, %swap3A_21] : memref<2x128xf32, #tpu.memory_space<vmem>>, vector<2x128xf32>
    tpu.vector_store %arg16[%swap3A, %swap3A_21], %add3A_20 {strides = array<i32>} : memref<2x128xf32, #tpu.memory_space<vmem>>, vector<2x128xf32>,
    %eq3A_23 = arith.constant 9 : i32
    %eq3A_24 = arith.cmpi eq, %arg0, %eq3A_23 : i32
    %convert_element_type3A_25 = arith.extui %eq3A_24 : i1 to i32
    %cond3A_26 = arith.constant 0 : i32
    %cond3A_27 = arith.cmpi ne, %convert_element_type3A_25, %cond3A_26 : i32
    scf.if %cond3A_27 {
      %get3A_28 = arith.constant 0 : index
      %get3A_29 = arith.constant 0 : index
      %get3A_30 = vector.load %arg16[%get3A_28, %get3A_29] : memref<2x128xf32, #tpu.memory_space<vmem>>, vector<1x128xf32>
      %get3A_31 = arith.constant 1 : index
      %get3A_32 = arith.constant 0 : index
      %get3A_33 = vector.load %arg16[%get3A_31, %get3A_32] : memref<2x128xf32, #tpu.memory_space<vmem>>, vector<1x128xf32>
      %get3A_34 = arith.constant 0 : index
      %get3A_35 = arith.constant 0 : index
      %get3A_36 = vector.load %arg4[%get3A_34, %get3A_35] : memref<256x256xf32, #tpu.memory_space<vmem>>, vector<256x256xf32>
      %slice3A = vector.extract_strided_slice %get3A_36 {offsets = [0, 0], sizes = [256, 128], strides = [1, 1]} : vector<256x256xf32> to vector<256x128xf32>
      %dot_general3A = arith.constant dense<0.000000e+00> : vector<1x256xf32>
      %dot_general3A_37 = tpu.matmul %get3A_30, %slice3A, %dot_general3A {dimension_numbers = #tpu.dot_dimension_numbers<[1], [1], [0], [0], [0, 0, 1, 0], [], []>, transpose_lhs_hint = false} : vector<1x128xf32>, vector<256x128xf32>, vector<1x256xf32> -> vector<1x256xf32>
      %slice3A_38 = vector.extract_strided_slice %get3A_36 {offsets = [0, 128], sizes = [256, 128], strides = [1, 1]} : vector<256x256xf32> to vector<256x128xf32>
      %dot_general3A_39 = arith.constant dense<0.000000e+00> : vector<1x256xf32>
      %dot_general3A_40 = tpu.matmul %get3A_33, %slice3A_38, %dot_general3A_39 {dimension_numbers = #tpu.dot_dimension_numbers<[1], [1], [0], [0], [0, 0, 1, 0], [], []>, transpose_lhs_hint = false} : vector<1x128xf32>, vector<256x128xf32>, vector<1x256xf32> -> vector<1x256xf32>
      %add3A_41 = arith.addf %dot_general3A_37, %dot_general3A_40 : vector<1x256xf32>
      %get3A_42 = arith.constant 0 : index
      %get3A_43 = arith.constant 0 : index
      %get3A_44 = vector.load %arg5[%get3A_42, %get3A_43] : memref<1x256xf32, #tpu.memory_space<vmem>>, vector<1x256xf32>
      %add3A_45 = arith.addf %add3A_41, %get3A_44 : vector<1x256xf32>
      %tanh3A = math.tanh %add3A_45 : vector<1x256xf32>
      %swap3A_46 = arith.constant 0 : index
      %swap3A_47 = arith.constant 0 : index
      %swap3A_48 = vector.load %arg12[%swap3A_46, %swap3A_47] : memref<1x256xf32, #tpu.memory_space<vmem>>, vector<1x256xf32>
      tpu.vector_store %arg12[%swap3A_46, %swap3A_47], %tanh3A {strides = array<i32>} : memref<1x256xf32, #tpu.memory_space<vmem>>, vector<1x256xf32>,
      %get3A_49 = arith.constant 0 : index
      %get3A_50 = arith.constant 0 : index
      %get3A_51 = vector.load %arg6[%get3A_49, %get3A_50] : memref<256x256xf32, #tpu.memory_space<vmem>>, vector<256x256xf32>
      %slice3A_52 = vector.extract_strided_slice %get3A_51 {offsets = [0, 0], sizes = [256, 128], strides = [1, 1]} : vector<256x256xf32> to vector<256x128xf32>
      %dot_general3A_53 = arith.constant dense<0.000000e+00> : vector<1x256xf32>
      %dot_general3A_54 = tpu.matmul %get3A_30, %slice3A_52, %dot_general3A_53 {dimension_numbers = #tpu.dot_dimension_numbers<[1], [1], [0], [0], [0, 0, 1, 0], [], []>, transpose_lhs_hint = false} : vector<1x128xf32>, vector<256x128xf32>, vector<1x256xf32> -> vector<1x256xf32>
      %slice3A_55 = vector.extract_strided_slice %get3A_51 {offsets = [0, 128], sizes = [256, 128], strides = [1, 1]} : vector<256x256xf32> to vector<256x128xf32>
      %dot_general3A_56 = arith.constant dense<0.000000e+00> : vector<1x256xf32>
      %dot_general3A_57 = tpu.matmul %get3A_33, %slice3A_55, %dot_general3A_56 {dimension_numbers = #tpu.dot_dimension_numbers<[1], [1], [0], [0], [0, 0, 1, 0], [], []>, transpose_lhs_hint = false} : vector<1x128xf32>, vector<256x128xf32>, vector<1x256xf32> -> vector<1x256xf32>
      %add3A_58 = arith.addf %dot_general3A_54, %dot_general3A_57 : vector<1x256xf32>
      %get3A_59 = arith.constant 0 : index
      %get3A_60 = arith.constant 0 : index
      %get3A_61 = vector.load %arg7[%get3A_59, %get3A_60] : memref<1x256xf32, #tpu.memory_space<vmem>>, vector<1x256xf32>
      %add3A_62 = arith.addf %add3A_58, %get3A_61 : vector<1x256xf32>
      %tanh3A_63 = math.tanh %add3A_62 : vector<1x256xf32>
      %swap3A_64 = arith.constant 0 : index
      %swap3A_65 = arith.constant 0 : index
      %swap3A_66 = vector.load %arg13[%swap3A_64, %swap3A_65] : memref<1x256xf32, #tpu.memory_space<vmem>>, vector<1x256xf32>
      tpu.vector_store %arg13[%swap3A_64, %swap3A_65], %tanh3A_63 {strides = array<i32>} : memref<1x256xf32, #tpu.memory_space<vmem>>, vector<1x256xf32>,
      %get3A_67 = arith.constant 0 : index
      %get3A_68 = arith.constant 0 : index
      %get3A_69 = vector.load %arg8[%get3A_67, %get3A_68] : memref<128x256xf32, #tpu.memory_space<vmem>>, vector<128x256xf32>
      %slice3A_70 = vector.extract_strided_slice %get3A_69 {offsets = [0, 0], sizes = [128, 128], strides = [1, 1]} : vector<128x256xf32> to vector<128x128xf32>
      %dot_general3A_71 = arith.constant dense<0.000000e+00> : vector<1x128xf32>
      %dot_general3A_72 = tpu.matmul %get3A_30, %slice3A_70, %dot_general3A_71 {dimension_numbers = #tpu.dot_dimension_numbers<[1], [1], [0], [0], [0, 0, 1, 0], [], []>, transpose_lhs_hint = false} : vector<1x128xf32>, vector<128x128xf32>, vector<1x128xf32> -> vector<1x128xf32>
      %slice3A_73 = vector.extract_strided_slice %get3A_69 {offsets = [0, 128], sizes = [128, 128], strides = [1, 1]} : vector<128x256xf32> to vector<128x128xf32>
      %dot_general3A_74 = arith.constant dense<0.000000e+00> : vector<1x128xf32>
      %dot_general3A_75 = tpu.matmul %get3A_33, %slice3A_73, %dot_general3A_74 {dimension_numbers = #tpu.dot_dimension_numbers<[1], [1], [0], [0], [0, 0, 1, 0], [], []>, transpose_lhs_hint = false} : vector<1x128xf32>, vector<128x128xf32>, vector<1x128xf32> -> vector<1x128xf32>
      %add3A_76 = arith.addf %dot_general3A_72, %dot_general3A_75 : vector<1x128xf32>
      %get3A_77 = arith.constant 0 : index
      %get3A_78 = arith.constant 0 : index
      %get3A_79 = vector.load %arg9[%get3A_77, %get3A_78] : memref<1x128xf32, #tpu.memory_space<vmem>>, vector<1x128xf32>
      %add3A_80 = arith.addf %add3A_76, %get3A_79 : vector<1x128xf32>
      %tanh3A_81 = math.tanh %add3A_80 : vector<1x128xf32>
      %swap3A_82 = arith.constant 0 : index
      %swap3A_83 = arith.constant 0 : index
      %swap3A_84 = vector.load %arg14[%swap3A_82, %swap3A_83] : memref<1x128xf32, #tpu.memory_space<vmem>>, vector<1x128xf32>
      tpu.vector_store %arg14[%swap3A_82, %swap3A_83], %tanh3A_81 {strides = array<i32>} : memref<1x128xf32, #tpu.memory_space<vmem>>, vector<1x128xf32>,
      %get3A_85 = arith.constant 0 : index
      %get3A_86 = arith.constant 0 : index
      %get3A_87 = vector.load %arg10[%get3A_85, %get3A_86] : memref<128x256xf32, #tpu.memory_space<vmem>>, vector<128x256xf32>
      %slice3A_88 = vector.extract_strided_slice %get3A_87 {offsets = [0, 0], sizes = [128, 128], strides = [1, 1]} : vector<128x256xf32> to vector<128x128xf32>
      %dot_general3A_89 = arith.constant dense<0.000000e+00> : vector<1x128xf32>
      %dot_general3A_90 = tpu.matmul %get3A_30, %slice3A_88, %dot_general3A_89 {dimension_numbers = #tpu.dot_dimension_numbers<[1], [1], [0], [0], [0, 0, 1, 0], [], []>, transpose_lhs_hint = false} : vector<1x128xf32>, vector<128x128xf32>, vector<1x128xf32> -> vector<1x128xf32>
      %slice3A_91 = vector.extract_strided_slice %get3A_87 {offsets = [0, 128], sizes = [128, 128], strides = [1, 1]} : vector<128x256xf32> to vector<128x128xf32>
      %dot_general3A_92 = arith.constant dense<0.000000e+00> : vector<1x128xf32>
      %dot_general3A_93 = tpu.matmul %get3A_33, %slice3A_91, %dot_general3A_92 {dimension_numbers = #tpu.dot_dimension_numbers<[1], [1], [0], [0], [0, 0, 1, 0], [], []>, transpose_lhs_hint = false} : vector<1x128xf32>, vector<128x128xf32>, vector<1x128xf32> -> vector<1x128xf32>
      %add3A_94 = arith.addf %dot_general3A_90, %dot_general3A_93 : vector<1x128xf32>
      %get3A_95 = arith.constant 0 : index
      %get3A_96 = arith.constant 0 : index
      %get3A_97 = vector.load %arg11[%get3A_95, %get3A_96] : memref<1x128xf32, #tpu.memory_space<vmem>>, vector<1x128xf32>
      %add3A_98 = arith.addf %add3A_94, %get3A_97 : vector<1x128xf32>
      %tanh3A_99 = math.tanh %add3A_98 : vector<1x128xf32>
      %swap3A_100 = arith.constant 0 : index
      %swap3A_101 = arith.constant 0 : index
      %swap3A_102 = vector.load %arg15[%swap3A_100, %swap3A_101] : memref<1x128xf32, #tpu.memory_space<vmem>>, vector<1x128xf32>
      tpu.vector_store %arg15[%swap3A_100, %swap3A_101], %tanh3A_99 {strides = array<i32>} : memref<1x128xf32, #tpu.memory_space<vmem>>, vector<1x128xf32>,
    } else {
    }
    return
  }
  func.func @transform_0(%arg0: i32) -> (i32, i32, i32) {
    %c0_i32 = arith.constant 0 : i32
    %c0_i32_0 = arith.constant 0 : i32
    %c0_i32_1 = arith.constant 0 : i32
    return %c0_i32, %arg0, %c0_i32_0 : i32, i32, i32
  }
  func.func @transform_1(%arg0: i32) -> (i32, i32) {
    %c0_i32 = arith.constant 0 : i32
    %c0_i32_0 = arith.constant 0 : i32
    return %arg0, %c0_i32 : i32, i32
  }
  func.func @transform_2(%arg0: i32) -> (i32, i32, i32) {
    %c0_i32 = arith.constant 0 : i32
    %c0_i32_0 = arith.constant 0 : i32
    %c0_i32_1 = arith.constant 0 : i32
    %c0_i32_2 = arith.constant 0 : i32
    return %c0_i32, %c0_i32_0, %c0_i32_1 : i32, i32, i32
  }
  func.func @transform_3(%arg0: i32) -> (i32, i32) {
    %c0_i32 = arith.constant 0 : i32
    %c0_i32_0 = arith.constant 0 : i32
    %c0_i32_1 = arith.constant 0 : i32
    return %c0_i32, %c0_i32_0 : i32, i32
  }
  func.func @transform_4(%arg0: i32) -> (i32, i32) {
    %c0_i32 = arith.constant 0 : i32
    %c0_i32_0 = arith.constant 0 : i32
    %c0_i32_1 = arith.constant 0 : i32
    return %c0_i32, %c0_i32_0 : i32, i32
  }
  func.func @transform_5(%arg0: i32) -> (i32, i32) {
    %c0_i32 = arith.constant 0 : i32
    %c0_i32_0 = arith.constant 0 : i32
    %c0_i32_1 = arith.constant 0 : i32
    return %c0_i32, %c0_i32_0 : i32, i32
  }
  func.func @transform_6(%arg0: i32) -> (i32, i32) {
    %c0_i32 = arith.constant 0 : i32
    %c0_i32_0 = arith.constant 0 : i32
    %c0_i32_1 = arith.constant 0 : i32
    return %c0_i32, %c0_i32_0 : i32, i32
  }
  func.func @transform_7(%arg0: i32) -> (i32, i32) {
    %c0_i32 = arith.constant 0 : i32
    %c0_i32_0 = arith.constant 0 : i32
    %c0_i32_1 = arith.constant 0 : i32
    return %c0_i32, %c0_i32_0 : i32, i32
  }
  func.func @transform_8(%arg0: i32) -> (i32, i32) {
    %c0_i32 = arith.constant 0 : i32
    %c0_i32_0 = arith.constant 0 : i32
    %c0_i32_1 = arith.constant 0 : i32
    return %c0_i32, %c0_i32_0 : i32, i32
  }
  func.func @transform_9(%arg0: i32) -> (i32, i32) {
    %c0_i32 = arith.constant 0 : i32
    %c0_i32_0 = arith.constant 0 : i32
    %c0_i32_1 = arith.constant 0 : i32
    return %c0_i32, %c0_i32_0 : i32, i32
  }
  func.func @transform_10(%arg0: i32) -> (i32, i32) {
    %c0_i32 = arith.constant 0 : i32
    %c0_i32_0 = arith.constant 0 : i32
    %c0_i32_1 = arith.constant 0 : i32
    return %c0_i32, %c0_i32_0 : i32, i32
  }
  func.func @transform_11(%arg0: i32) -> (i32, i32) {
    %c0_i32 = arith.constant 0 : i32
    %c0_i32_0 = arith.constant 0 : i32
    %c0_i32_1 = arith.constant 0 : i32
    return %c0_i32, %c0_i32_0 : i32, i32
  }
  func.func @transform_12(%arg0: i32) -> (i32, i32) {
    %c0_i32 = arith.constant 0 : i32
    %c0_i32_0 = arith.constant 0 : i32
    %c0_i32_1 = arith.constant 0 : i32
    return %c0_i32, %c0_i32_0 : i32, i32
  }
  func.func @transform_13(%arg0: i32) -> (i32, i32) {
    %c0_i32 = arith.constant 0 : i32
    %c0_i32_0 = arith.constant 0 : i32
    %c0_i32_1 = arith.constant 0 : i32
    return %c0_i32, %c0_i32_0 : i32, i32
  }
  func.func @transform_14(%arg0: i32) -> (i32, i32) {
    %c0_i32 = arith.constant 0 : i32
    %c0_i32_0 = arith.constant 0 : i32
    %c0_i32_1 = arith.constant 0 : i32
    return %c0_i32, %c0_i32_0 : i32, i32
  }
}

</mosaic_0001>

<sc_bundles>
// kernel: kernel.6.cloned.1.call-start
scs
__scs_entry_jumppad:
0x0: {  	(pc) =	sbr.rel $0x88, $3  }
0x1: {  	(tag) =	ssettag $0x0;
	lr =	simm.s32 $0x1  }
0x2: {  	[smem:$0x3F95] =	sst lr;
	_ =	strace $0xD0000000  }
0x3: {  	_ = 	snop  }
0x4: {  	_ = 	snop  }
0x5: {  	_ = 	snop  }
0x6: {  	_ = 	snop  }
0x7: {  	_ = 	snop  }
__scs_overlays_trampoline_lowered:
0x8: {  	[smem:$0x3FA4] =	sst s0  }
0x9: {  	[smem:$0x3FA5] =	sst s1  }
0xa: {  	[smem:$0x3FA6] =	sst s2  }
0xb: {  	[smem:$0x3FA7] =	sst s3  }
0xc: {  	[smem:$0x3FA8] =	sst s4  }
0xd: {  	[smem:$0x3FA9] =	sst s5  }
0xe: {  	[smem:$0x3FAA] =	sst s6  }
0xf: {  	[smem:$0x3FAB] =	sst s7  }
0x10: {  	[smem:$0x3FAC] =	sst s8  }
0x11: {  	[smem:$0x3FAD] =	sst s9;
	s0 =	simm.s32 @!p0 $0x0  }
0x12: {  	s1 =	sld [smem:$0x3F93];
	s0 =	simm.s32 @p0 $0x1  }
0x13: {  	[smem:$0x3FAE] =	sst s0;
	s0 =	simm.s32 @!p1 $0x0  }
0x14: {  	s2 =	sld [smem:$0x3F92];
	s0 =	simm.s32 @p1 $0x1  }
0x15: {  	[smem:$0x3FAF] =	sst s0;
	s0 =	simm.s32 @!p2 $0x0  }
0x16: {  	s3 =	sld [smem:$0x3FDB];
	s0 =	simm.s32 @p2 $0x1  }
0x17: {  	s4 =	simm.s32 $0x1BF5;
	[smem:$0x3FB1] =	sst s0  }
0x18: {  	s0 =	sld [smem:$0x3F94];
	_ =	swait.ge [sflag:s4], $0x0  }
0x19: {  	s7 =	sld [smem:$0x3F95]  }
0x1a: {  	s8 =	sadd.s32 $0xFFFFE003, lr  }
0x1b: {  	s9 =	sadd.s32 $0xFFFFFEF7, lr;
	s5 =	simm.s32 $0xFFFFFFFF;
	p2 =	slt.u32 s8, $0xFFFFF086  }
0x1c: {  	p1 =	slt.u32 s9, $0xF7A;
	s5 =	simm.s32 @!p2 $0x0  }
0x1d: {  	s5 =	simm.s32 @p1 $0x1;
	p0 =	seq.s32 s7, s2  }
0x1e: {  	s7 =	smul.u32 @!p0 $0xF7A, s2;
	p2 =	seq.s32 @!p0 s5, $0x0  }
0x1f: {  	s9 =	smul.u32 $0xF7A, s1;
	s8 =	simm.s32 @!p0 $0x1BF5;
	p2 =	por !p2, p0  }
0x20: {  	[sflag:s8] =	ssyncset.s32 @!p0 $0xFFFFF086;
	s6 =	sadd.s32 @!p0 s3, s7;
	s7 =	simm.s32 @!p0 $0x108  }
0x21: {  	s3 =	sadd.s32 s3, s9;
	s6 =	sadd.s32 @!p0 $0x88, s6;
	s7 =	simm.s32 @p2 $0x1082  }
0x22: {  	[simem:s7], [sflag:s8] =	dma.local @!p0 [hbm:s6], $0xF7A  }
0x23: {  	s9 =	sor.u32 $0xD0000000, s2;
	s6 =	simm.s32 $0x108;
	_ =	swait.ge @!p0 [sflag:s8], $0x0  }
0x24: {  	s3 =	sadd.s32 $0x88, s3;
	s6 =	simm.s32 @!p1 $0x1082;
	[sflag:s4] =	ssyncset.s32 $0xFFFFF086  }
0x25: {  	[simem:s6], [sflag:s4] =	dma.local [hbm:s3], $0xF7A  }
0x26: {  	[smem:$0x3F95] =	sst s1;
	(tag) =	ssettag s2;
	_ =	strace s9  }
0x27: {  	s1 =	sld [smem:$0x3FA5]  }
0x28: {  	s2 =	sld [smem:$0x3FA6]  }
0x29: {  	s4 =	sld [smem:$0x3FA8]  }
0x2a: {  	p0 =	seq.s32 s5, $0x0;
	s5 =	sld [smem:$0x3FA9]  }
0x2b: {  	s6 =	sld [smem:$0x3FAA]  }
0x2c: {  	s7 =	sld [smem:$0x3FAB]  }
0x2d: {  	s3 =	simm.s32 $0x108;
	s8 =	sld [smem:$0x3FAC]  }
0x2e: {  	s3 =	simm.s32 @!p0 $0x1082;
	s9 =	sld [smem:$0x3FAD]  }
0x2f: {  	lr =	sadd.s32 s0, s3;
	s0 =	sld [smem:$0x3FA4]  }
0x30: {  	s3 =	sld [smem:$0x3FA7]  }
0x31: {  	[smem:$0x3FB0] =	sst s10  }
0x32: {  	s10 =	sld [smem:$0x3FAE];
	_ =	sdelay $0x3  }
0x33: {  	p0 =	seq.s32 s10, $0x1;
	s10 =	sld [smem:$0x3FB0];
	_ =	sdelay $0x3  }
0x34: {  	[smem:$0x3FB0] =	sst s10  }
0x35: {  	s10 =	sld [smem:$0x3FAF];
	_ =	sdelay $0x3  }
0x36: {  	p1 =	seq.s32 s10, $0x1;
	s10 =	sld [smem:$0x3FB0];
	_ =	sdelay $0x3  }
0x37: {  	[smem:$0x3FB0] =	sst s10  }
0x38: {  	s10 =	sld [smem:$0x3FB1]  }
0x39: {  	_ = 	snop;
	(pc) =	sbr.ind lr, $3  }
0x3a: {  	_ = 	snop  }
0x3b: {  	_ = 	snop  }
0x3c: {  	p2 =	seq.s32 s10, $0x1;
	s10 =	sld [smem:$0x3FB0]  }
0x3d: {  	_ =	shalt  }
0x3e: {  	_ =	shalt  }
0x3f: {  	_ =	shalt  }
0x40: {  	_ =	shalt  }
0x41: {  	_ =	shalt  }
0x42: {  	_ =	shalt  }
0x43: {  	_ =	shalt  }
0x44: {  	_ =	shalt  }
0x45: {  	_ =	shalt  }
0x46: {  	_ =	shalt  }
0x47: {  	_ =	shalt  }
0x48: {  	_ =	shalt  }
0x49: {  	_ =	shalt  }
0x4a: {  	_ =	shalt  }
0x4b: {  	_ =	shalt  }
0x4c: {  	_ =	shalt  }
0x4d: {  	_ =	shalt  }
0x4e: {  	_ =	shalt  }
0x4f: {  	_ =	shalt  }
0x50: {  	_ =	shalt  }
0x51: {  	_ =	shalt  }
0x52: {  	_ =	shalt  }
0x53: {  	_ =	shalt  }
0x54: {  	_ =	shalt  }
0x55: {  	_ =	shalt  }
0x56: {  	_ =	shalt  }
0x57: {  	_ =	shalt  }
0x58: {  	_ =	shalt  }
0x59: {  	_ =	shalt  }
0x5a: {  	_ =	shalt  }
0x5b: {  	_ =	shalt  }
0x5c: {  	_ =	shalt  }
0x5d: {  	_ =	shalt  }
0x5e: {  	_ =	shalt  }
0x5f: {  	_ =	shalt  }
0x60: {  	_ =	shalt  }
0x61: {  	_ =	shalt  }
0x62: {  	_ =	shalt  }
0x63: {  	_ =	shalt  }
0x64: {  	_ =	shalt  }
0x65: {  	_ =	shalt  }
0x66: {  	_ =	shalt  }
0x67: {  	_ =	shalt  }
0x68: {  	_ =	shalt  }
0x69: {  	_ =	shalt  }
0x6a: {  	_ =	shalt  }
0x6b: {  	_ =	shalt  }
0x6c: {  	_ =	shalt  }
0x6d: {  	_ =	shalt  }
0x6e: {  	_ =	shalt  }
0x6f: {  	_ =	shalt  }
0x70: {  	_ =	shalt  }
0x71: {  	_ =	shalt  }
0x72: {  	_ =	shalt  }
0x73: {  	_ =	shalt  }
0x74: {  	_ =	shalt  }
0x75: {  	_ =	shalt  }
0x76: {  	_ =	shalt  }
0x77: {  	_ =	shalt  }
0x78: {  	_ =	shalt  }
0x79: {  	_ =	shalt  }
0x7a: {  	_ =	shalt  }
0x7b: {  	_ =	shalt  }
0x7c: {  	_ =	shalt  }
0x7d: {  	_ =	shalt  }
0x7e: {  	_ =	shalt  }
0x7f: {  	_ =	shalt  }
0x80: {  	_ =	shalt  }
0x81: {  	_ =	shalt  }
0x82: {  	_ =	shalt  }
0x83: {  	_ =	shalt  }
0x84: {  	_ =	shalt  }
0x85: {  	_ =	shalt  }
0x86: {  	_ =	shalt  }
0x87: {  	_ =	shalt  }
.Lfunc_end0:
.L_simem_size_0:
called_computation_lowered:
.L_overlay_start_0:
0x88: {  	s2 =	sld [smem:$0x3FD9]  }
0x89: {  	s3 =	sld [smem:$0x3FFE];
	_ =	sdelay $0x1  }
0x8a: {  	s1 =	srdreg.scid  }
0x8b: {  	s0 =	sand.u32 $0x1, s1  }
0x8c: {  	s16 =	sshll.u32 s0, $0xA;
	s2 =	sadd.s32 s3, s2  }
0x8d: {  	s2 =	sadd.s32 s2, s16  }
0x8e: {  	[smem:$0x3FBC] =	sst s2  }
0x8f: {  	_ = 	snop  }
0x90: {  	(tm) =	ssettm $0x1  }
0x91: {  	s17 =	sld [smem:$0x3FFB];
	_ =	sdelay $0x3  }
0x92: {  	_ =	strace s17  }
0x93: {  	s2 =	sld [smem:$0x3FFC];
	_ =	sdelay $0x3  }
0x94: {  	_ =	strace s2  }
0x95: {  	s2 =	sld [smem:$0x3FFD];
	_ =	sdelay $0x3  }
0x96: {  	_ =	strace s2  }
0x97: {  	_ =	strace $0x8FFFFFFF  }
0x98: {  	s18 =	sld [smem:$0x3FDB];
	_ =	sdelay $0x1  }
0x99: {  	s19 =	simm.s32 $_scs_section_size  }
0x9a: {  	s4 =	simm.s32 $_size__tile_overlayer_lowered;
	s5 =	simm.s32 $_tile_overlayer_lowered  }
0x9b: {  	s22 =	simm.s32 $0x1BFF;
	s21 =	sshll.u32 s5, $0x1;
	s2 =	sadd.s32 s19, s18  }
0x9c: {  	s6 =	simm.s32 $0x0;
	s20 =	sshll.u32 s4, $0x1;
	s4 =	sadd.s32 s21, s2  }
0x9d: {  	[timem:s6], [sflag:s22] =	dma.local [hbm:s4], s20  }
0x9e: {  	_ =	swait.ge [sflag:s22], s20  }
0x9f: {  	s3 =	ssub.s32 $0x0, s20;
	[sflag:s22] =	ssyncset.done $0x0  }
0xa0: {  	[sflag:s22] =	ssyncadd.s32 s3;
	_ =	sdelay $0x1  }
0xa1: {  	s23 =	simm.s32 $0x1B8B  }
0xa2: {  	_ =	swait.ge [sflag:s23], $0x1  }
0xa3: {  	[sflag:s23] =	ssyncset.done $0x0  }
0xa4: {  	s25 =	simm.s32 $0x1B8E;
	s24 =	sld [smem:$0x3FFE];
	[sflag:s23] =	ssyncadd.s32 $0xFFFFFFFF  }
0xa5: {  	s26 =	simm.s32 $execute0_lowered;
	[smem:$0x3FD2] =	sst s25  }
0xa6: {  	s4 =	sshll.u32 s26, $0x1;
	_ =	strace $0x80000046;
	[dreg:$0x1] =	wrdreg $0xFFFFFFFF  }
0xa7: {  	s28 =	simm.s32 $_size_execute0_lowered;
	s2 =	sadd.s32 s2, s4;
	[dreg:$0x0] =	wrdreg $0x0  }
0xa8: {  	s4 =	sshll.u32 s28, $0x1;
	[dreg:$0x2] =	wrdreg s2  }
0xa9: {  	[dreg:$0x3] =	wrdreg s4  }
0xaa: {  	[dreg:$0x4] =	wrdreg $0xC0  }
0xab: {  	_ =	task [dreg:s6], $0x5FFFF  }
0xac: {  	[dreg:$0x1] =	wrdreg $0xFFFFFFFF  }
0xad: {  	[dreg:$0x0] =	wrdreg $0x60  }
0xae: {  	[dreg:$0x2] =	wrdreg s24  }
0xaf: {  	[dreg:$0x3] =	wrdreg $0x9  }
0xb0: {  	_ =	task.clear_ibuf [dreg:s6], $0x4FFFF;
	_ =	strace $0x90000046  }
0xb1: {  	s29 =	simm.s32 $0x9;
	_ =	strace $0x80000048  }
0xb2: {  	_ =	swait.ge [sflag:s29], $0x1  }
0xb3: {  	[sflag:s29] =	ssyncadd.s32 $0xFFFFFFFF  }
0xb4: {  	_ =	strace $0x90000048  }
0xb5: {  	_ =	sfence  }
0xb6: {  	s30 =	sld [smem:$0x0];
	_ =	sdelay $0x2  }
0xb7: {  	s31 =	sshll.u32 s1, $0xD;
	s1 =	sshrl.u32 s1, $0x2  }
0xb8: {  	s3 =	sand.u32 $0x4000, s31;
	s1 =	sadd.s32 s1, s30  }
0xb9: {  	s0 =	sor.u32 s3, s0;
	s1 =	sshll.u32 s1, $0x11  }
0xba: {  	s0 =	sor.u32 s1, s0  }
0xbb: {  	s0 =	sadd.s32 $0x8F2B, s0  }
0xbc: {  	[sflag:s0] =	ssyncadd.remote.s32 $0x1  }
0xbd: {  	_ =	sfence.sel $0xFFFF  }
0xbe: {  	[dreg:$0x0] =	wrdreg $0xFFFFFFFF;
	(pc) =	sbr.abs _section_cstart, $3  }
0xbf: {  	[dreg:$0x1] =	wrdreg $0xFFFFFFFF  }
0xc0: {  	_ =	task.clear_ibuf [dreg:s6], $0x2FFFF;
	_ =	strace $0x9FFFFFFF  }
0xc1: {  	(tm) =	ssettm $0x7FFFFFFF  }
tec
execute0_lowered:
.L_overlay_start_1:
0x0: {  	(tag) =	ssettag $0x1  }
0x1: {  	s1 =	srdreg.scid;
	s0 =	stileid.u32  }
0x2: {  	s3 =	rddreg [dreg:$0x0];
	s8 =	simm.s32 $0x80;
	s9 =	simm.s32 $0x400  }
0x3: {  	s4 =	sand.u32 $0x1, s1;
	s2 =	sshll.u32 s0, $0x1;
	s1 =	rddreg [dreg:$0x1]  }
0x4: {  	s6 =	sshrl.u32 s0, $0x2;
	s5 =	sor.u32 s4, s2;
	s2 =	simm.s32 $0x0  }
0x5: {  	s6 =	smul.u32 $0x13C00, s6;
	s4 =	ssub.s32 $0x2, s4;
	s7 =	sshll.u32 s5, $0x7  }
0x6: {  	[smem:$0x7FF] =	sst s2;
	s5 =	smul.u32 $0x4E2, s5;
	s7 =	sand.u32 $0x380, s7  }
0x7: {  	s31 =	sshrl.u32 s4, $0x1;
	_ =	strace $0x80000047;
	s6 =	sor.u32 s6, s7  }
0x8: {  	s5 =	sadd.s32 s5, s3;
	s7 =	ssub.s32 s4, s31;
	s6 =	sshrl.u32 s6, $0x3  }
0x9: {  	s6 =	sadd.s32 s6, s3;
	s3 =	sadd.s32 $0x2200, s5;
	s5 =	smax.u32 s7, $0x1  }
0xa: {  	v0 =	vimm.f32 $0.0e+00;
	v1 =	vimm.f32 $1.000000000e+00;
	s7 =	simm.s32 $0x2780;
	s4 =	sadd.s32 $0xC000, s6;
	s6 =	simm.s32 $0x1  }
.LBB2_1:
0xb: {  	s10 =	simm.s32 $0x40;
	s11 =	simm.s32 $0x0  }
.LBB2_2:
0xc: {  	p0 =	sne.s32 s10, $0x9C00;
	[tilespmem:s11+$0x2780] =	vst v0;
	s11 =	smov.u32 s10;
	s10 =	sadd.s32 $0x40, s10  }
.Ltmp0:
0xd: {  	(pc) =	sbr.rel @p0 .LBB2_2-.Ltmp0, $2  }
0xe: {  	_ =	sdelay $0x2  }
0xf: {  	s11 =	sshra.s32 s11, $0x2  }
0x10: {  	[tilespmem:s11+$0x2780] =	vst v0;
	s10 =	simm.s32 $0x0  }
0x11: {  	[tilespmem:s10], [sflag:$0x1] =	stream.linear.gather [hbm4b:s3+s10], $0x2710, $0x38;
	[tilespmem:$0x4F00] =	vst v63  }
0x12: {  	_ =	swait.ge [sflag:s6], $0x2710  }
0x13: {  	[sflag:s6] =	ssyncset.done $0x0  }
0x14: {  	s11 =	simm.s32 $0x0;
	s10 =	simm.s32 $0x40;
	[sflag:s6] =	ssyncadd.s32 $0xFFFFD8F0  }
.LBB2_4:
0x15: {  	p0 =	sne.s32 s10, $0x9C00;
	v2 =	vld [tilespmem:s11+$0x0];
	_ =	sdelay $0x3  }
.Ltmp1:
0x16: {  	(pc) =	sbr.rel @p0 .LBB2_4-.Ltmp1, $2  }
0x17: {  	_ =	sdelay $0x2  }
0x18: {  	s11 =	sshra.s32 s10, $0x2;
	s10 =	sadd.s32 $0x40, s10;
	[tilespmem:v2+s7+$0x0] =	vst.idx.add.f32.msk $0xffff, v1  }
0x19: {  	v2 =	vld [tilespmem:s11+$0x0];
	_ =	sdelay $0x5  }
0x1a: {  	s2 =	sadd.s32 $0x1, s2  }
0x1b: {  	p0 =	sne.s32 s2, s5  }
.Ltmp2:
0x1c: {  	[tilespmem:v2+s7+$0x0] =	vst.idx.add.f32.msk $0xffff, v1;
	(pc) =	sbr.rel @p0 .LBB2_1-.Ltmp2, $4  }
0x1d: {  	[hbm4b:s4+s8] =	stream.strided.scatter [tilespmem:s7], [sflag:$0x1], $0x2780, s9, s8, $0x38;
	[tilespmem:$0x4F00] =	vst v63  }
0x1e: {  	_ =	swait.ge [sflag:s6], $0x2780  }
0x1f: {  	[sflag:s6] =	ssyncset.done $0x0  }
0x20: {  	[sflag:s6] =	ssyncadd.s32 $0xFFFFD880  }
0x21: {  	_ =	sfence.sel $0x180000  }
0x22: {  	[bflag:$0x0] =	sbarrier.arrive $0xFFFF  }
0x23: {  	p0 =	sne.s32 s0, $0x0;
	_ =	strace $0x90000047  }
0x24: {  	s0 =	sadd.s32 @!p0 $0x100000, s1;
	[bflag:$0x2] =	sbarrier.arrive $0xFFFF  }
0x25: {  	[sflag:s0] =	ssyncadd.tile.s32 @!p0 $0x1;
	_ =	shalt  }
.Lfunc_end2:
_tile_overlayer_lowered:
.L_overlay_start_2:
0x26: {  	(tag) =	ssettag $0x2  }
0x27: {  	s0 =	rddreg [dreg:$0x0];
	s2 =	stileid.u32  }
0x28: {  	s1 =	rddreg [dreg:$0x1];
	p0 =	sne.s32 s2, $0x0  }
0x29: {  	s3 =	rddreg [dreg:$0x2];
	[bflag:$0x3] =	sbarrier.arrive $0xFFFF;
	s2 =	simm.s32 @!p0 $0x1C01  }
0x2a: {  	[timem:s3], [sflag:s2] =	dma.local @!p0 [hbm:s0], s1  }
0x2b: {  	s0 =	simm.s32 @!p0 $0x1  }
0x2c: {  	_ =	swait.ge @!p0 [sflag:s0], s1  }
0x2d: {  	s1 =	ssub.s32 @!p0 $0x0, s1;
	[sflag:s0] =	ssyncset.done @!p0 $0x0  }
0x2e: {  	[sflag:s0] =	ssyncadd.s32 @!p0 s1  }
0x2f: {  	[bflag:$0x3] =	sbarrier.arrive $0xFFFF  }
0x30: {  	_ =	shalt  }

// kernel: kernel.9.cloned.1.call-start
scs
__scs_entry_jumppad:
0x0: {  	(pc) =	sbr.rel $0x88, $3  }
0x1: {  	(tag) =	ssettag $0x0;
	lr =	simm.s32 $0x1  }
0x2: {  	[smem:$0x3F95] =	sst lr;
	_ =	strace $0xD0000000  }
0x3: {  	_ = 	snop  }
0x4: {  	_ = 	snop  }
0x5: {  	_ = 	snop  }
0x6: {  	_ = 	snop  }
0x7: {  	_ = 	snop  }
__scs_overlays_trampoline_lowered:
0x8: {  	[smem:$0x3FA4] =	sst s0  }
0x9: {  	[smem:$0x3FA5] =	sst s1  }
0xa: {  	[smem:$0x3FA6] =	sst s2  }
0xb: {  	[smem:$0x3FA7] =	sst s3  }
0xc: {  	[smem:$0x3FA8] =	sst s4  }
0xd: {  	[smem:$0x3FA9] =	sst s5  }
0xe: {  	[smem:$0x3FAA] =	sst s6  }
0xf: {  	[smem:$0x3FAB] =	sst s7  }
0x10: {  	[smem:$0x3FAC] =	sst s8  }
0x11: {  	[smem:$0x3FAD] =	sst s9;
	s0 =	simm.s32 @!p0 $0x0  }
0x12: {  	s1 =	sld [smem:$0x3F93];
	s0 =	simm.s32 @p0 $0x1  }
0x13: {  	[smem:$0x3FAE] =	sst s0;
	s0 =	simm.s32 @!p1 $0x0  }
0x14: {  	s2 =	sld [smem:$0x3F92];
	s0 =	simm.s32 @p1 $0x1  }
0x15: {  	[smem:$0x3FAF] =	sst s0;
	s0 =	simm.s32 @!p2 $0x0  }
0x16: {  	s3 =	sld [smem:$0x3FDB];
	s0 =	simm.s32 @p2 $0x1  }
0x17: {  	s4 =	simm.s32 $0x1BF5;
	[smem:$0x3FB1] =	sst s0  }
0x18: {  	s0 =	sld [smem:$0x3F94];
	_ =	swait.ge [sflag:s4], $0x0  }
0x19: {  	s7 =	sld [smem:$0x3F95]  }
0x1a: {  	s8 =	sadd.s32 $0xFFFFE003, lr  }
0x1b: {  	s9 =	sadd.s32 $0xFFFFFEF7, lr;
	s5 =	simm.s32 $0xFFFFFFFF;
	p2 =	slt.u32 s8, $0xFFFFF086  }
0x1c: {  	p1 =	slt.u32 s9, $0xF7A;
	s5 =	simm.s32 @!p2 $0x0  }
0x1d: {  	s5 =	simm.s32 @p1 $0x1;
	p0 =	seq.s32 s7, s2  }
0x1e: {  	s7 =	smul.u32 @!p0 $0xF7A, s2;
	p2 =	seq.s32 @!p0 s5, $0x0  }
0x1f: {  	s9 =	smul.u32 $0xF7A, s1;
	s8 =	simm.s32 @!p0 $0x1BF5;
	p2 =	por !p2, p0  }
0x20: {  	[sflag:s8] =	ssyncset.s32 @!p0 $0xFFFFF086;
	s6 =	sadd.s32 @!p0 s3, s7;
	s7 =	simm.s32 @!p0 $0x108  }
0x21: {  	s3 =	sadd.s32 s3, s9;
	s6 =	sadd.s32 @!p0 $0x88, s6;
	s7 =	simm.s32 @p2 $0x1082  }
0x22: {  	[simem:s7], [sflag:s8] =	dma.local @!p0 [hbm:s6], $0xF7A  }
0x23: {  	s9 =	sor.u32 $0xD0000000, s2;
	s6 =	simm.s32 $0x108;
	_ =	swait.ge @!p0 [sflag:s8], $0x0  }
0x24: {  	s3 =	sadd.s32 $0x88, s3;
	s6 =	simm.s32 @!p1 $0x1082;
	[sflag:s4] =	ssyncset.s32 $0xFFFFF086  }
0x25: {  	[simem:s6], [sflag:s4] =	dma.local [hbm:s3], $0xF7A  }
0x26: {  	[smem:$0x3F95] =	sst s1;
	(tag) =	ssettag s2;
	_ =	strace s9  }
0x27: {  	s1 =	sld [smem:$0x3FA5]  }
0x28: {  	s2 =	sld [smem:$0x3FA6]  }
0x29: {  	s4 =	sld [smem:$0x3FA8]  }
0x2a: {  	p0 =	seq.s32 s5, $0x0;
	s5 =	sld [smem:$0x3FA9]  }
0x2b: {  	s6 =	sld [smem:$0x3FAA]  }
0x2c: {  	s7 =	sld [smem:$0x3FAB]  }
0x2d: {  	s3 =	simm.s32 $0x108;
	s8 =	sld [smem:$0x3FAC]  }
0x2e: {  	s3 =	simm.s32 @!p0 $0x1082;
	s9 =	sld [smem:$0x3FAD]  }
0x2f: {  	lr =	sadd.s32 s0, s3;
	s0 =	sld [smem:$0x3FA4]  }
0x30: {  	s3 =	sld [smem:$0x3FA7]  }
0x31: {  	[smem:$0x3FB0] =	sst s10  }
0x32: {  	s10 =	sld [smem:$0x3FAE];
	_ =	sdelay $0x3  }
0x33: {  	p0 =	seq.s32 s10, $0x1;
	s10 =	sld [smem:$0x3FB0];
	_ =	sdelay $0x3  }
0x34: {  	[smem:$0x3FB0] =	sst s10  }
0x35: {  	s10 =	sld [smem:$0x3FAF];
	_ =	sdelay $0x3  }
0x36: {  	p1 =	seq.s32 s10, $0x1;
	s10 =	sld [smem:$0x3FB0];
	_ =	sdelay $0x3  }
0x37: {  	[smem:$0x3FB0] =	sst s10  }
0x38: {  	s10 =	sld [smem:$0x3FB1]  }
0x39: {  	_ = 	snop;
	(pc) =	sbr.ind lr, $3  }
0x3a: {  	_ = 	snop  }
0x3b: {  	_ = 	snop  }
0x3c: {  	p2 =	seq.s32 s10, $0x1;
	s10 =	sld [smem:$0x3FB0]  }
0x3d: {  	_ =	shalt  }
0x3e: {  	_ =	shalt  }
0x3f: {  	_ =	shalt  }
0x40: {  	_ =	shalt  }
0x41: {  	_ =	shalt  }
0x42: {  	_ =	shalt  }
0x43: {  	_ =	shalt  }
0x44: {  	_ =	shalt  }
0x45: {  	_ =	shalt  }
0x46: {  	_ =	shalt  }
0x47: {  	_ =	shalt  }
0x48: {  	_ =	shalt  }
0x49: {  	_ =	shalt  }
0x4a: {  	_ =	shalt  }
0x4b: {  	_ =	shalt  }
0x4c: {  	_ =	shalt  }
0x4d: {  	_ =	shalt  }
0x4e: {  	_ =	shalt  }
0x4f: {  	_ =	shalt  }
0x50: {  	_ =	shalt  }
0x51: {  	_ =	shalt  }
0x52: {  	_ =	shalt  }
0x53: {  	_ =	shalt  }
0x54: {  	_ =	shalt  }
0x55: {  	_ =	shalt  }
0x56: {  	_ =	shalt  }
0x57: {  	_ =	shalt  }
0x58: {  	_ =	shalt  }
0x59: {  	_ =	shalt  }
0x5a: {  	_ =	shalt  }
0x5b: {  	_ =	shalt  }
0x5c: {  	_ =	shalt  }
0x5d: {  	_ =	shalt  }
0x5e: {  	_ =	shalt  }
0x5f: {  	_ =	shalt  }
0x60: {  	_ =	shalt  }
0x61: {  	_ =	shalt  }
0x62: {  	_ =	shalt  }
0x63: {  	_ =	shalt  }
0x64: {  	_ =	shalt  }
0x65: {  	_ =	shalt  }
0x66: {  	_ =	shalt  }
0x67: {  	_ =	shalt  }
0x68: {  	_ =	shalt  }
0x69: {  	_ =	shalt  }
0x6a: {  	_ =	shalt  }
0x6b: {  	_ =	shalt  }
0x6c: {  	_ =	shalt  }
0x6d: {  	_ =	shalt  }
0x6e: {  	_ =	shalt  }
0x6f: {  	_ =	shalt  }
0x70: {  	_ =	shalt  }
0x71: {  	_ =	shalt  }
0x72: {  	_ =	shalt  }
0x73: {  	_ =	shalt  }
0x74: {  	_ =	shalt  }
0x75: {  	_ =	shalt  }
0x76: {  	_ =	shalt  }
0x77: {  	_ =	shalt  }
0x78: {  	_ =	shalt  }
0x79: {  	_ =	shalt  }
0x7a: {  	_ =	shalt  }
0x7b: {  	_ =	shalt  }
0x7c: {  	_ =	shalt  }
0x7d: {  	_ =	shalt  }
0x7e: {  	_ =	shalt  }
0x7f: {  	_ =	shalt  }
0x80: {  	_ =	shalt  }
0x81: {  	_ =	shalt  }
0x82: {  	_ =	shalt  }
0x83: {  	_ =	shalt  }
0x84: {  	_ =	shalt  }
0x85: {  	_ =	shalt  }
0x86: {  	_ =	shalt  }
0x87: {  	_ =	shalt  }
.Lfunc_end0:
.L_simem_size_0:
called_computation.1_lowered:
.L_overlay_start_0:
0x88: {  	s2 =	sld [smem:$0x3FD9]  }
0x89: {  	s3 =	sld [smem:$0x3FFE];
	_ =	sdelay $0x1  }
0x8a: {  	s1 =	srdreg.scid  }
0x8b: {  	s0 =	sand.u32 $0x1, s1  }
0x8c: {  	s16 =	sshll.u32 s0, $0xA;
	s2 =	sadd.s32 s3, s2  }
0x8d: {  	s2 =	sadd.s32 s2, s16  }
0x8e: {  	[smem:$0x3FBC] =	sst s2  }
0x8f: {  	_ = 	snop  }
0x90: {  	(tm) =	ssettm $0x1  }
0x91: {  	s17 =	sld [smem:$0x3FFB];
	_ =	sdelay $0x3  }
0x92: {  	_ =	strace s17  }
0x93: {  	s2 =	sld [smem:$0x3FFC];
	_ =	sdelay $0x3  }
0x94: {  	_ =	strace s2  }
0x95: {  	s2 =	sld [smem:$0x3FFD];
	_ =	sdelay $0x3  }
0x96: {  	_ =	strace s2  }
0x97: {  	_ =	strace $0x8FFFFFFF  }
0x98: {  	s18 =	sld [smem:$0x3FDB];
	_ =	sdelay $0x1  }
0x99: {  	s19 =	simm.s32 $_scs_section_size  }
0x9a: {  	s4 =	simm.s32 $_size__tile_overlayer_lowered;
	s5 =	simm.s32 $_tile_overlayer_lowered  }
0x9b: {  	s22 =	simm.s32 $0x1BFF;
	s21 =	sshll.u32 s5, $0x1;
	s2 =	sadd.s32 s19, s18  }
0x9c: {  	s6 =	simm.s32 $0x0;
	s20 =	sshll.u32 s4, $0x1;
	s4 =	sadd.s32 s21, s2  }
0x9d: {  	[timem:s6], [sflag:s22] =	dma.local [hbm:s4], s20  }
0x9e: {  	_ =	swait.ge [sflag:s22], s20  }
0x9f: {  	s3 =	ssub.s32 $0x0, s20;
	[sflag:s22] =	ssyncset.done $0x0  }
0xa0: {  	[sflag:s22] =	ssyncadd.s32 s3;
	_ =	sdelay $0x1  }
0xa1: {  	s23 =	simm.s32 $0x1B8B  }
0xa2: {  	_ =	swait.ge [sflag:s23], $0x1  }
0xa3: {  	[sflag:s23] =	ssyncset.done $0x0  }
0xa4: {  	s25 =	simm.s32 $0x1B8E;
	s24 =	sld [smem:$0x3FFE];
	[sflag:s23] =	ssyncadd.s32 $0xFFFFFFFF  }
0xa5: {  	s26 =	simm.s32 $execute0_lowered;
	[smem:$0x3FD2] =	sst s25  }
0xa6: {  	s4 =	sshll.u32 s26, $0x1;
	_ =	strace $0x80000049;
	[dreg:$0x1] =	wrdreg $0xFFFFFFFF  }
0xa7: {  	s28 =	simm.s32 $_size_execute0_lowered;
	s2 =	sadd.s32 s2, s4;
	[dreg:$0x0] =	wrdreg $0x0  }
0xa8: {  	s4 =	sshll.u32 s28, $0x1;
	[dreg:$0x2] =	wrdreg s2  }
0xa9: {  	[dreg:$0x3] =	wrdreg s4  }
0xaa: {  	[dreg:$0x4] =	wrdreg $0xC0  }
0xab: {  	_ =	task [dreg:s6], $0x5FFFF  }
0xac: {  	[dreg:$0x1] =	wrdreg $0xFFFFFFFF  }
0xad: {  	[dreg:$0x0] =	wrdreg $0x60  }
0xae: {  	[dreg:$0x2] =	wrdreg s24  }
0xaf: {  	[dreg:$0x3] =	wrdreg $0x0  }
0xb0: {  	[dreg:$0x4] =	wrdreg $0x9  }
0xb1: {  	_ =	task.clear_ibuf [dreg:s6], $0x5FFFF;
	_ =	strace $0x90000049  }
0xb2: {  	s29 =	simm.s32 $0x9;
	_ =	strace $0x8000004B  }
0xb3: {  	_ =	swait.ge [sflag:s29], $0x1  }
0xb4: {  	[sflag:s29] =	ssyncadd.s32 $0xFFFFFFFF  }
0xb5: {  	_ =	strace $0x9000004B  }
0xb6: {  	_ =	sfence  }
0xb7: {  	s30 =	sld [smem:$0x0];
	_ =	sdelay $0x2  }
0xb8: {  	s31 =	sshll.u32 s1, $0xD;
	s1 =	sshrl.u32 s1, $0x2  }
0xb9: {  	s3 =	sand.u32 $0x4000, s31;
	s1 =	sadd.s32 s1, s30  }
0xba: {  	s0 =	sor.u32 s3, s0;
	s1 =	sshll.u32 s1, $0x11  }
0xbb: {  	s0 =	sor.u32 s1, s0  }
0xbc: {  	s0 =	sadd.s32 $0x8F2B, s0  }
0xbd: {  	[sflag:s0] =	ssyncadd.remote.s32 $0x1  }
0xbe: {  	_ =	sfence.sel $0xFFFF  }
0xbf: {  	[dreg:$0x0] =	wrdreg $0xFFFFFFFF;
	(pc) =	sbr.abs _section_cstart, $3  }
0xc0: {  	[dreg:$0x1] =	wrdreg $0xFFFFFFFF  }
0xc1: {  	_ =	task.clear_ibuf [dreg:s6], $0x2FFFF;
	_ =	strace $0x9FFFFFFF  }
0xc2: {  	(tm) =	ssettm $0x7FFFFFFF  }
0xc3: {  	_ =	shalt  }
tec
execute0_lowered:
.L_overlay_start_1:
0x0: {  	(tag) =	ssettag $0x1  }
0x1: {  	s0 =	rddreg [dreg:$0x0]  }
0x2: {  	s2 =	rddreg [dreg:$0x1]  }
0x3: {  	s12 =	stileid.u32;
	s1 =	srdreg.scid  }
0x4: {  	s3 =	simm.s32 $0x0;
	s30 =	simm.s32 $0x18B80;
	s31 =	simm.s32 $0x20  }
0x5: {  	s13 =	simm.s32 $0x16A80;
	s28 =	simm.s32 $0x19080;
	s29 =	simm.s32 $0x19100  }
0x6: {  	s4 =	smul.u32 $0x278, s12;
	s1 =	sand.u32 $0x1, s1;
	[smem:$0x7FF] =	sst s3  }
0x7: {  	s15 =	sshll.u32 s12, $0x6;
	s6 =	smul.u32 $0x138800, s1;
	_ =	strace $0x8000004A  }
0x8: {  	s8 =	ssub.s32 $0x2, s1;
	p0 =	seq.s32 s1, $0x1;
	s5 =	smin.u32 s4, $0x2498  }
0x9: {  	s4 =	sadd.s32 $0x3D600, s0;
	s10 =	sshrl.u32 s8, $0x1;
	s7 =	sshll.u32 s5, $0x7  }
0xa: {  	s5 =	sadd.s32 $0x15E00, s0;
	s10 =	ssub.s32 s8, s10;
	s8 =	sor.u32 $0x1C10, s15  }
0xb: {  	s15 =	simm.s32 $0x1;
	s6 =	sadd.s32 s6, s7;
	s26 =	smax.u32 s10, $0x1  }
0xc: {  	[dreg:$0x11] =	wrdreg s8;
	s9 =	sshrl.u32 s6, $0x3;
	s6 =	smul.u32 $0x13C00, s12  }
0xd: {  	[dreg:$0xf] =	wrdreg s26;
	s11 =	sadd.s32 s9, s0;
	s14 =	sadd.s32 s4, s9  }
0xe: {  	[dreg:$0x3] =	wrdreg s14;
	s16 =	sshrl.u32 s6, $0x3;
	s25 =	sadd.s32 $0x8B800, s11  }
0xf: {  	s7 =	sadd.s32 s7, s2;
	s17 =	sadd.s32 s5, s16;
	[dreg:$0xe] =	wrdreg s25  }
0x10: {  	s10 =	simm.s32 $0x18A80;
	s9 =	sadd.s32 $0x10, s17;
	[dreg:$0x4] =	wrdreg s17  }
0x11: {  	s12 =	simm.s32 $0x18B00;
	s18 =	sadd.s32 $0x20, s17;
	[dreg:$0x5] =	wrdreg s9  }
0x12: {  	s26 =	simm.s32 $0x19000;
	s19 =	sadd.s32 $0x30, s17;
	[dreg:$0x6] =	wrdreg s18  }
0x13: {  	s11 =	simm.s32 $0x15A80;
	s20 =	sadd.s32 $0x40, s17;
	[dreg:$0x7] =	wrdreg s19  }
0x14: {  	s14 =	simm.s32 $0x0;
	s21 =	sadd.s32 $0x50, s17;
	[dreg:$0x8] =	wrdreg s20  }
0x15: {  	s25 =	simm.s32 $0x18F80;
	s22 =	sadd.s32 $0x60, s17;
	[dreg:$0x9] =	wrdreg s21  }
0x16: {  	s16 =	simm.s32 $0x2;
	s23 =	sadd.s32 $0x70, s17;
	[dreg:$0xa] =	wrdreg s22  }
0x17: {  	s24 =	sadd.s32 $0x80, s17;
	s1 =	sadd.s32 $0x90, s17;
	[dreg:$0xb] =	wrdreg s23  }
.Ltmp0:
0x18: {  	s17 =	simm.s32 $0x3;
	[dreg:$0xc] =	wrdreg s24;
	(pc) =	sbr.rel .LBB2_1-.Ltmp0, $4  }
0x19: {  	[dreg:$0xd] =	wrdreg s1;
	s19 =	sadd.s32 $0x64700, s0;
	s9 =	sshrl.u32 s7, $0x3  }
0x1a: {  	s23 =	simm.s32 $0x10;
	s0 =	simm.s32 $0x13A80;
	s7 =	simm.s32 $0x14A80  }
0x1b: {  	s24 =	simm.s32 $0x17A80;
	s18 =	simm.s32 $0x4;
	s20 =	simm.s32 $0x5  }
0x1c: {  	s21 =	simm.s32 $0x19180;
	s22 =	simm.s32 $0x18C80;
	[dreg:$0x10] =	wrdreg s9  }
.LBB2_6:
0x1d: {  	s1 =	simm.s32 $0x6  }
0x1e: {  	_ =	swait.ge [sflag:s1], $0x1000  }
0x1f: {  	[sflag:s1] =	ssyncset.done $0x0  }
0x20: {  	s10 =	simm.s32 $0x7;
	[sflag:s1] =	ssyncadd.s32 $0xFFFFF000  }
0x21: {  	_ =	swait.ge [sflag:s10], $0x1000  }
0x22: {  	[sflag:s10] =	ssyncset.done $0x0  }
0x23: {  	s12 =	simm.s32 $0x8;
	[sflag:s10] =	ssyncadd.s32 $0xFFFFF000  }
0x24: {  	_ =	swait.ge [sflag:s12], $0x1000  }
0x25: {  	[sflag:s12] =	ssyncset.done $0x0  }
0x26: {  	s8 =	simm.s32 $0x9;
	[sflag:s12] =	ssyncadd.s32 $0xFFFFF000  }
0x27: {  	_ =	swait.ge [sflag:s8], $0x1000  }
0x28: {  	[sflag:s8] =	ssyncset.done $0x0  }
0x29: {  	s9 =	simm.s32 $0xA;
	[sflag:s8] =	ssyncadd.s32 $0xFFFFF000  }
0x2a: {  	_ =	swait.ge [sflag:s9], $0x1000  }
0x2b: {  	[sflag:s9] =	ssyncset.done $0x0  }
0x2c: {  	[sflag:s9] =	ssyncadd.s32 $0xFFFFF000  }
0x2d: {  	[bflag:$0x0] =	sbarrier.arrive $0xFFFF  }
0x2e: {  	s8 =	rddreg [dreg:$0x11]  }
0x2f: {  	s10 =	rddreg [dreg:$0xe]  }
0x30: {  	s9 =	rddreg [dreg:$0x10]  }
0x31: {  	[hbm:s10], [sflag:s8] =	dma.local [spmem:s9], $0x2780  }
0x32: {  	_ =	swait.ge [sflag:s23], $0x2780  }
0x33: {  	s14 =	sadd.s32 $0x1, s14;
	s12 =	rddreg [dreg:$0xf]  }
0x34: {  	p1 =	sne.s32 s14, s12  }
.Ltmp1:
0x35: {  	_ = 	snop;
	(pc) =	sbr.rel @!p1 .LBB2_7-.Ltmp1, $3  }
0x36: {  	_ =	sdelay $0x1  }
0x37: {  	s30 =	simm.s32 $0x18B80;
	[sflag:s23] =	ssyncset.done $0x0  }
0x38: {  	s10 =	simm.s32 $0x18A80;
	[sflag:s23] =	ssyncadd.s32 $0xFFFFD880;
	s12 =	simm.s32 $0x18B00  }
.LBB2_1:
0x39: {  	s1 =	rddreg [dreg:$0x3]  }
0x3a: {  	[spmem:s9], [sflag:s8] =	dma.local [hbm:s1], $0x2780  }
0x3b: {  	_ =	swait.ge [sflag:s23], $0x2780  }
0x3c: {  	[sflag:s23] =	ssyncset.done $0x0  }
0x3d: {  	[sflag:s23] =	ssyncadd.s32 $0xFFFFD880  }
0x3e: {  	[bflag:$0x0] =	sbarrier.arrive $0xFFFF  }
0x3f: {  	s8 =	rddreg [dreg:$0x4]  }
0x40: {  	[tilespmem:s10], [sflag:$0xB] =	stream.linear.gather [hbm4b:s8+s3], $0x80, $0x38;
	[tilespmem:$0x19200] =	vst v63  }
0x41: {  	s9 =	rddreg [dreg:$0x5]  }
0x42: {  	[tilespmem:s12], [sflag:$0xC] =	stream.linear.gather [hbm4b:s9+s3], $0x80, $0x38;
	[tilespmem:$0x19200] =	vst v63  }
0x43: {  	s8 =	rddreg [dreg:$0x6]  }
0x44: {  	[tilespmem:s30], [sflag:$0xD] =	stream.linear.gather [hbm4b:s8+s3], $0x80, $0x38;
	[tilespmem:$0x19200] =	vst v63  }
0x45: {  	s9 =	rddreg [dreg:$0x7];
	s8 =	simm.s32 $0x18C00  }
0x46: {  	[tilespmem:s8], [sflag:$0xE] =	stream.linear.gather [hbm4b:s9+s3], $0x80, $0x38;
	[tilespmem:$0x19200] =	vst v63  }
0x47: {  	s9 =	rddreg [dreg:$0x8]  }
0x48: {  	[tilespmem:s22], [sflag:$0xF] =	stream.linear.gather [hbm4b:s9+s3], $0x80, $0x38;
	[tilespmem:$0x19200] =	vst v63  }
0x49: {  	s9 =	simm.s32 $0xB  }
0x4a: {  	_ =	swait.ge [sflag:s9], $0x80  }
0x4b: {  	[sflag:s9] =	ssyncset.done $0x0  }
0x4c: {  	[sflag:s9] =	ssyncadd.s32 $0xFFFFFF80  }
0x4d: {  	v0 =	vld [tilespmem:$0x18A80];
	_ =	sdelay $0x1  }
0x4e: {  	v1 =	vld [tilespmem:$0x18A90];
	_ =	sdelay $0x2  }
.Ltmp2:
0x4f: {  	v2 =	vand.u32 $0x3FFF, v0;
	(pc) =	sbr.rel @!p0 .LBB2_2-.Ltmp2, $4  }
0x50: {  	v0 =	vshrl.u32 v0, $0xE;
	[tilespmem:$0x18D00] =	vst v2  }
0x51: {  	v62 =	vand.u32 $0x3FFF, v1;
	[tilespmem:$0x18F80] =	vst v0  }
0x52: {  	v63 =	vshrl.u32 v1, $0xE;
	[tilespmem:$0x18D10] =	vst v62  }
0x53: {  	s1 =	simm.s32 $0x18D00;
	[tilespmem:$0x18F90] =	vst v63  }
0x54: {  	[tilespmem:s0], [sflag:$0x1] =	stream.indirect.gather [hbm4b:s19+s31], $0x80, s1, s31, $0xb8;
	[tilespmem:$0x19200] =	vst v63  }
0x55: {  	s9 =	simm.s32 $0x0;
	s1 =	rddreg [dreg:$0x9]  }
0x56: {  	[tilespmem:s10], [sflag:$0xB] =	stream.linear.gather [hbm4b:s1+s9], $0x80, $0x38;
	[tilespmem:$0x19200] =	vst v63  }
0x57: {  	s10 =	simm.s32 $0xC  }
0x58: {  	_ =	swait.ge [sflag:s10], $0x80  }
0x59: {  	[sflag:s10] =	ssyncset.done $0x0  }
0x5a: {  	[sflag:s10] =	ssyncadd.s32 $0xFFFFFF80  }
0x5b: {  	v0 =	vld [tilespmem:$0x18B00];
	_ =	sdelay $0x1  }
0x5c: {  	v1 =	vld [tilespmem:$0x18B10];
	_ =	sdelay $0x2  }
0x5d: {  	v2 =	vand.u32 $0x3FFF, v0  }
0x5e: {  	v0 =	vshrl.u32 v0, $0xE;
	[tilespmem:$0x18D80] =	vst v2  }
0x5f: {  	v47 =	vand.u32 $0x3FFF, v1;
	[tilespmem:$0x19000] =	vst v0  }
0x60: {  	v48 =	vshrl.u32 v1, $0xE;
	[tilespmem:$0x18D90] =	vst v47  }
0x61: {  	s10 =	simm.s32 $0x18D80;
	[tilespmem:$0x19010] =	vst v48  }
0x62: {  	[tilespmem:s7], [sflag:$0x2] =	stream.indirect.gather [hbm4b:s19+s31], $0x80, s10, s31, $0xb8;
	[tilespmem:$0x19200] =	vst v63  }
0x63: {  	s10 =	rddreg [dreg:$0xa]  }
0x64: {  	[tilespmem:s12], [sflag:$0xC] =	stream.linear.gather [hbm4b:s10+s9], $0x80, $0x38;
	[tilespmem:$0x19200] =	vst v63  }
0x65: {  	s10 =	simm.s32 $0xD  }
0x66: {  	_ =	swait.ge [sflag:s10], $0x80  }
0x67: {  	[sflag:s10] =	ssyncset.done $0x0  }
0x68: {  	[sflag:s10] =	ssyncadd.s32 $0xFFFFFF80  }
0x69: {  	v49 =	vld [tilespmem:$0x18B80];
	_ =	sdelay $0x1  }
0x6a: {  	v50 =	vld [tilespmem:$0x18B90];
	_ =	sdelay $0x2  }
0x6b: {  	v51 =	vand.u32 $0x3FFF, v49  }
0x6c: {  	v0 =	vshrl.u32 v49, $0xE;
	[tilespmem:$0x18E00] =	vst v51  }
0x6d: {  	v52 =	vand.u32 $0x3FFF, v50;
	[tilespmem:$0x19080] =	vst v0  }
0x6e: {  	v53 =	vshrl.u32 v50, $0xE;
	[tilespmem:$0x18E10] =	vst v52  }
0x6f: {  	s12 =	simm.s32 $0x18E00;
	[tilespmem:$0x19090] =	vst v53  }
0x70: {  	[tilespmem:s11], [sflag:$0x3] =	stream.indirect.gather [hbm4b:s19+s31], $0x80, s12, s31, $0xb8;
	[tilespmem:$0x19200] =	vst v63  }
0x71: {  	s10 =	rddreg [dreg:$0xb];
	s12 =	simm.s32 $0xE  }
0x72: {  	[tilespmem:s30], [sflag:$0xD] =	stream.linear.gather [hbm4b:s10+s9], $0x80, $0x38;
	[tilespmem:$0x19200] =	vst v63  }
0x73: {  	_ =	swait.ge [sflag:s12], $0x80  }
0x74: {  	[sflag:s12] =	ssyncset.done $0x0  }
0x75: {  	[sflag:s12] =	ssyncadd.s32 $0xFFFFFF80  }
0x76: {  	v54 =	vld [tilespmem:$0x18C00];
	_ =	sdelay $0x1  }
0x77: {  	v55 =	vld [tilespmem:$0x18C10];
	_ =	sdelay $0x2  }
0x78: {  	v56 =	vand.u32 $0x3FFF, v54  }
0x79: {  	v0 =	vshrl.u32 v54, $0xE;
	[tilespmem:$0x18E80] =	vst v56  }
0x7a: {  	v57 =	vand.u32 $0x3FFF, v55;
	[tilespmem:$0x19100] =	vst v0  }
0x7b: {  	v58 =	vshrl.u32 v55, $0xE;
	[tilespmem:$0x18E90] =	vst v57  }
0x7c: {  	s10 =	simm.s32 $0x18E80;
	[tilespmem:$0x19110] =	vst v58  }
0x7d: {  	[tilespmem:s13], [sflag:$0x4] =	stream.indirect.gather [hbm4b:s19+s31], $0x80, s10, s31, $0xb8;
	[tilespmem:$0x19200] =	vst v63  }
0x7e: {  	s12 =	rddreg [dreg:$0xc]  }
0x7f: {  	[tilespmem:s8], [sflag:$0xE] =	stream.linear.gather [hbm4b:s12+s9], $0x80, $0x38;
	[tilespmem:$0x19200] =	vst v63  }
0x80: {  	s8 =	simm.s32 $0xF  }
0x81: {  	_ =	swait.ge [sflag:s8], $0x80  }
0x82: {  	[sflag:s8] =	ssyncset.done $0x0  }
0x83: {  	[sflag:s8] =	ssyncadd.s32 $0xFFFFFF80  }
0x84: {  	v59 =	vld [tilespmem:$0x18C80];
	_ =	sdelay $0x1  }
0x85: {  	v60 =	vld [tilespmem:$0x18C90];
	_ =	sdelay $0x2  }
0x86: {  	v61 =	vand.u32 $0x3FFF, v59  }
0x87: {  	v0 =	vshrl.u32 v59, $0xE;
	[tilespmem:$0x18F00] =	vst v61  }
0x88: {  	v62 =	vand.u32 $0x3FFF, v60;
	[tilespmem:$0x19180] =	vst v0  }
0x89: {  	v63 =	vshrl.u32 v60, $0xE;
	[tilespmem:$0x18F10] =	vst v62  }
0x8a: {  	s10 =	simm.s32 $0x18F00;
	[tilespmem:$0x19190] =	vst v63  }
0x8b: {  	[tilespmem:s24], [sflag:$0x5] =	stream.indirect.gather [hbm4b:s19+s31], $0x80, s10, s31, $0xb8;
	[tilespmem:$0x19200] =	vst v63  }
0x8c: {  	s30 =	simm.s32 $0x700;
	s12 =	rddreg [dreg:$0xd]  }
0x8d: {  	[tilespmem:s22], [sflag:$0xF] =	stream.linear.gather [hbm4b:s12+s9], $0x80, $0x38;
	[tilespmem:$0x19200] =	vst v63  }
.LBB2_5:
0x8e: {  	_ =	swait.ge [sflag:s15], $0x1000  }
0x8f: {  	[sflag:s15] =	ssyncset.done $0x0  }
0x90: {  	[sflag:s15] =	ssyncadd.s32 $0xFFFFF000  }
0x91: {  	[spmem:s2] =	stream.indirect.scatter.add.f32 [tilespmem:s0], [sflag:$0x6], $0x80, s25, s31, $0xb8;
	[tilespmem:$0x19200] =	vst v63  }
0x92: {  	_ =	swait.ge [sflag:s16], $0x1000  }
0x93: {  	[sflag:s16] =	ssyncset.done $0x0  }
0x94: {  	[sflag:s16] =	ssyncadd.s32 $0xFFFFF000  }
0x95: {  	[spmem:s2] =	stream.indirect.scatter.add.f32 [tilespmem:s7], [sflag:$0x7], $0x80, s26, s31, $0xb8;
	[tilespmem:$0x19200] =	vst v63  }
0x96: {  	_ =	swait.ge [sflag:s17], $0x1000  }
0x97: {  	[sflag:s17] =	ssyncset.done $0x0  }
0x98: {  	[sflag:s17] =	ssyncadd.s32 $0xFFFFF000  }
0x99: {  	[spmem:s2] =	stream.indirect.scatter.add.f32 [tilespmem:s11], [sflag:$0x8], $0x80, s28, s31, $0xb8;
	[tilespmem:$0x19200] =	vst v63  }
0x9a: {  	_ =	swait.ge [sflag:s18], $0x1000  }
0x9b: {  	[sflag:s18] =	ssyncset.done $0x0  }
0x9c: {  	[sflag:s18] =	ssyncadd.s32 $0xFFFFF000  }
0x9d: {  	[spmem:s2] =	stream.indirect.scatter.add.f32 [tilespmem:s13], [sflag:$0x9], $0x80, s29, s31, $0xb8;
	[tilespmem:$0x19200] =	vst v63  }
0x9e: {  	_ =	swait.ge [sflag:s20], $0x1000  }
0x9f: {  	p1 =	seq.s32 s30, $0x13D00;
	[sflag:s20] =	ssyncset.done $0x0  }
0xa0: {  	s1 =	simm.s32 @!p1 $0x6;
	[sflag:s20] =	ssyncadd.s32 $0xFFFFF000  }
0xa1: {  	[spmem:s2] =	stream.indirect.scatter.add.f32 [tilespmem:s24], [sflag:$0xA], $0x80, s21, s31, $0xb8;
	[tilespmem:$0x19200] =	vst v63  }
0xa2: {  	_ =	swait.ge @!p1 [sflag:s1], $0x1000  }
0xa3: {  	[sflag:s1] =	ssyncset.done @!p1 $0x0  }
0xa4: {  	[sflag:s1] =	ssyncadd.s32 @!p1 $0xFFFFF000;
	s1 =	simm.s32 @!p1 $0xB  }
0xa5: {  	_ =	swait.ge @!p1 [sflag:s1], $0x80  }
0xa6: {  	[sflag:s1] =	ssyncset.done @!p1 $0x0  }
0xa7: {  	[sflag:s1] =	ssyncadd.s32 @!p1 $0xFFFFFF80  }
0xa8: {  	v0 =	vld @!p1 [tilespmem:$0x18A80];
	_ =	sdelay $0x1  }
0xa9: {  	v1 =	vld @!p1 [tilespmem:$0x18A90];
	_ =	sdelay $0x2  }
0xaa: {  	v2 =	vand.u32 @!p1 $0x3FFF, v0  }
0xab: {  	v0 =	vshrl.u32 @!p1 v0, $0xE;
	[tilespmem:$0x18D00] =	vst @!p1 v2  }
0xac: {  	[tilespmem:$0x18F80] =	vst @!p1 v0;
	v0 =	vand.u32 @!p1 $0x3FFF, v1  }
0xad: {  	s8 =	simm.s32 @!p1 $0x18D00;
	p2 =	sgt.u32 @!p1 s9, $0x7A;
	[tilespmem:$0x18D10] =	vst @!p1 v0;
	v0 =	vshrl.u32 @!p1 v1, $0xE  }
0xae: {  	s10 =	simm.s32 @!p1 $0x13A80;
	p2 =	por p2, p1;
	s1 =	simm.s32 @!p1 $0x20;
	[tilespmem:$0x18F90] =	vst @!p1 v0  }
0xaf: {  	[tilespmem:s10], [sflag:$0x1] =	stream.indirect.gather @!p1 [hbm4b:s19+s1], $0x80, s8, s1, $0xb8;
	[tilespmem:$0x19200] =	vst v63  }
0xb0: {  	s8 =	sadd.s32 @!p2 $0xFFFFFE00, s30  }
0xb1: {  	s10 =	sand.u32 @!p2 $0x3FC00, s8  }
0xb2: {  	s8 =	sand.u32 @!p2 $0x380, s8;
	s10 =	sadd.s32 @!p2 s6, s10  }
0xb3: {  	s8 =	sor.u32 @!p2 s8, s10  }
0xb4: {  	s8 =	sshrl.u32 @!p2 s8, $0x3  }
0xb5: {  	s12 =	simm.s32 @!p2 $0x18A80;
	s10 =	simm.s32 @!p2 $0x0;
	s8 =	sadd.s32 @!p2 s5, s8  }
0xb6: {  	[tilespmem:s12], [sflag:$0xB] =	stream.linear.gather @!p2 [hbm4b:s8+s10], $0x80, $0x38;
	[tilespmem:$0x19200] =	vst v63  }
0xb7: {  	s8 =	simm.s32 @!p1 $0x7  }
0xb8: {  	_ =	swait.ge @!p1 [sflag:s8], $0x1000  }
0xb9: {  	[sflag:s8] =	ssyncset.done @!p1 $0x0  }
0xba: {  	[sflag:s8] =	ssyncadd.s32 @!p1 $0xFFFFF000;
	s8 =	simm.s32 @!p1 $0xC  }
0xbb: {  	_ =	swait.ge @!p1 [sflag:s8], $0x80  }
0xbc: {  	[sflag:s8] =	ssyncset.done @!p1 $0x0  }
0xbd: {  	[sflag:s8] =	ssyncadd.s32 @!p1 $0xFFFFFF80  }
0xbe: {  	v0 =	vld @!p1 [tilespmem:$0x18B00];
	_ =	sdelay $0x1  }
0xbf: {  	v1 =	vld @!p1 [tilespmem:$0x18B10];
	_ =	sdelay $0x2  }
0xc0: {  	v2 =	vand.u32 @!p1 $0x3FFF, v0  }
0xc1: {  	v0 =	vshrl.u32 @!p1 v0, $0xE;
	[tilespmem:$0x18D80] =	vst @!p1 v2  }
0xc2: {  	[tilespmem:$0x19000] =	vst @!p1 v0;
	v0 =	vand.u32 @!p1 $0x3FFF, v1  }
0xc3: {  	[tilespmem:$0x18D90] =	vst @!p1 v0;
	v0 =	vshrl.u32 @!p1 v1, $0xE  }
0xc4: {  	s12 =	simm.s32 @!p1 $0x14A80;
	s8 =	simm.s32 @!p1 $0x18D80;
	[tilespmem:$0x19010] =	vst @!p1 v0  }
0xc5: {  	[tilespmem:s12], [sflag:$0x2] =	stream.indirect.gather @!p1 [hbm4b:s19+s1], $0x80, s8, s1, $0xb8;
	[tilespmem:$0x19200] =	vst v63  }
0xc6: {  	s8 =	sadd.s32 @!p2 $0xFFFFFE80, s30  }
0xc7: {  	s12 =	sand.u32 @!p2 $0x3FC00, s8  }
0xc8: {  	s8 =	sand.u32 @!p2 $0x380, s8;
	s12 =	sadd.s32 @!p2 s6, s12  }
0xc9: {  	s8 =	sor.u32 @!p2 s8, s12  }
0xca: {  	s8 =	sshrl.u32 @!p2 s8, $0x3  }
0xcb: {  	s12 =	simm.s32 @!p2 $0x18B00;
	s8 =	sadd.s32 @!p2 s5, s8  }
0xcc: {  	[tilespmem:s12], [sflag:$0xC] =	stream.linear.gather @!p2 [hbm4b:s8+s10], $0x80, $0x38;
	[tilespmem:$0x19200] =	vst v63  }
0xcd: {  	s8 =	simm.s32 @!p1 $0x8  }
0xce: {  	_ =	swait.ge @!p1 [sflag:s8], $0x1000  }
0xcf: {  	[sflag:s8] =	ssyncset.done @!p1 $0x0  }
0xd0: {  	[sflag:s8] =	ssyncadd.s32 @!p1 $0xFFFFF000;
	s8 =	simm.s32 @!p1 $0xD  }
0xd1: {  	_ =	swait.ge @!p1 [sflag:s8], $0x80  }
0xd2: {  	[sflag:s8] =	ssyncset.done @!p1 $0x0  }
0xd3: {  	[sflag:s8] =	ssyncadd.s32 @!p1 $0xFFFFFF80  }
0xd4: {  	v0 =	vld @!p1 [tilespmem:$0x18B80];
	_ =	sdelay $0x1  }
0xd5: {  	v1 =	vld @!p1 [tilespmem:$0x18B90];
	_ =	sdelay $0x2  }
0xd6: {  	v2 =	vand.u32 @!p1 $0x3FFF, v0  }
0xd7: {  	v0 =	vshrl.u32 @!p1 v0, $0xE;
	[tilespmem:$0x18E00] =	vst @!p1 v2  }
0xd8: {  	[tilespmem:$0x19080] =	vst @!p1 v0;
	v0 =	vand.u32 @!p1 $0x3FFF, v1  }
0xd9: {  	[tilespmem:$0x18E10] =	vst @!p1 v0;
	v0 =	vshrl.u32 @!p1 v1, $0xE  }
0xda: {  	s12 =	simm.s32 @!p1 $0x15A80;
	s8 =	simm.s32 @!p1 $0x18E00;
	[tilespmem:$0x19090] =	vst @!p1 v0  }
0xdb: {  	[tilespmem:s12], [sflag:$0x3] =	stream.indirect.gather @!p1 [hbm4b:s19+s1], $0x80, s8, s1, $0xb8;
	[tilespmem:$0x19200] =	vst v63  }
0xdc: {  	s8 =	sadd.s32 @!p2 $0xFFFFFF00, s30  }
0xdd: {  	s12 =	sand.u32 @!p2 $0x3FC00, s8  }
0xde: {  	s8 =	sand.u32 @!p2 $0x380, s8;
	s12 =	sadd.s32 @!p2 s6, s12  }
0xdf: {  	s8 =	sor.u32 @!p2 s8, s12  }
0xe0: {  	s8 =	sshrl.u32 @!p2 s8, $0x3  }
0xe1: {  	s12 =	simm.s32 @!p2 $0x18B80;
	s8 =	sadd.s32 @!p2 s5, s8  }
0xe2: {  	[tilespmem:s12], [sflag:$0xD] =	stream.linear.gather @!p2 [hbm4b:s8+s10], $0x80, $0x38;
	[tilespmem:$0x19200] =	vst v63  }
0xe3: {  	s8 =	simm.s32 @!p1 $0x9  }
0xe4: {  	_ =	swait.ge @!p1 [sflag:s8], $0x1000  }
0xe5: {  	[sflag:s8] =	ssyncset.done @!p1 $0x0  }
0xe6: {  	[sflag:s8] =	ssyncadd.s32 @!p1 $0xFFFFF000;
	s8 =	simm.s32 @!p1 $0xE  }
0xe7: {  	_ =	swait.ge @!p1 [sflag:s8], $0x80  }
0xe8: {  	[sflag:s8] =	ssyncset.done @!p1 $0x0  }
0xe9: {  	[sflag:s8] =	ssyncadd.s32 @!p1 $0xFFFFFF80  }
0xea: {  	v0 =	vld @!p1 [tilespmem:$0x18C00];
	_ =	sdelay $0x1  }
0xeb: {  	v1 =	vld @!p1 [tilespmem:$0x18C10];
	_ =	sdelay $0x2  }
0xec: {  	v2 =	vand.u32 @!p1 $0x3FFF, v0  }
0xed: {  	v0 =	vshrl.u32 @!p1 v0, $0xE;
	[tilespmem:$0x18E80] =	vst @!p1 v2  }
0xee: {  	[tilespmem:$0x19100] =	vst @!p1 v0;
	v0 =	vand.u32 @!p1 $0x3FFF, v1  }
0xef: {  	[tilespmem:$0x18E90] =	vst @!p1 v0;
	v0 =	vshrl.u32 @!p1 v1, $0xE  }
0xf0: {  	s12 =	simm.s32 @!p1 $0x16A80;
	s8 =	simm.s32 @!p1 $0x18E80;
	[tilespmem:$0x19110] =	vst @!p1 v0  }
0xf1: {  	[tilespmem:s12], [sflag:$0x4] =	stream.indirect.gather @!p1 [hbm4b:s19+s1], $0x80, s8, s1, $0xb8;
	[tilespmem:$0x19200] =	vst v63  }
0xf2: {  	s8 =	sadd.s32 @!p2 $0xFFFFFF80, s30  }
0xf3: {  	s12 =	sand.u32 @!p2 $0x3FC00, s8  }
0xf4: {  	s8 =	sand.u32 @!p2 $0x380, s8;
	s12 =	sadd.s32 @!p2 s6, s12  }
0xf5: {  	s8 =	sor.u32 @!p2 s8, s12  }
0xf6: {  	s8 =	sshrl.u32 @!p2 s8, $0x3  }
0xf7: {  	s12 =	simm.s32 @!p2 $0x18C00;
	s8 =	sadd.s32 @!p2 s5, s8  }
0xf8: {  	[tilespmem:s12], [sflag:$0xE] =	stream.linear.gather @!p2 [hbm4b:s8+s10], $0x80, $0x38;
	[tilespmem:$0x19200] =	vst v63  }
0xf9: {  	s8 =	simm.s32 @!p1 $0xA  }
0xfa: {  	_ =	swait.ge @!p1 [sflag:s8], $0x1000  }
0xfb: {  	[sflag:s8] =	ssyncset.done @!p1 $0x0  }
0xfc: {  	[sflag:s8] =	ssyncadd.s32 @!p1 $0xFFFFF000;
	s8 =	simm.s32 @!p1 $0xF  }
0xfd: {  	_ =	swait.ge @!p1 [sflag:s8], $0x80  }
0xfe: {  	[sflag:s8] =	ssyncset.done @!p1 $0x0  }
0xff: {  	[sflag:s8] =	ssyncadd.s32 @!p1 $0xFFFFFF80  }
0x100: {  	v0 =	vld @!p1 [tilespmem:$0x18C80];
	_ =	sdelay $0x1  }
0x101: {  	v1 =	vld @!p1 [tilespmem:$0x18C90];
	_ =	sdelay $0x2  }
0x102: {  	v2 =	vand.u32 @!p1 $0x3FFF, v0  }
0x103: {  	v0 =	vshrl.u32 @!p1 v0, $0xE;
	[tilespmem:$0x18F00] =	vst @!p1 v2  }
0x104: {  	[tilespmem:$0x19180] =	vst @!p1 v0;
	v0 =	vand.u32 @!p1 $0x3FFF, v1  }
0x105: {  	[tilespmem:$0x18F10] =	vst @!p1 v0;
	v0 =	vshrl.u32 @!p1 v1, $0xE  }
0x106: {  	s12 =	simm.s32 @!p1 $0x17A80;
	s8 =	simm.s32 @!p1 $0x18F00;
	[tilespmem:$0x19190] =	vst @!p1 v0  }
0x107: {  	[tilespmem:s12], [sflag:$0x5] =	stream.indirect.gather @!p1 [hbm4b:s19+s1], $0x80, s8, s1, $0xb8;
	[tilespmem:$0x19200] =	vst v63  }
0x108: {  	s1 =	sand.u32 @!p2 $0x3FC00, s30  }
0x109: {  	s8 =	sand.u32 @!p2 $0x380, s30;
	s1 =	sadd.s32 @!p2 s6, s1  }
0x10a: {  	s1 =	sor.u32 @!p2 s8, s1  }
0x10b: {  	s1 =	sshrl.u32 @!p2 s1, $0x3  }
0x10c: {  	s30 =	sadd.s32 @!p1 $0x280, s30;
	s8 =	simm.s32 @!p2 $0x18C80;
	s1 =	sadd.s32 @!p2 s5, s1  }
0x10d: {  	[tilespmem:s8], [sflag:$0xF] =	stream.linear.gather @!p2 [hbm4b:s1+s10], $0x80, $0x38;
	[tilespmem:$0x19200] =	vst v63  }
0x10e: {  	p2 =	sne.s32 @!p1 s30, $0x13F80  }
0x10f: {  	p2 =	por p1, !p2  }
.Ltmp3:
0x110: {  	_ = 	snop;
	(pc) =	sbr.rel @!p2 .LBB2_5-.Ltmp3, $2  }
0x111: {  	_ =	sdelay $0x2  }
0x112: {  	s9 =	sadd.s32 @!p1 $0x1, s9  }
.Ltmp4:
0x113: {  	_ = 	snop;
	(pc) =	sbr.rel .LBB2_6-.Ltmp4, $1  }
0x114: {  	_ =	sdelay $0x3  }
.LBB2_2:
0x115: {  	[tilespmem:s0], [sflag:$0x1] =	stream.indirect.gather [hbm4b:s4+s31], $0x80, s1, s31, $0xb8;
	[tilespmem:$0x19200] =	vst v63  }
0x116: {  	s9 =	simm.s32 $0x0;
	s1 =	rddreg [dreg:$0x9]  }
0x117: {  	[tilespmem:s10], [sflag:$0xB] =	stream.linear.gather [hbm4b:s1+s9], $0x80, $0x38;
	[tilespmem:$0x19200] =	vst v63  }
0x118: {  	s10 =	simm.s32 $0xC  }
0x119: {  	_ =	swait.ge [sflag:s10], $0x80  }
0x11a: {  	[sflag:s10] =	ssyncset.done $0x0  }
0x11b: {  	[sflag:s10] =	ssyncadd.s32 $0xFFFFFF80  }
0x11c: {  	v0 =	vld [tilespmem:$0x18B00];
	_ =	sdelay $0x1  }
0x11d: {  	v1 =	vld [tilespmem:$0x18B10];
	_ =	sdelay $0x2  }
0x11e: {  	v2 =	vand.u32 $0x3FFF, v0  }
0x11f: {  	v0 =	vshrl.u32 v0, $0xE;
	[tilespmem:$0x18D80] =	vst v2  }
0x120: {  	v47 =	vand.u32 $0x3FFF, v1;
	[tilespmem:$0x19000] =	vst v0  }
0x121: {  	v48 =	vshrl.u32 v1, $0xE;
	[tilespmem:$0x18D90] =	vst v47  }
0x122: {  	s10 =	simm.s32 $0x18D80;
	[tilespmem:$0x19010] =	vst v48  }
0x123: {  	[tilespmem:s7], [sflag:$0x2] =	stream.indirect.gather [hbm4b:s4+s31], $0x80, s10, s31, $0xb8;
	[tilespmem:$0x19200] =	vst v63  }
0x124: {  	s10 =	rddreg [dreg:$0xa]  }
0x125: {  	[tilespmem:s12], [sflag:$0xC] =	stream.linear.gather [hbm4b:s10+s9], $0x80, $0x38;
	[tilespmem:$0x19200] =	vst v63  }
0x126: {  	s10 =	simm.s32 $0xD  }
0x127: {  	_ =	swait.ge [sflag:s10], $0x80  }
0x128: {  	[sflag:s10] =	ssyncset.done $0x0  }
0x129: {  	[sflag:s10] =	ssyncadd.s32 $0xFFFFFF80  }
0x12a: {  	v49 =	vld [tilespmem:$0x18B80];
	_ =	sdelay $0x1  }
0x12b: {  	v50 =	vld [tilespmem:$0x18B90];
	_ =	sdelay $0x2  }
0x12c: {  	v51 =	vand.u32 $0x3FFF, v49  }
0x12d: {  	v0 =	vshrl.u32 v49, $0xE;
	[tilespmem:$0x18E00] =	vst v51  }
0x12e: {  	v52 =	vand.u32 $0x3FFF, v50;
	[tilespmem:$0x19080] =	vst v0  }
0x12f: {  	v53 =	vshrl.u32 v50, $0xE;
	[tilespmem:$0x18E10] =	vst v52  }
0x130: {  	s12 =	simm.s32 $0x18E00;
	[tilespmem:$0x19090] =	vst v53  }
0x131: {  	[tilespmem:s11], [sflag:$0x3] =	stream.indirect.gather [hbm4b:s4+s31], $0x80, s12, s31, $0xb8;
	[tilespmem:$0x19200] =	vst v63  }
0x132: {  	s10 =	rddreg [dreg:$0xb];
	s12 =	simm.s32 $0xE  }
0x133: {  	[tilespmem:s30], [sflag:$0xD] =	stream.linear.gather [hbm4b:s10+s9], $0x80, $0x38;
	[tilespmem:$0x19200] =	vst v63  }
0x134: {  	_ =	swait.ge [sflag:s12], $0x80  }
0x135: {  	[sflag:s12] =	ssyncset.done $0x0  }
0x136: {  	[sflag:s12] =	ssyncadd.s32 $0xFFFFFF80  }
0x137: {  	v54 =	vld [tilespmem:$0x18C00];
	_ =	sdelay $0x1  }
0x138: {  	v55 =	vld [tilespmem:$0x18C10];
	_ =	sdelay $0x2  }
0x139: {  	v56 =	vand.u32 $0x3FFF, v54  }
0x13a: {  	v0 =	vshrl.u32 v54, $0xE;
	[tilespmem:$0x18E80] =	vst v56  }
0x13b: {  	v57 =	vand.u32 $0x3FFF, v55;
	[tilespmem:$0x19100] =	vst v0  }
0x13c: {  	v58 =	vshrl.u32 v55, $0xE;
	[tilespmem:$0x18E90] =	vst v57  }
0x13d: {  	s10 =	simm.s32 $0x18E80;
	[tilespmem:$0x19110] =	vst v58  }
0x13e: {  	[tilespmem:s13], [sflag:$0x4] =	stream.indirect.gather [hbm4b:s4+s31], $0x80, s10, s31, $0xb8;
	[tilespmem:$0x19200] =	vst v63  }
0x13f: {  	s12 =	rddreg [dreg:$0xc]  }
0x140: {  	[tilespmem:s8], [sflag:$0xE] =	stream.linear.gather [hbm4b:s12+s9], $0x80, $0x38;
	[tilespmem:$0x19200] =	vst v63  }
0x141: {  	s8 =	simm.s32 $0xF  }
0x142: {  	_ =	swait.ge [sflag:s8], $0x80  }
0x143: {  	[sflag:s8] =	ssyncset.done $0x0  }
0x144: {  	[sflag:s8] =	ssyncadd.s32 $0xFFFFFF80  }
0x145: {  	v59 =	vld [tilespmem:$0x18C80];
	_ =	sdelay $0x1  }
0x146: {  	v60 =	vld [tilespmem:$0x18C90];
	_ =	sdelay $0x2  }
0x147: {  	v61 =	vand.u32 $0x3FFF, v59  }
0x148: {  	v0 =	vshrl.u32 v59, $0xE;
	[tilespmem:$0x18F00] =	vst v61  }
0x149: {  	v62 =	vand.u32 $0x3FFF, v60;
	[tilespmem:$0x19180] =	vst v0  }
0x14a: {  	v63 =	vshrl.u32 v60, $0xE;
	[tilespmem:$0x18F10] =	vst v62  }
0x14b: {  	s10 =	simm.s32 $0x18F00;
	[tilespmem:$0x19190] =	vst v63  }
0x14c: {  	[tilespmem:s24], [sflag:$0x5] =	stream.indirect.gather [hbm4b:s4+s31], $0x80, s10, s31, $0xb8;
	[tilespmem:$0x19200] =	vst v63  }
0x14d: {  	s30 =	simm.s32 $0x700;
	s12 =	rddreg [dreg:$0xd]  }
0x14e: {  	[tilespmem:s22], [sflag:$0xF] =	stream.linear.gather [hbm4b:s12+s9], $0x80, $0x38;
	[tilespmem:$0x19200] =	vst v63  }
.LBB2_3:
0x14f: {  	_ =	swait.ge [sflag:s15], $0x1000  }
0x150: {  	[sflag:s15] =	ssyncset.done $0x0  }
0x151: {  	[sflag:s15] =	ssyncadd.s32 $0xFFFFF000  }
0x152: {  	[spmem:s2] =	stream.indirect.scatter.add.f32 [tilespmem:s0], [sflag:$0x6], $0x80, s25, s31, $0xb8;
	[tilespmem:$0x19200] =	vst v63  }
0x153: {  	_ =	swait.ge [sflag:s16], $0x1000  }
0x154: {  	[sflag:s16] =	ssyncset.done $0x0  }
0x155: {  	[sflag:s16] =	ssyncadd.s32 $0xFFFFF000  }
0x156: {  	[spmem:s2] =	stream.indirect.scatter.add.f32 [tilespmem:s7], [sflag:$0x7], $0x80, s26, s31, $0xb8;
	[tilespmem:$0x19200] =	vst v63  }
0x157: {  	_ =	swait.ge [sflag:s17], $0x1000  }
0x158: {  	[sflag:s17] =	ssyncset.done $0x0  }
0x159: {  	[sflag:s17] =	ssyncadd.s32 $0xFFFFF000  }
0x15a: {  	[spmem:s2] =	stream.indirect.scatter.add.f32 [tilespmem:s11], [sflag:$0x8], $0x80, s28, s31, $0xb8;
	[tilespmem:$0x19200] =	vst v63  }
0x15b: {  	_ =	swait.ge [sflag:s18], $0x1000  }
0x15c: {  	[sflag:s18] =	ssyncset.done $0x0  }
0x15d: {  	[sflag:s18] =	ssyncadd.s32 $0xFFFFF000  }
0x15e: {  	[spmem:s2] =	stream.indirect.scatter.add.f32 [tilespmem:s13], [sflag:$0x9], $0x80, s29, s31, $0xb8;
	[tilespmem:$0x19200] =	vst v63  }
0x15f: {  	_ =	swait.ge [sflag:s20], $0x1000  }
0x160: {  	p1 =	seq.s32 s30, $0x13D00;
	[sflag:s20] =	ssyncset.done $0x0  }
0x161: {  	s1 =	simm.s32 @!p1 $0x6;
	[sflag:s20] =	ssyncadd.s32 $0xFFFFF000  }
0x162: {  	[spmem:s2] =	stream.indirect.scatter.add.f32 [tilespmem:s24], [sflag:$0xA], $0x80, s21, s31, $0xb8;
	[tilespmem:$0x19200] =	vst v63  }
0x163: {  	_ =	swait.ge @!p1 [sflag:s1], $0x1000  }
0x164: {  	[sflag:s1] =	ssyncset.done @!p1 $0x0  }
0x165: {  	[sflag:s1] =	ssyncadd.s32 @!p1 $0xFFFFF000;
	s1 =	simm.s32 @!p1 $0xB  }
0x166: {  	_ =	swait.ge @!p1 [sflag:s1], $0x80  }
0x167: {  	[sflag:s1] =	ssyncset.done @!p1 $0x0  }
0x168: {  	[sflag:s1] =	ssyncadd.s32 @!p1 $0xFFFFFF80  }
0x169: {  	v0 =	vld @!p1 [tilespmem:$0x18A80];
	_ =	sdelay $0x1  }
0x16a: {  	v1 =	vld @!p1 [tilespmem:$0x18A90];
	_ =	sdelay $0x2  }
0x16b: {  	v2 =	vand.u32 @!p1 $0x3FFF, v0  }
0x16c: {  	v0 =	vshrl.u32 @!p1 v0, $0xE;
	[tilespmem:$0x18D00] =	vst @!p1 v2  }
0x16d: {  	[tilespmem:$0x18F80] =	vst @!p1 v0;
	v0 =	vand.u32 @!p1 $0x3FFF, v1  }
0x16e: {  	s10 =	simm.s32 @!p1 $0x18D00;
	p2 =	sgt.u32 @!p1 s9, $0x7A;
	[tilespmem:$0x18D10] =	vst @!p1 v0;
	v0 =	vshrl.u32 @!p1 v1, $0xE  }
0x16f: {  	s12 =	simm.s32 @!p1 $0x13A80;
	p2 =	por p2, p1;
	s1 =	simm.s32 @!p1 $0x20;
	[tilespmem:$0x18F90] =	vst @!p1 v0  }
0x170: {  	[tilespmem:s12], [sflag:$0x1] =	stream.indirect.gather @!p1 [hbm4b:s4+s1], $0x80, s10, s1, $0xb8;
	[tilespmem:$0x19200] =	vst v63  }
0x171: {  	s10 =	sadd.s32 @!p2 $0xFFFFFE00, s30  }
0x172: {  	s12 =	sand.u32 @!p2 $0x3FC00, s10  }
0x173: {  	s10 =	sand.u32 @!p2 $0x380, s10;
	s12 =	sadd.s32 @!p2 s6, s12  }
0x174: {  	s10 =	sor.u32 @!p2 s10, s12  }
0x175: {  	s10 =	sshrl.u32 @!p2 s10, $0x3  }
0x176: {  	s8 =	simm.s32 @!p2 $0x18A80;
	s12 =	sadd.s32 @!p2 s5, s10;
	s10 =	simm.s32 @!p2 $0x0  }
0x177: {  	[tilespmem:s8], [sflag:$0xB] =	stream.linear.gather @!p2 [hbm4b:s12+s10], $0x80, $0x38;
	[tilespmem:$0x19200] =	vst v63  }
0x178: {  	s8 =	simm.s32 @!p1 $0x7  }
0x179: {  	_ =	swait.ge @!p1 [sflag:s8], $0x1000  }
0x17a: {  	[sflag:s8] =	ssyncset.done @!p1 $0x0  }
0x17b: {  	[sflag:s8] =	ssyncadd.s32 @!p1 $0xFFFFF000;
	s8 =	simm.s32 @!p1 $0xC  }
0x17c: {  	_ =	swait.ge @!p1 [sflag:s8], $0x80  }
0x17d: {  	[sflag:s8] =	ssyncset.done @!p1 $0x0  }
0x17e: {  	[sflag:s8] =	ssyncadd.s32 @!p1 $0xFFFFFF80  }
0x17f: {  	v0 =	vld @!p1 [tilespmem:$0x18B00];
	_ =	sdelay $0x1  }
0x180: {  	v1 =	vld @!p1 [tilespmem:$0x18B10];
	_ =	sdelay $0x2  }
0x181: {  	v2 =	vand.u32 @!p1 $0x3FFF, v0  }
0x182: {  	v0 =	vshrl.u32 @!p1 v0, $0xE;
	[tilespmem:$0x18D80] =	vst @!p1 v2  }
0x183: {  	[tilespmem:$0x19000] =	vst @!p1 v0;
	v0 =	vand.u32 @!p1 $0x3FFF, v1  }
0x184: {  	[tilespmem:$0x18D90] =	vst @!p1 v0;
	v0 =	vshrl.u32 @!p1 v1, $0xE  }
0x185: {  	s12 =	simm.s32 @!p1 $0x14A80;
	s8 =	simm.s32 @!p1 $0x18D80;
	[tilespmem:$0x19010] =	vst @!p1 v0  }
0x186: {  	[tilespmem:s12], [sflag:$0x2] =	stream.indirect.gather @!p1 [hbm4b:s4+s1], $0x80, s8, s1, $0xb8;
	[tilespmem:$0x19200] =	vst v63  }
0x187: {  	s8 =	sadd.s32 @!p2 $0xFFFFFE80, s30  }
0x188: {  	s12 =	sand.u32 @!p2 $0x3FC00, s8  }
0x189: {  	s8 =	sand.u32 @!p2 $0x380, s8;
	s12 =	sadd.s32 @!p2 s6, s12  }
0x18a: {  	s8 =	sor.u32 @!p2 s8, s12  }
0x18b: {  	s8 =	sshrl.u32 @!p2 s8, $0x3  }
0x18c: {  	s12 =	simm.s32 @!p2 $0x18B00;
	s8 =	sadd.s32 @!p2 s5, s8  }
0x18d: {  	[tilespmem:s12], [sflag:$0xC] =	stream.linear.gather @!p2 [hbm4b:s8+s10], $0x80, $0x38;
	[tilespmem:$0x19200] =	vst v63  }
0x18e: {  	s8 =	simm.s32 @!p1 $0x8  }
0x18f: {  	_ =	swait.ge @!p1 [sflag:s8], $0x1000  }
0x190: {  	[sflag:s8] =	ssyncset.done @!p1 $0x0  }
0x191: {  	[sflag:s8] =	ssyncadd.s32 @!p1 $0xFFFFF000;
	s8 =	simm.s32 @!p1 $0xD  }
0x192: {  	_ =	swait.ge @!p1 [sflag:s8], $0x80  }
0x193: {  	[sflag:s8] =	ssyncset.done @!p1 $0x0  }
0x194: {  	[sflag:s8] =	ssyncadd.s32 @!p1 $0xFFFFFF80  }
0x195: {  	v0 =	vld @!p1 [tilespmem:$0x18B80];
	_ =	sdelay $0x1  }
0x196: {  	v1 =	vld @!p1 [tilespmem:$0x18B90];
	_ =	sdelay $0x2  }
0x197: {  	v2 =	vand.u32 @!p1 $0x3FFF, v0  }
0x198: {  	v0 =	vshrl.u32 @!p1 v0, $0xE;
	[tilespmem:$0x18E00] =	vst @!p1 v2  }
0x199: {  	[tilespmem:$0x19080] =	vst @!p1 v0;
	v0 =	vand.u32 @!p1 $0x3FFF, v1  }
0x19a: {  	[tilespmem:$0x18E10] =	vst @!p1 v0;
	v0 =	vshrl.u32 @!p1 v1, $0xE  }
0x19b: {  	s12 =	simm.s32 @!p1 $0x15A80;
	s8 =	simm.s32 @!p1 $0x18E00;
	[tilespmem:$0x19090] =	vst @!p1 v0  }
0x19c: {  	[tilespmem:s12], [sflag:$0x3] =	stream.indirect.gather @!p1 [hbm4b:s4+s1], $0x80, s8, s1, $0xb8;
	[tilespmem:$0x19200] =	vst v63  }
0x19d: {  	s8 =	sadd.s32 @!p2 $0xFFFFFF00, s30  }
0x19e: {  	s12 =	sand.u32 @!p2 $0x3FC00, s8  }
0x19f: {  	s8 =	sand.u32 @!p2 $0x380, s8;
	s12 =	sadd.s32 @!p2 s6, s12  }
0x1a0: {  	s8 =	sor.u32 @!p2 s8, s12  }
0x1a1: {  	s8 =	sshrl.u32 @!p2 s8, $0x3  }
0x1a2: {  	s12 =	simm.s32 @!p2 $0x18B80;
	s8 =	sadd.s32 @!p2 s5, s8  }
0x1a3: {  	[tilespmem:s12], [sflag:$0xD] =	stream.linear.gather @!p2 [hbm4b:s8+s10], $0x80, $0x38;
	[tilespmem:$0x19200] =	vst v63  }
0x1a4: {  	s8 =	simm.s32 @!p1 $0x9  }
0x1a5: {  	_ =	swait.ge @!p1 [sflag:s8], $0x1000  }
0x1a6: {  	[sflag:s8] =	ssyncset.done @!p1 $0x0  }
0x1a7: {  	[sflag:s8] =	ssyncadd.s32 @!p1 $0xFFFFF000;
	s8 =	simm.s32 @!p1 $0xE  }
0x1a8: {  	_ =	swait.ge @!p1 [sflag:s8], $0x80  }
0x1a9: {  	[sflag:s8] =	ssyncset.done @!p1 $0x0  }
0x1aa: {  	[sflag:s8] =	ssyncadd.s32 @!p1 $0xFFFFFF80  }
0x1ab: {  	v0 =	vld @!p1 [tilespmem:$0x18C00];
	_ =	sdelay $0x1  }
0x1ac: {  	v1 =	vld @!p1 [tilespmem:$0x18C10];
	_ =	sdelay $0x2  }
0x1ad: {  	v2 =	vand.u32 @!p1 $0x3FFF, v0  }
0x1ae: {  	v0 =	vshrl.u32 @!p1 v0, $0xE;
	[tilespmem:$0x18E80] =	vst @!p1 v2  }
0x1af: {  	[tilespmem:$0x19100] =	vst @!p1 v0;
	v0 =	vand.u32 @!p1 $0x3FFF, v1  }
0x1b0: {  	[tilespmem:$0x18E90] =	vst @!p1 v0;
	v0 =	vshrl.u32 @!p1 v1, $0xE  }
0x1b1: {  	s12 =	simm.s32 @!p1 $0x16A80;
	s8 =	simm.s32 @!p1 $0x18E80;
	[tilespmem:$0x19110] =	vst @!p1 v0  }
0x1b2: {  	[tilespmem:s12], [sflag:$0x4] =	stream.indirect.gather @!p1 [hbm4b:s4+s1], $0x80, s8, s1, $0xb8;
	[tilespmem:$0x19200] =	vst v63  }
0x1b3: {  	s8 =	sadd.s32 @!p2 $0xFFFFFF80, s30  }
0x1b4: {  	s12 =	sand.u32 @!p2 $0x3FC00, s8  }
0x1b5: {  	s8 =	sand.u32 @!p2 $0x380, s8;
	s12 =	sadd.s32 @!p2 s6, s12  }
0x1b6: {  	s8 =	sor.u32 @!p2 s8, s12  }
0x1b7: {  	s8 =	sshrl.u32 @!p2 s8, $0x3  }
0x1b8: {  	s12 =	simm.s32 @!p2 $0x18C00;
	s8 =	sadd.s32 @!p2 s5, s8  }
0x1b9: {  	[tilespmem:s12], [sflag:$0xE] =	stream.linear.gather @!p2 [hbm4b:s8+s10], $0x80, $0x38;
	[tilespmem:$0x19200] =	vst v63  }
0x1ba: {  	s8 =	simm.s32 @!p1 $0xA  }
0x1bb: {  	_ =	swait.ge @!p1 [sflag:s8], $0x1000  }
0x1bc: {  	[sflag:s8] =	ssyncset.done @!p1 $0x0  }
0x1bd: {  	[sflag:s8] =	ssyncadd.s32 @!p1 $0xFFFFF000;
	s8 =	simm.s32 @!p1 $0xF  }
0x1be: {  	_ =	swait.ge @!p1 [sflag:s8], $0x80  }
0x1bf: {  	[sflag:s8] =	ssyncset.done @!p1 $0x0  }
0x1c0: {  	[sflag:s8] =	ssyncadd.s32 @!p1 $0xFFFFFF80  }
0x1c1: {  	v0 =	vld @!p1 [tilespmem:$0x18C80];
	_ =	sdelay $0x1  }
0x1c2: {  	v1 =	vld @!p1 [tilespmem:$0x18C90];
	_ =	sdelay $0x2  }
0x1c3: {  	v2 =	vand.u32 @!p1 $0x3FFF, v0  }
0x1c4: {  	v0 =	vshrl.u32 @!p1 v0, $0xE;
	[tilespmem:$0x18F00] =	vst @!p1 v2  }
0x1c5: {  	[tilespmem:$0x19180] =	vst @!p1 v0;
	v0 =	vand.u32 @!p1 $0x3FFF, v1  }
0x1c6: {  	[tilespmem:$0x18F10] =	vst @!p1 v0;
	v0 =	vshrl.u32 @!p1 v1, $0xE  }
0x1c7: {  	s12 =	simm.s32 @!p1 $0x17A80;
	s8 =	simm.s32 @!p1 $0x18F00;
	[tilespmem:$0x19190] =	vst @!p1 v0  }
0x1c8: {  	[tilespmem:s12], [sflag:$0x5] =	stream.indirect.gather @!p1 [hbm4b:s4+s1], $0x80, s8, s1, $0xb8;
	[tilespmem:$0x19200] =	vst v63  }
0x1c9: {  	s1 =	sand.u32 @!p2 $0x3FC00, s30  }
0x1ca: {  	s8 =	sand.u32 @!p2 $0x380, s30;
	s1 =	sadd.s32 @!p2 s6, s1  }
0x1cb: {  	s1 =	sor.u32 @!p2 s8, s1  }
0x1cc: {  	s1 =	sshrl.u32 @!p2 s1, $0x3  }
0x1cd: {  	s30 =	sadd.s32 @!p1 $0x280, s30;
	s8 =	simm.s32 @!p2 $0x18C80;
	s1 =	sadd.s32 @!p2 s5, s1  }
0x1ce: {  	[tilespmem:s8], [sflag:$0xF] =	stream.linear.gather @!p2 [hbm4b:s1+s10], $0x80, $0x38;
	[tilespmem:$0x19200] =	vst v63  }
0x1cf: {  	p2 =	seq.s32 @!p1 s30, $0x13F80  }
0x1d0: {  	p2 =	por p1, p2  }
.Ltmp5:
0x1d1: {  	_ = 	snop;
	(pc) =	sbr.rel @!p2 .LBB2_3-.Ltmp5, $2  }
0x1d2: {  	_ =	sdelay $0x2  }
0x1d3: {  	s9 =	sadd.s32 @!p1 $0x1, s9  }
.Ltmp6:
0x1d4: {  	_ = 	snop;
	(pc) =	sbr.rel .LBB2_6-.Ltmp6, $1  }
0x1d5: {  	_ =	sdelay $0x3  }
.LBB2_7:
0x1d6: {  	_ =	sfence.sel $0x180000  }
0x1d7: {  	[bflag:$0x0] =	sbarrier.arrive $0xFFFF  }
0x1d8: {  	_ =	strace $0x9000004A  }
0x1d9: {  	s0 =	stileid.u32;
	[bflag:$0x2] =	sbarrier.arrive $0xFFFF  }
0x1da: {  	p0 =	sne.s32 s0, $0x0;
	s0 =	rddreg [dreg:$0x2]  }
0x1db: {  	s0 =	sadd.s32 @!p0 $0x100000, s0  }
0x1dc: {  	[sflag:s0] =	ssyncadd.tile.s32 @!p0 $0x1;
	_ =	shalt  }
.Lfunc_end2:
_tile_overlayer_lowered:
.L_overlay_start_2:
0x1dd: {  	(tag) =	ssettag $0x2  }
0x1de: {  	s0 =	rddreg [dreg:$0x0];
	s2 =	stileid.u32  }
0x1df: {  	s1 =	rddreg [dreg:$0x1];
	p0 =	sne.s32 s2, $0x0  }
0x1e0: {  	s3 =	rddreg [dreg:$0x2];
	[bflag:$0x3] =	sbarrier.arrive $0xFFFF;
	s2 =	simm.s32 @!p0 $0x1C10  }
0x1e1: {  	[timem:s3], [sflag:s2] =	dma.local @!p0 [hbm:s0], s1  }
0x1e2: {  	s0 =	simm.s32 @!p0 $0x10  }
0x1e3: {  	_ =	swait.ge @!p0 [sflag:s0], s1  }
0x1e4: {  	s1 =	ssub.s32 @!p0 $0x0, s1;
	[sflag:s0] =	ssyncset.done @!p0 $0x0  }
0x1e5: {  	[sflag:s0] =	ssyncadd.s32 @!p0 s1  }
0x1e6: {  	[bflag:$0x3] =	sbarrier.arrive $0xFFFF  }
0x1e7: {  	_ =	shalt  }

</sc_bundles>
